<compile_context>
chip_gen: v7x
topology: tpu7x:2x2x1
jax: 0.10.2.dev20260603
libtpu: 0.0.44.dev20260713+nightly
codegen_flags: <defaults>
</compile_context>

<pallas_src>
import functools

import jax
import jax.numpy as jnp
from jax import lax
from jax.experimental import pallas as pl
from jax.experimental.pallas import tpu as pltpu
from jax.experimental.pallas import tpu_sc as plsc

IN_F = 4096
OUT_F = 4096
W_ELEMS = OUT_F * IN_F

NUM_CORES = 2
NUM_SUBCORES = 16
WIN = 2 ** 20
SLICE = WIN // NUM_SUBCORES
ZCHUNK = 8192
DMA_E = 128


def _densify(coords_p, weights_p, base_win, num_win):
    n = coords_p.shape[0]
    chunk = n // NUM_SUBCORES
    ndma = chunk // DMA_E
    passes = num_win // NUM_CORES

    mesh = plsc.VectorSubcoreMesh(core_axis_name="c", subcore_axis_name="s")

    @functools.partial(
        pl.kernel,
        out_type=jax.ShapeDtypeStruct((num_win * WIN,), jnp.float32),
        mesh=mesh,
        scratch_types=[
            pltpu.VMEM((chunk,), jnp.int32),
            pltpu.VMEM((chunk,), jnp.float32),
            pltpu.VMEM((ndma, DMA_E), jnp.int32),
            pltpu.VMEM((chunk,), jnp.float32),
            pltpu.VMEM((ZCHUNK,), jnp.float32),
            pltpu.VMEM_SHARED((WIN,), jnp.float32),
            pltpu.SemaphoreType.DMA,
        ],
    )
    def densify_kernel(coords_hbm, weights_hbm, w_hbm,
                       c_v, w_v, idx_v, val_v, z_v, win_sh, sem):
        c = lax.axis_index("c")
        s = lax.axis_index("s")
        chunk_off = s * chunk
        slice_off = s * SLICE
        pltpu.sync_copy(coords_hbm.at[pl.ds(chunk_off, chunk)], c_v)
        pltpu.sync_copy(weights_hbm.at[pl.ds(chunk_off, chunk)], w_v)

        def zbody(i, carry):
            z_v[pl.ds(i * 16, 16)] = jnp.zeros((16,), jnp.float32)
            return carry
        lax.fori_loop(0, ZCHUNK // 16, zbody, 0)

        lanes = lax.broadcasted_iota(jnp.int32, (16,), 0)

        for p in range(passes):
            local_win = p * NUM_CORES + c
            ebase = (base_win + local_win) * WIN
            obase = local_win * WIN

            for q in range(SLICE // ZCHUNK):
                pltpu.sync_copy(z_v, win_sh.at[pl.ds(slice_off + q * ZCHUNK, ZCHUNK)])

            def fbody(i, carry):
                cs = c_v[pl.ds(i * 16, 16)]
                ws = w_v[pl.ds(i * 16, 16)]
                loc = cs - ebase
                m = (loc >= 0) & (loc < WIN)
                dump = chunk_off + i * 16 + lanes
                idx_v[i // 8, pl.ds((i % 8) * 16, 16)] = jnp.where(m, loc, dump)
                val_v[pl.ds(i * 16, 16)] = jnp.where(m, ws, jnp.float32(0.0))
                return carry
            lax.fori_loop(0, chunk // 16, fbody, 0)

            plsc.subcore_barrier()

            def dbody(j, carry):
                pltpu.async_copy(val_v.at[pl.ds(j * DMA_E, DMA_E)],
                                 win_sh.at[idx_v.at[j]], sem, add=True)
                return carry
            lax.fori_loop(0, ndma, dbody, 0)
            pltpu.make_async_copy(weights_hbm.at[pl.ds(0, chunk)], val_v, sem).wait()

            plsc.subcore_barrier()

            pltpu.sync_copy(win_sh.at[pl.ds(slice_off, SLICE)],
                            w_hbm.at[pl.ds(obase + slice_off, SLICE)])

    return densify_kernel(coords_p, weights_p)


def _retile_body(f_ref, o_ref):
    o_ref[...] = f_ref[...].reshape(o_ref.shape).astype(jnp.bfloat16)


def _retile(w_flat, rows, br=128):
    return pl.pallas_call(
        _retile_body,
        grid=(rows // br,),
        in_specs=[pl.BlockSpec((br * IN_F,), lambda i: (i,))],
        out_specs=pl.BlockSpec((br, IN_F), lambda i: (i, 0)),
        out_shape=jax.ShapeDtypeStruct((rows, IN_F), jnp.bfloat16),
    )(w_flat)


def _mm_first_body(x_ref, w_ref, o_ref):
    xb = x_ref[...].astype(jnp.bfloat16)
    o_ref[...] = jax.lax.dot_general(
        xb, w_ref[...], (((1,), (1,)), ((), ())),
        preferred_element_type=jnp.float32)


def _mm_rest_body(prev_ref, x_ref, w_ref, o_ref):
    del prev_ref
    xb = x_ref[...].astype(jnp.bfloat16)
    o_ref[...] = jax.lax.dot_general(
        xb, w_ref[...], (((1,), (1,)), ((), ())),
        preferred_element_type=jnp.float32)


def _matmul_half(x2d, w_half, col_block, prev_out=None, bm=512):
    m = x2d.shape[0]
    bn = w_half.shape[0]
    grid = (m // bm,)
    x_spec = pl.BlockSpec((bm, IN_F), lambda i: (i, 0))
    w_spec = pl.BlockSpec((bn, IN_F), lambda i: (0, 0))
    out_spec = pl.BlockSpec((bm, bn), lambda i, _c=col_block: (i, _c))
    out_shape = jax.ShapeDtypeStruct((m, OUT_F), jnp.float32)
    if prev_out is None:
        return pl.pallas_call(
            _mm_first_body,
            grid=grid,
            in_specs=[x_spec, w_spec],
            out_specs=out_spec,
            out_shape=out_shape,
        )(x2d, w_half)
    return pl.pallas_call(
        _mm_rest_body,
        grid=grid,
        in_specs=[pl.BlockSpec(memory_space=pl.ANY), x_spec, w_spec],
        out_specs=out_spec,
        out_shape=out_shape,
        input_output_aliases={0: 0},
    )(prev_out, x2d, w_half)


def kernel(x, coords, weights):
    coords = coords.astype(jnp.int32)
    w32 = weights.astype(jnp.float32)
    nnz = coords.shape[0]
    unit = NUM_SUBCORES * DMA_E
    n_pad = ((nnz + unit - 1) // unit) * unit
    coords_p = jnp.pad(coords, (0, n_pad - nnz))
    w_p = jnp.pad(w32, (0, n_pad - nnz))

    rows_per_win = WIN // IN_F
    segments = [(0, 4), (4, 4), (8, 8)]

    orig_shape = x.shape
    x2d = x.reshape(-1, IN_F)

    out = None
    for w0, nw in segments:
        w_flat_h = _densify(coords_p, w_p, w0, nw)
        rows = nw * rows_per_win
        w_bf16_h = _retile(w_flat_h, rows)
        out = _matmul_half(x2d, w_bf16_h, (w0 * rows_per_win) // rows,
                           prev_out=out)

    return out.reshape(orig_shape[:-1] + (OUT_F,)).astype(x.dtype)

# --- scband reference (transcript-rebuilt; emitter-appended) ---
"""Pipeline reference for scband-holo-linear-79809082294771 (READ-ONLY COPY).

The authoritative reference and input builder live on the scoring server;
editing this copy changes nothing except your own understanding.
"""

import jax, jax.numpy as jnp
import numpy as np

IN_FEATURES = 4096
OUT_FEATURES = 4096
NNZ = 167772

def setup_inputs(seed: int = 0) -> dict:
    key = jax.random.key(seed)
    k1, k2, k3 = jax.random.split(key, 3)
    x = jax.random.normal(k1, (4, 2048, IN_FEATURES), dtype=jnp.float32)
    coords = jax.random.randint(k2, (NNZ,), 0, IN_FEATURES * OUT_FEATURES).astype(jnp.int64)
    weights = (jax.random.normal(k3, (NNZ,), dtype=jnp.float32) * 0.02).astype(jnp.float16)
    return {"x": x, "coords": coords, "weights": weights}

def reference(x, coords, weights):
    # HoloLinear forward: SpMV with holographically-stored sparse weights.
    # coords are linearized indices into the (out_features, in_features) weight
    # matrix; weights are fp16 values. The OpenCL kernel performs, per nonzero e:
    #   out[row(e)] += w[e] * in[col(e)]   (fp32 accumulation)
    # which is mathematically identical to densifying W via scatter-add and
    # doing a dense matmul in fp32.
    rows = coords // IN_FEATURES
    cols = coords % IN_FEATURES
    W = jnp.zeros((OUT_FEATURES, IN_FEATURES), dtype=jnp.float32).at[rows, cols].add(weights.astype(jnp.float32))
    original_shape = x.shape
    x_flat = x.reshape(-1, IN_FEATURES).astype(jnp.float32)
    out_flat = x_flat @ W.T
    out = out_flat.reshape(original_shape[:-1] + (OUT_FEATURES,))
    # bias=False in this configuration; final cast back to input dtype
    return out.astype(x.dtype)

if __name__ == "__main__":
    import jax
    _d = setup_inputs()
    print(jax.jit(kernel)(*tuple(_d.values())))

</pallas_src>

<mosaic_0001>
#map = affine_map<(d0, d1) -> (0)>
module attributes {stable_mosaic.version = 14 : i64} {
  func.func @densify_kernel(%arg0: i32, %arg1: i32, %arg2: memref<167936xi32, #tpu.memory_space<hbm>>, %arg3: memref<167936xf32, #tpu.memory_space<hbm>>, %arg4: memref<4194304xf32, #tpu.memory_space<hbm>>, %arg5: memref<10496xi32, #tpu.memory_space<vmem>>, %arg6: memref<10496xf32, #tpu.memory_space<vmem>>, %arg7: memref<82x128xi32, #tpu.memory_space<vmem>>, %arg8: memref<10496xf32, #tpu.memory_space<vmem>>, %arg9: memref<8192xf32, #tpu.memory_space<vmem>>, %arg10: memref<1048576xf32, #tpu.memory_space<vmem_shared>>, %arg11: memref<!tpu.dma_semaphore, #tpu.memory_space<semaphore_mem>>) attributes {dimension_semantics = [#tpu.dimension_semantics<core_parallel>, #tpu.dimension_semantics<subcore_parallel>], iteration_bounds = array<i64: 2, 16>, scalar_prefetch = 0 : i64, scratch_operands = 7 : i64, tpu.core_type = #tpu.core_type<sc_vector_subcore>, window_params = [{transform_indices = #map}, {transform_indices = #map}, {transform_indices = #map}]} {
    %mul3A = arith.constant 10496 : i32
    %mul3A_0 = arith.muli %arg1, %mul3A : i32
    %mul3A_1 = arith.constant 65536 : i32
    %mul3A_2 = arith.muli %arg1, %mul3A_1 : i32
    "tpu.region"() ({
      %run_scoped3A = tpu.sem_alloc : memref<!tpu.dma_semaphore, #tpu.memory_space<semaphore_mem>>
      %dma_start3A = tpu.memref_slice %arg2[%mul3A_0] : memref<167936xi32, #tpu.memory_space<hbm>> -> memref<10496xi32, #tpu.memory_space<hbm>>
      %dma_start3A_91 = tpu.memref_slice %arg2[%mul3A_0] : memref<167936xi32, #tpu.memory_space<hbm>> -> memref<10496xi32, #tpu.memory_space<hbm>>
      tpu.enqueue_dma source(%dma_start3A_91 : memref<10496xi32, #tpu.memory_space<hbm>>) target(%arg5 : memref<10496xi32, #tpu.memory_space<vmem>>) target_semaphore(%run_scoped3A : memref<!tpu.dma_semaphore, #tpu.memory_space<semaphore_mem>>)
      %dma_wait3A_92 = tpu.memref_slice %arg2[%mul3A_0] : memref<167936xi32, #tpu.memory_space<hbm>> -> memref<10496xi32, #tpu.memory_space<hbm>>
      %dma_wait3A_93 = tpu.memref_slice %arg2[%mul3A_0] : memref<167936xi32, #tpu.memory_space<hbm>> -> memref<10496xi32, #tpu.memory_space<hbm>>
      tpu.wait_dma2 semaphore(%run_scoped3A : memref<!tpu.dma_semaphore, #tpu.memory_space<semaphore_mem>>) src(%dma_wait3A_93 : memref<10496xi32, #tpu.memory_space<hbm>>) dst(%arg5 : memref<10496xi32, #tpu.memory_space<vmem>>)
      tpu.yield
    }) : () -> ()
    "tpu.region"() ({
      %run_scoped3A = tpu.sem_alloc : memref<!tpu.dma_semaphore, #tpu.memory_space<semaphore_mem>>
      %dma_start3A = tpu.memref_slice %arg3[%mul3A_0] : memref<167936xf32, #tpu.memory_space<hbm>> -> memref<10496xf32, #tpu.memory_space<hbm>>
      %dma_start3A_91 = tpu.memref_slice %arg3[%mul3A_0] : memref<167936xf32, #tpu.memory_space<hbm>> -> memref<10496xf32, #tpu.memory_space<hbm>>
      tpu.enqueue_dma source(%dma_start3A_91 : memref<10496xf32, #tpu.memory_space<hbm>>) target(%arg6 : memref<10496xf32, #tpu.memory_space<vmem>>) target_semaphore(%run_scoped3A : memref<!tpu.dma_semaphore, #tpu.memory_space<semaphore_mem>>)
      %dma_wait3A_92 = tpu.memref_slice %arg3[%mul3A_0] : memref<167936xf32, #tpu.memory_space<hbm>> -> memref<10496xf32, #tpu.memory_space<hbm>>
      %dma_wait3A_93 = tpu.memref_slice %arg3[%mul3A_0] : memref<167936xf32, #tpu.memory_space<hbm>> -> memref<10496xf32, #tpu.memory_space<hbm>>
      tpu.wait_dma2 semaphore(%run_scoped3A : memref<!tpu.dma_semaphore, #tpu.memory_space<semaphore_mem>>) src(%dma_wait3A_93 : memref<10496xf32, #tpu.memory_space<hbm>>) dst(%arg6 : memref<10496xf32, #tpu.memory_space<vmem>>)
      tpu.yield
    }) : () -> ()
    %scan3A = arith.constant 0 : i32
    %scan3A_3 = arith.constant 0 : i32
    %scan3A_4 = arith.constant 512 : i32
    %scan3A_5 = arith.addi %scan3A_3, %scan3A_4 : i32
    %scan3A_6 = arith.constant 1 : i32
    scf.for %scan3A_91 = %scan3A_3 to %scan3A_5 step %scan3A_6  : i32 {
      %broadcast_in_dim3A = arith.constant 0.000000e+00 : f32
      %broadcast_in_dim3A_92 = vector.broadcast %broadcast_in_dim3A : f32 to vector<16xf32>
      %mul3A_93 = arith.constant 16 : i32
      %mul3A_94 = arith.muli %scan3A_91, %mul3A_93 : i32
      %swap3A = arith.index_cast %mul3A_94 : i32 to index
      %swap3A_95 = tpu.vector_load %arg9[%swap3A] {strides = array<i32>} : memref<8192xf32, #tpu.memory_space<vmem>>, vector<16xf32>,
      %swap3A_96 = vector.shape_cast %swap3A_95 : vector<16xf32> to vector<16xf32>
      %swap3A_97 = vector.shape_cast %broadcast_in_dim3A_92 : vector<16xf32> to vector<16xf32>
      tpu.vector_store %arg9[%swap3A], %swap3A_97 {strides = array<i32>} : memref<8192xf32, #tpu.memory_space<vmem>>, vector<16xf32>,
    }
    %scan3A_7 = arith.constant 512 : i32
    %iota3A = tpu.iota {dimensions = array<i32: 0>} : vector<16xi32>
    %add3A = arith.constant 0 : i32
    %add3A_8 = arith.addi %add3A, %arg0 : i32
    %add3A_9 = arith.constant 0 : i32
    %add3A_10 = arith.addi %add3A_9, %add3A_8 : i32
    %mul3A_11 = arith.constant 1048576 : i32
    %mul3A_12 = arith.muli %add3A_10, %mul3A_11 : i32
    %mul3A_13 = arith.constant 1048576 : i32
    %mul3A_14 = arith.muli %add3A_8, %mul3A_13 : i32
    %add3A_15 = arith.constant 0 : i32
    %add3A_16 = arith.addi %mul3A_2, %add3A_15 : i32
    "tpu.region"() ({
      %run_scoped3A = tpu.sem_alloc : memref<!tpu.dma_semaphore, #tpu.memory_space<semaphore_mem>>
      %dma_start3A = tpu.memref_slice %arg10[%add3A_16] : memref<1048576xf32, #tpu.memory_space<vmem_shared>> -> memref<8192xf32, #tpu.memory_space<vmem_shared>>
      %dma_start3A_91 = tpu.memref_slice %arg10[%add3A_16] : memref<1048576xf32, #tpu.memory_space<vmem_shared>> -> memref<8192xf32, #tpu.memory_space<vmem_shared>>
      tpu.enqueue_dma source(%arg9 : memref<8192xf32, #tpu.memory_space<vmem>>) target(%dma_start3A_91 : memref<8192xf32, #tpu.memory_space<vmem_shared>>) target_semaphore(%run_scoped3A : memref<!tpu.dma_semaphore, #tpu.memory_space<semaphore_mem>>)
      %dma_wait3A_92 = tpu.memref_slice %arg10[%add3A_16] : memref<1048576xf32, #tpu.memory_space<vmem_shared>> -> memref<8192xf32, #tpu.memory_space<vmem_shared>>
      %dma_wait3A_93 = tpu.memref_slice %arg10[%add3A_16] : memref<1048576xf32, #tpu.memory_space<vmem_shared>> -> memref<8192xf32, #tpu.memory_space<vmem_shared>>
      tpu.wait_dma2 semaphore(%run_scoped3A : memref<!tpu.dma_semaphore, #tpu.memory_space<semaphore_mem>>) src(%arg9 : memref<8192xf32, #tpu.memory_space<vmem>>) dst(%dma_wait3A_93 : memref<8192xf32, #tpu.memory_space<vmem_shared>>)
      tpu.yield
    }) : () -> ()
    %add3A_17 = arith.constant 8192 : i32
    %add3A_18 = arith.addi %mul3A_2, %add3A_17 : i32
    "tpu.region"() ({
      %run_scoped3A = tpu.sem_alloc : memref<!tpu.dma_semaphore, #tpu.memory_space<semaphore_mem>>
      %dma_start3A = tpu.memref_slice %arg10[%add3A_18] : memref<1048576xf32, #tpu.memory_space<vmem_shared>> -> memref<8192xf32, #tpu.memory_space<vmem_shared>>
      %dma_start3A_91 = tpu.memref_slice %arg10[%add3A_18] : memref<1048576xf32, #tpu.memory_space<vmem_shared>> -> memref<8192xf32, #tpu.memory_space<vmem_shared>>
      tpu.enqueue_dma source(%arg9 : memref<8192xf32, #tpu.memory_space<vmem>>) target(%dma_start3A_91 : memref<8192xf32, #tpu.memory_space<vmem_shared>>) target_semaphore(%run_scoped3A : memref<!tpu.dma_semaphore, #tpu.memory_space<semaphore_mem>>)
      %dma_wait3A_92 = tpu.memref_slice %arg10[%add3A_18] : memref<1048576xf32, #tpu.memory_space<vmem_shared>> -> memref<8192xf32, #tpu.memory_space<vmem_shared>>
      %dma_wait3A_93 = tpu.memref_slice %arg10[%add3A_18] : memref<1048576xf32, #tpu.memory_space<vmem_shared>> -> memref<8192xf32, #tpu.memory_space<vmem_shared>>
      tpu.wait_dma2 semaphore(%run_scoped3A : memref<!tpu.dma_semaphore, #tpu.memory_space<semaphore_mem>>) src(%arg9 : memref<8192xf32, #tpu.memory_space<vmem>>) dst(%dma_wait3A_93 : memref<8192xf32, #tpu.memory_space<vmem_shared>>)
      tpu.yield
    }) : () -> ()
    %add3A_19 = arith.constant 16384 : i32
    %add3A_20 = arith.addi %mul3A_2, %add3A_19 : i32
    "tpu.region"() ({
      %run_scoped3A = tpu.sem_alloc : memref<!tpu.dma_semaphore, #tpu.memory_space<semaphore_mem>>
      %dma_start3A = tpu.memref_slice %arg10[%add3A_20] : memref<1048576xf32, #tpu.memory_space<vmem_shared>> -> memref<8192xf32, #tpu.memory_space<vmem_shared>>
      %dma_start3A_91 = tpu.memref_slice %arg10[%add3A_20] : memref<1048576xf32, #tpu.memory_space<vmem_shared>> -> memref<8192xf32, #tpu.memory_space<vmem_shared>>
      tpu.enqueue_dma source(%arg9 : memref<8192xf32, #tpu.memory_space<vmem>>) target(%dma_start3A_91 : memref<8192xf32, #tpu.memory_space<vmem_shared>>) target_semaphore(%run_scoped3A : memref<!tpu.dma_semaphore, #tpu.memory_space<semaphore_mem>>)
      %dma_wait3A_92 = tpu.memref_slice %arg10[%add3A_20] : memref<1048576xf32, #tpu.memory_space<vmem_shared>> -> memref<8192xf32, #tpu.memory_space<vmem_shared>>
      %dma_wait3A_93 = tpu.memref_slice %arg10[%add3A_20] : memref<1048576xf32, #tpu.memory_space<vmem_shared>> -> memref<8192xf32, #tpu.memory_space<vmem_shared>>
      tpu.wait_dma2 semaphore(%run_scoped3A : memref<!tpu.dma_semaphore, #tpu.memory_space<semaphore_mem>>) src(%arg9 : memref<8192xf32, #tpu.memory_space<vmem>>) dst(%dma_wait3A_93 : memref<8192xf32, #tpu.memory_space<vmem_shared>>)
      tpu.yield
    }) : () -> ()
    %add3A_21 = arith.constant 24576 : i32
    %add3A_22 = arith.addi %mul3A_2, %add3A_21 : i32
    "tpu.region"() ({
      %run_scoped3A = tpu.sem_alloc : memref<!tpu.dma_semaphore, #tpu.memory_space<semaphore_mem>>
      %dma_start3A = tpu.memref_slice %arg10[%add3A_22] : memref<1048576xf32, #tpu.memory_space<vmem_shared>> -> memref<8192xf32, #tpu.memory_space<vmem_shared>>
      %dma_start3A_91 = tpu.memref_slice %arg10[%add3A_22] : memref<1048576xf32, #tpu.memory_space<vmem_shared>> -> memref<8192xf32, #tpu.memory_space<vmem_shared>>
      tpu.enqueue_dma source(%arg9 : memref<8192xf32, #tpu.memory_space<vmem>>) target(%dma_start3A_91 : memref<8192xf32, #tpu.memory_space<vmem_shared>>) target_semaphore(%run_scoped3A : memref<!tpu.dma_semaphore, #tpu.memory_space<semaphore_mem>>)
      %dma_wait3A_92 = tpu.memref_slice %arg10[%add3A_22] : memref<1048576xf32, #tpu.memory_space<vmem_shared>> -> memref<8192xf32, #tpu.memory_space<vmem_shared>>
      %dma_wait3A_93 = tpu.memref_slice %arg10[%add3A_22] : memref<1048576xf32, #tpu.memory_space<vmem_shared>> -> memref<8192xf32, #tpu.memory_space<vmem_shared>>
      tpu.wait_dma2 semaphore(%run_scoped3A : memref<!tpu.dma_semaphore, #tpu.memory_space<semaphore_mem>>) src(%arg9 : memref<8192xf32, #tpu.memory_space<vmem>>) dst(%dma_wait3A_93 : memref<8192xf32, #tpu.memory_space<vmem_shared>>)
      tpu.yield
    }) : () -> ()
    %add3A_23 = arith.constant 32768 : i32
    %add3A_24 = arith.addi %mul3A_2, %add3A_23 : i32
    "tpu.region"() ({
      %run_scoped3A = tpu.sem_alloc : memref<!tpu.dma_semaphore, #tpu.memory_space<semaphore_mem>>
      %dma_start3A = tpu.memref_slice %arg10[%add3A_24] : memref<1048576xf32, #tpu.memory_space<vmem_shared>> -> memref<8192xf32, #tpu.memory_space<vmem_shared>>
      %dma_start3A_91 = tpu.memref_slice %arg10[%add3A_24] : memref<1048576xf32, #tpu.memory_space<vmem_shared>> -> memref<8192xf32, #tpu.memory_space<vmem_shared>>
      tpu.enqueue_dma source(%arg9 : memref<8192xf32, #tpu.memory_space<vmem>>) target(%dma_start3A_91 : memref<8192xf32, #tpu.memory_space<vmem_shared>>) target_semaphore(%run_scoped3A : memref<!tpu.dma_semaphore, #tpu.memory_space<semaphore_mem>>)
      %dma_wait3A_92 = tpu.memref_slice %arg10[%add3A_24] : memref<1048576xf32, #tpu.memory_space<vmem_shared>> -> memref<8192xf32, #tpu.memory_space<vmem_shared>>
      %dma_wait3A_93 = tpu.memref_slice %arg10[%add3A_24] : memref<1048576xf32, #tpu.memory_space<vmem_shared>> -> memref<8192xf32, #tpu.memory_space<vmem_shared>>
      tpu.wait_dma2 semaphore(%run_scoped3A : memref<!tpu.dma_semaphore, #tpu.memory_space<semaphore_mem>>) src(%arg9 : memref<8192xf32, #tpu.memory_space<vmem>>) dst(%dma_wait3A_93 : memref<8192xf32, #tpu.memory_space<vmem_shared>>)
      tpu.yield
    }) : () -> ()
    %add3A_25 = arith.constant 40960 : i32
    %add3A_26 = arith.addi %mul3A_2, %add3A_25 : i32
    "tpu.region"() ({
      %run_scoped3A = tpu.sem_alloc : memref<!tpu.dma_semaphore, #tpu.memory_space<semaphore_mem>>
      %dma_start3A = tpu.memref_slice %arg10[%add3A_26] : memref<1048576xf32, #tpu.memory_space<vmem_shared>> -> memref<8192xf32, #tpu.memory_space<vmem_shared>>
      %dma_start3A_91 = tpu.memref_slice %arg10[%add3A_26] : memref<1048576xf32, #tpu.memory_space<vmem_shared>> -> memref<8192xf32, #tpu.memory_space<vmem_shared>>
      tpu.enqueue_dma source(%arg9 : memref<8192xf32, #tpu.memory_space<vmem>>) target(%dma_start3A_91 : memref<8192xf32, #tpu.memory_space<vmem_shared>>) target_semaphore(%run_scoped3A : memref<!tpu.dma_semaphore, #tpu.memory_space<semaphore_mem>>)
      %dma_wait3A_92 = tpu.memref_slice %arg10[%add3A_26] : memref<1048576xf32, #tpu.memory_space<vmem_shared>> -> memref<8192xf32, #tpu.memory_space<vmem_shared>>
      %dma_wait3A_93 = tpu.memref_slice %arg10[%add3A_26] : memref<1048576xf32, #tpu.memory_space<vmem_shared>> -> memref<8192xf32, #tpu.memory_space<vmem_shared>>
      tpu.wait_dma2 semaphore(%run_scoped3A : memref<!tpu.dma_semaphore, #tpu.memory_space<semaphore_mem>>) src(%arg9 : memref<8192xf32, #tpu.memory_space<vmem>>) dst(%dma_wait3A_93 : memref<8192xf32, #tpu.memory_space<vmem_shared>>)
      tpu.yield
    }) : () -> ()
    %add3A_27 = arith.constant 49152 : i32
    %add3A_28 = arith.addi %mul3A_2, %add3A_27 : i32
    "tpu.region"() ({
      %run_scoped3A = tpu.sem_alloc : memref<!tpu.dma_semaphore, #tpu.memory_space<semaphore_mem>>
      %dma_start3A = tpu.memref_slice %arg10[%add3A_28] : memref<1048576xf32, #tpu.memory_space<vmem_shared>> -> memref<8192xf32, #tpu.memory_space<vmem_shared>>
      %dma_start3A_91 = tpu.memref_slice %arg10[%add3A_28] : memref<1048576xf32, #tpu.memory_space<vmem_shared>> -> memref<8192xf32, #tpu.memory_space<vmem_shared>>
      tpu.enqueue_dma source(%arg9 : memref<8192xf32, #tpu.memory_space<vmem>>) target(%dma_start3A_91 : memref<8192xf32, #tpu.memory_space<vmem_shared>>) target_semaphore(%run_scoped3A : memref<!tpu.dma_semaphore, #tpu.memory_space<semaphore_mem>>)
      %dma_wait3A_92 = tpu.memref_slice %arg10[%add3A_28] : memref<1048576xf32, #tpu.memory_space<vmem_shared>> -> memref<8192xf32, #tpu.memory_space<vmem_shared>>
      %dma_wait3A_93 = tpu.memref_slice %arg10[%add3A_28] : memref<1048576xf32, #tpu.memory_space<vmem_shared>> -> memref<8192xf32, #tpu.memory_space<vmem_shared>>
      tpu.wait_dma2 semaphore(%run_scoped3A : memref<!tpu.dma_semaphore, #tpu.memory_space<semaphore_mem>>) src(%arg9 : memref<8192xf32, #tpu.memory_space<vmem>>) dst(%dma_wait3A_93 : memref<8192xf32, #tpu.memory_space<vmem_shared>>)
      tpu.yield
    }) : () -> ()
    %add3A_29 = arith.constant 57344 : i32
    %add3A_30 = arith.addi %mul3A_2, %add3A_29 : i32
    "tpu.region"() ({
      %run_scoped3A = tpu.sem_alloc : memref<!tpu.dma_semaphore, #tpu.memory_space<semaphore_mem>>
      %dma_start3A = tpu.memref_slice %arg10[%add3A_30] : memref<1048576xf32, #tpu.memory_space<vmem_shared>> -> memref<8192xf32, #tpu.memory_space<vmem_shared>>
      %dma_start3A_91 = tpu.memref_slice %arg10[%add3A_30] : memref<1048576xf32, #tpu.memory_space<vmem_shared>> -> memref<8192xf32, #tpu.memory_space<vmem_shared>>
      tpu.enqueue_dma source(%arg9 : memref<8192xf32, #tpu.memory_space<vmem>>) target(%dma_start3A_91 : memref<8192xf32, #tpu.memory_space<vmem_shared>>) target_semaphore(%run_scoped3A : memref<!tpu.dma_semaphore, #tpu.memory_space<semaphore_mem>>)
      %dma_wait3A_92 = tpu.memref_slice %arg10[%add3A_30] : memref<1048576xf32, #tpu.memory_space<vmem_shared>> -> memref<8192xf32, #tpu.memory_space<vmem_shared>>
      %dma_wait3A_93 = tpu.memref_slice %arg10[%add3A_30] : memref<1048576xf32, #tpu.memory_space<vmem_shared>> -> memref<8192xf32, #tpu.memory_space<vmem_shared>>
      tpu.wait_dma2 semaphore(%run_scoped3A : memref<!tpu.dma_semaphore, #tpu.memory_space<semaphore_mem>>) src(%arg9 : memref<8192xf32, #tpu.memory_space<vmem>>) dst(%dma_wait3A_93 : memref<8192xf32, #tpu.memory_space<vmem_shared>>)
      tpu.yield
    }) : () -> ()
    %scan3A_31 = arith.constant 0 : i32
    %scan3A_32 = arith.constant 0 : i32
    %scan3A_33 = arith.constant 656 : i32
    %scan3A_34 = arith.addi %scan3A_32, %scan3A_33 : i32
    %scan3A_35 = arith.constant 1 : i32
    scf.for %scan3A_91 = %scan3A_32 to %scan3A_34 step %scan3A_35  : i32 {
      %mul3A_92 = arith.constant 16 : i32
      %mul3A_93 = arith.muli %scan3A_91, %mul3A_92 : i32
      %get3A = arith.index_cast %mul3A_93 : i32 to index
      %get3A_94 = tpu.vector_load %arg5[%get3A] {strides = array<i32>} : memref<10496xi32, #tpu.memory_space<vmem>>, vector<16xi32>,
      %get3A_95 = vector.shape_cast %get3A_94 : vector<16xi32> to vector<16xi32>
      %mul3A_96 = arith.constant 16 : i32
      %mul3A_97 = arith.muli %scan3A_91, %mul3A_96 : i32
      %get3A_98 = arith.index_cast %mul3A_97 : i32 to index
      %get3A_99 = tpu.vector_load %arg6[%get3A_98] {strides = array<i32>} : memref<10496xf32, #tpu.memory_space<vmem>>, vector<16xf32>,
      %get3A_100 = vector.shape_cast %get3A_99 : vector<16xf32> to vector<16xf32>
      %sub3A = vector.broadcast %mul3A_12 : i32 to vector<16xi32>
      %sub3A_101 = arith.subi %get3A_95, %sub3A : vector<16xi32>
      %ge3A = arith.constant 0 : i32
      %ge3A_102 = vector.broadcast %ge3A : i32 to vector<16xi32>
      %ge3A_103 = arith.cmpi sge, %sub3A_101, %ge3A_102 : vector<16xi32>
      %lt3A = arith.constant 1048576 : i32
      %lt3A_104 = vector.broadcast %lt3A : i32 to vector<16xi32>
      %lt3A_105 = arith.cmpi slt, %sub3A_101, %lt3A_104 : vector<16xi32>
      %and3A = arith.andi %ge3A_103, %lt3A_105 : vector<16xi1>
      %mul3A_106 = arith.constant 16 : i32
      %mul3A_107 = arith.muli %scan3A_91, %mul3A_106 : i32
      %add3A_108 = arith.addi %mul3A_0, %mul3A_107 : i32
      %add3A_109 = vector.broadcast %add3A_108 : i32 to vector<16xi32>
      %add3A_110 = arith.addi %add3A_109, %iota3A : vector<16xi32>
      %select_n3A = arith.select %and3A, %sub3A_101, %add3A_110 : vector<16xi1>, vector<16xi32>
      %jit3A = arith.constant 8 : i32
      %div3A = arith.divsi %scan3A_91, %jit3A : i32
      %sign3A = arith.constant 0 : i32
      %sign3A_111 = arith.cmpi sgt, %scan3A_91, %sign3A : i32
      %sign3A_112 = arith.extui %sign3A_111 : i1 to i32
      %sign3A_113 = arith.constant 0 : i32
      %sign3A_114 = arith.cmpi slt, %scan3A_91, %sign3A_113 : i32
      %sign3A_115 = arith.extui %sign3A_114 : i1 to i32
      %sign3A_116 = arith.subi %sign3A_112, %sign3A_115 : i32
      %sign3A_117 = arith.constant 0 : i32
      %sign3A_118 = arith.cmpi sgt, %jit3A, %sign3A_117 : i32
      %sign3A_119 = arith.extui %sign3A_118 : i1 to i32
      %sign3A_120 = arith.constant 0 : i32
      %sign3A_121 = arith.cmpi slt, %jit3A, %sign3A_120 : i32
      %sign3A_122 = arith.extui %sign3A_121 : i1 to i32
      %sign3A_123 = arith.subi %sign3A_119, %sign3A_122 : i32
      %ne3A = arith.cmpi ne, %sign3A_116, %sign3A_123 : i32
      %rem3A = arith.remsi %scan3A_91, %jit3A : i32
      %ne3A_124 = arith.constant 0 : i32
      %ne3A_125 = arith.cmpi ne, %rem3A, %ne3A_124 : i32
      %and3A_126 = arith.andi %ne3A, %ne3A_125 : i1
      %sub3A_127 = arith.constant 1 : i32
      %sub3A_128 = arith.subi %div3A, %sub3A_127 : i32
      %select_n3A_129 = arith.select %and3A_126, %sub3A_128, %div3A : i32
      %jit3A_130 = arith.constant 8 : i32
      %eq3A = arith.constant 0 : i32
      %eq3A_131 = arith.cmpi eq, %jit3A_130, %eq3A : i32
      %jit3A_132 = arith.constant 1 : i32
      %select_n3A_133 = arith.select %eq3A_131, %jit3A_132, %jit3A_130 : i32
      %rem3A_134 = arith.remsi %scan3A_91, %select_n3A_133 : i32
      %ne3A_135 = arith.constant 0 : i32
      %ne3A_136 = arith.cmpi ne, %rem3A_134, %ne3A_135 : i32
      %lt3A_137 = arith.constant 0 : i32
      %lt3A_138 = arith.cmpi slt, %rem3A_134, %lt3A_137 : i32
      %lt3A_139 = arith.constant 0 : i32
      %lt3A_140 = arith.cmpi slt, %select_n3A_133, %lt3A_139 : i32
      %ne3A_141 = arith.xori %lt3A_138, %lt3A_140 : i1
      %and3A_142 = arith.andi %ne3A_141, %ne3A_136 : i1
      %add3A_143 = arith.addi %rem3A_134, %select_n3A_133 : i32
      %select_n3A_144 = arith.select %and3A_142, %add3A_143, %rem3A_134 : i32
      %mul3A_145 = arith.constant 16 : i32
      %mul3A_146 = arith.muli %select_n3A_144, %mul3A_145 : i32
      %swap3A = arith.index_cast %select_n3A_129 : i32 to index
      %swap3A_147 = arith.index_cast %mul3A_146 : i32 to index
      %swap3A_148 = tpu.vector_load %arg7[%swap3A, %swap3A_147] {strides = array<i32>} : memref<82x128xi32, #tpu.memory_space<vmem>>, vector<1x16xi32>,
      %swap3A_149 = vector.shape_cast %swap3A_148 : vector<1x16xi32> to vector<16xi32>
      %swap3A_150 = vector.shape_cast %select_n3A : vector<16xi32> to vector<1x16xi32>
      tpu.vector_store %arg7[%swap3A, %swap3A_147], %swap3A_150 {strides = array<i32>} : memref<82x128xi32, #tpu.memory_space<vmem>>, vector<1x16xi32>,
      %jit3A_151 = arith.constant 0.000000e+00 : f32
      %broadcast_in_dim3A = vector.broadcast %jit3A_151 : f32 to vector<16xf32>
      %select_n3A_152 = arith.select %and3A, %get3A_100, %broadcast_in_dim3A : vector<16xi1>, vector<16xf32>
      %mul3A_153 = arith.constant 16 : i32
      %mul3A_154 = arith.muli %scan3A_91, %mul3A_153 : i32
      %swap3A_155 = arith.index_cast %mul3A_154 : i32 to index
      %swap3A_156 = tpu.vector_load %arg8[%swap3A_155] {strides = array<i32>} : memref<10496xf32, #tpu.memory_space<vmem>>, vector<16xf32>,
      %swap3A_157 = vector.shape_cast %swap3A_156 : vector<16xf32> to vector<16xf32>
      %swap3A_158 = vector.shape_cast %select_n3A_152 : vector<16xf32> to vector<16xf32>
      tpu.vector_store %arg8[%swap3A_155], %swap3A_158 {strides = array<i32>} : memref<10496xf32, #tpu.memory_space<vmem>>, vector<16xf32>,
    }
    %scan3A_36 = arith.constant 656 : i32
    %barrier3A = arith.constant 0 : index
    tpu.barrier barrier_id(%barrier3A)
    %scan3A_37 = arith.constant 0 : i32
    %scan3A_38 = arith.constant 0 : i32
    %scan3A_39 = arith.constant 82 : i32
    %scan3A_40 = arith.addi %scan3A_38, %scan3A_39 : i32
    %scan3A_41 = arith.constant 1 : i32
    scf.for %scan3A_91 = %scan3A_38 to %scan3A_40 step %scan3A_41  : i32 {
      %mul3A_92 = arith.constant 128 : i32
      %mul3A_93 = arith.muli %scan3A_91, %mul3A_92 : i32
      %dma_start3A = tpu.memref_slice %arg8[%mul3A_93] : memref<10496xf32, #tpu.memory_space<vmem>> -> memref<128xf32, #tpu.memory_space<vmem>>
      %dma_start3A_94 = arith.constant 0 : i32
      %dma_start3A_95 = tpu.memref_slice %arg7[%scan3A_91, %dma_start3A_94] : memref<82x128xi32, #tpu.memory_space<vmem>> -> memref<1x128xi32, #tpu.memory_space<vmem>>
      %dma_start3A_96 = tpu.memref_squeeze %dma_start3A_95 : memref<1x128xi32, #tpu.memory_space<vmem>> -> memref<128xi32, #tpu.memory_space<vmem>>
      %dma_start3A_97 = arith.constant 0 : i32
      %dma_start3A_98 = tpu.memref_slice %arg10[%dma_start3A_97] : memref<1048576xf32, #tpu.memory_space<vmem_shared>> -> memref<1048576xf32, #tpu.memory_space<vmem_shared>>
      tpu.enqueue_indirect_dma source(%dma_start3A : memref<128xf32, #tpu.memory_space<vmem>>) target(%dma_start3A_98 : memref<1048576xf32, #tpu.memory_space<vmem_shared>>) offsets(%dma_start3A_96 : memref<128xi32, #tpu.memory_space<vmem>>) semaphore(%arg11 : memref<!tpu.dma_semaphore, #tpu.memory_space<semaphore_mem>>) {add = true}
    }
    %scan3A_42 = arith.constant 82 : i32
    %dma_wait3A = arith.constant 0 : i32
    %dma_wait3A_43 = tpu.memref_slice %arg3[%dma_wait3A] : memref<167936xf32, #tpu.memory_space<hbm>> -> memref<10496xf32, #tpu.memory_space<hbm>>
    %dma_wait3A_44 = arith.constant 0 : i32
    %dma_wait3A_45 = tpu.memref_slice %arg3[%dma_wait3A_44] : memref<167936xf32, #tpu.memory_space<hbm>> -> memref<10496xf32, #tpu.memory_space<hbm>>
    tpu.wait_dma2 semaphore(%arg11 : memref<!tpu.dma_semaphore, #tpu.memory_space<semaphore_mem>>) src(%dma_wait3A_45 : memref<10496xf32, #tpu.memory_space<hbm>>) dst(%arg8 : memref<10496xf32, #tpu.memory_space<vmem>>)
    %barrier3A_46 = arith.constant 0 : index
    tpu.barrier barrier_id(%barrier3A_46)
    %add3A_47 = arith.addi %mul3A_14, %mul3A_2 : i32
    "tpu.region"() ({
      %run_scoped3A = tpu.sem_alloc : memref<!tpu.dma_semaphore, #tpu.memory_space<semaphore_mem>>
      %dma_start3A = tpu.memref_slice %arg4[%add3A_47] : memref<4194304xf32, #tpu.memory_space<hbm>> -> memref<65536xf32, #tpu.memory_space<hbm>>
      %dma_start3A_91 = tpu.memref_slice %arg10[%mul3A_2] : memref<1048576xf32, #tpu.memory_space<vmem_shared>> -> memref<65536xf32, #tpu.memory_space<vmem_shared>>
      tpu.enqueue_dma source(%dma_start3A_91 : memref<65536xf32, #tpu.memory_space<vmem_shared>>) target(%dma_start3A : memref<65536xf32, #tpu.memory_space<hbm>>) target_semaphore(%run_scoped3A : memref<!tpu.dma_semaphore, #tpu.memory_space<semaphore_mem>>)
      %dma_wait3A_92 = tpu.memref_slice %arg4[%add3A_47] : memref<4194304xf32, #tpu.memory_space<hbm>> -> memref<65536xf32, #tpu.memory_space<hbm>>
      %dma_wait3A_93 = tpu.memref_slice %arg10[%mul3A_2] : memref<1048576xf32, #tpu.memory_space<vmem_shared>> -> memref<65536xf32, #tpu.memory_space<vmem_shared>>
      tpu.wait_dma2 semaphore(%run_scoped3A : memref<!tpu.dma_semaphore, #tpu.memory_space<semaphore_mem>>) src(%dma_wait3A_93 : memref<65536xf32, #tpu.memory_space<vmem_shared>>) dst(%dma_wait3A_92 : memref<65536xf32, #tpu.memory_space<hbm>>)
      tpu.yield
    }) : () -> ()
    %add3A_48 = arith.constant 2 : i32
    %add3A_49 = arith.addi %add3A_48, %arg0 : i32
    %add3A_50 = arith.constant 0 : i32
    %add3A_51 = arith.addi %add3A_50, %add3A_49 : i32
    %mul3A_52 = arith.constant 1048576 : i32
    %mul3A_53 = arith.muli %add3A_51, %mul3A_52 : i32
    %mul3A_54 = arith.constant 1048576 : i32
    %mul3A_55 = arith.muli %add3A_49, %mul3A_54 : i32
    %add3A_56 = arith.constant 0 : i32
    %add3A_57 = arith.addi %mul3A_2, %add3A_56 : i32
    "tpu.region"() ({
      %run_scoped3A = tpu.sem_alloc : memref<!tpu.dma_semaphore, #tpu.memory_space<semaphore_mem>>
      %dma_start3A = tpu.memref_slice %arg10[%add3A_57] : memref<1048576xf32, #tpu.memory_space<vmem_shared>> -> memref<8192xf32, #tpu.memory_space<vmem_shared>>
      %dma_start3A_91 = tpu.memref_slice %arg10[%add3A_57] : memref<1048576xf32, #tpu.memory_space<vmem_shared>> -> memref<8192xf32, #tpu.memory_space<vmem_shared>>
      tpu.enqueue_dma source(%arg9 : memref<8192xf32, #tpu.memory_space<vmem>>) target(%dma_start3A_91 : memref<8192xf32, #tpu.memory_space<vmem_shared>>) target_semaphore(%run_scoped3A : memref<!tpu.dma_semaphore, #tpu.memory_space<semaphore_mem>>)
      %dma_wait3A_92 = tpu.memref_slice %arg10[%add3A_57] : memref<1048576xf32, #tpu.memory_space<vmem_shared>> -> memref<8192xf32, #tpu.memory_space<vmem_shared>>
      %dma_wait3A_93 = tpu.memref_slice %arg10[%add3A_57] : memref<1048576xf32, #tpu.memory_space<vmem_shared>> -> memref<8192xf32, #tpu.memory_space<vmem_shared>>
      tpu.wait_dma2 semaphore(%run_scoped3A : memref<!tpu.dma_semaphore, #tpu.memory_space<semaphore_mem>>) src(%arg9 : memref<8192xf32, #tpu.memory_space<vmem>>) dst(%dma_wait3A_93 : memref<8192xf32, #tpu.memory_space<vmem_shared>>)
      tpu.yield
    }) : () -> ()
    %add3A_58 = arith.constant 8192 : i32
    %add3A_59 = arith.addi %mul3A_2, %add3A_58 : i32
    "tpu.region"() ({
      %run_scoped3A = tpu.sem_alloc : memref<!tpu.dma_semaphore, #tpu.memory_space<semaphore_mem>>
      %dma_start3A = tpu.memref_slice %arg10[%add3A_59] : memref<1048576xf32, #tpu.memory_space<vmem_shared>> -> memref<8192xf32, #tpu.memory_space<vmem_shared>>
      %dma_start3A_91 = tpu.memref_slice %arg10[%add3A_59] : memref<1048576xf32, #tpu.memory_space<vmem_shared>> -> memref<8192xf32, #tpu.memory_space<vmem_shared>>
      tpu.enqueue_dma source(%arg9 : memref<8192xf32, #tpu.memory_space<vmem>>) target(%dma_start3A_91 : memref<8192xf32, #tpu.memory_space<vmem_shared>>) target_semaphore(%run_scoped3A : memref<!tpu.dma_semaphore, #tpu.memory_space<semaphore_mem>>)
      %dma_wait3A_92 = tpu.memref_slice %arg10[%add3A_59] : memref<1048576xf32, #tpu.memory_space<vmem_shared>> -> memref<8192xf32, #tpu.memory_space<vmem_shared>>
      %dma_wait3A_93 = tpu.memref_slice %arg10[%add3A_59] : memref<1048576xf32, #tpu.memory_space<vmem_shared>> -> memref<8192xf32, #tpu.memory_space<vmem_shared>>
      tpu.wait_dma2 semaphore(%run_scoped3A : memref<!tpu.dma_semaphore, #tpu.memory_space<semaphore_mem>>) src(%arg9 : memref<8192xf32, #tpu.memory_space<vmem>>) dst(%dma_wait3A_93 : memref<8192xf32, #tpu.memory_space<vmem_shared>>)
      tpu.yield
    }) : () -> ()
    %add3A_60 = arith.constant 16384 : i32
    %add3A_61 = arith.addi %mul3A_2, %add3A_60 : i32
    "tpu.region"() ({
      %run_scoped3A = tpu.sem_alloc : memref<!tpu.dma_semaphore, #tpu.memory_space<semaphore_mem>>
      %dma_start3A = tpu.memref_slice %arg10[%add3A_61] : memref<1048576xf32, #tpu.memory_space<vmem_shared>> -> memref<8192xf32, #tpu.memory_space<vmem_shared>>
      %dma_start3A_91 = tpu.memref_slice %arg10[%add3A_61] : memref<1048576xf32, #tpu.memory_space<vmem_shared>> -> memref<8192xf32, #tpu.memory_space<vmem_shared>>
      tpu.enqueue_dma source(%arg9 : memref<8192xf32, #tpu.memory_space<vmem>>) target(%dma_start3A_91 : memref<8192xf32, #tpu.memory_space<vmem_shared>>) target_semaphore(%run_scoped3A : memref<!tpu.dma_semaphore, #tpu.memory_space<semaphore_mem>>)
      %dma_wait3A_92 = tpu.memref_slice %arg10[%add3A_61] : memref<1048576xf32, #tpu.memory_space<vmem_shared>> -> memref<8192xf32, #tpu.memory_space<vmem_shared>>
      %dma_wait3A_93 = tpu.memref_slice %arg10[%add3A_61] : memref<1048576xf32, #tpu.memory_space<vmem_shared>> -> memref<8192xf32, #tpu.memory_space<vmem_shared>>
      tpu.wait_dma2 semaphore(%run_scoped3A : memref<!tpu.dma_semaphore, #tpu.memory_space<semaphore_mem>>) src(%arg9 : memref<8192xf32, #tpu.memory_space<vmem>>) dst(%dma_wait3A_93 : memref<8192xf32, #tpu.memory_space<vmem_shared>>)
      tpu.yield
    }) : () -> ()
    %add3A_62 = arith.constant 24576 : i32
    %add3A_63 = arith.addi %mul3A_2, %add3A_62 : i32
    "tpu.region"() ({
      %run_scoped3A = tpu.sem_alloc : memref<!tpu.dma_semaphore, #tpu.memory_space<semaphore_mem>>
      %dma_start3A = tpu.memref_slice %arg10[%add3A_63] : memref<1048576xf32, #tpu.memory_space<vmem_shared>> -> memref<8192xf32, #tpu.memory_space<vmem_shared>>
      %dma_start3A_91 = tpu.memref_slice %arg10[%add3A_63] : memref<1048576xf32, #tpu.memory_space<vmem_shared>> -> memref<8192xf32, #tpu.memory_space<vmem_shared>>
      tpu.enqueue_dma source(%arg9 : memref<8192xf32, #tpu.memory_space<vmem>>) target(%dma_start3A_91 : memref<8192xf32, #tpu.memory_space<vmem_shared>>) target_semaphore(%run_scoped3A : memref<!tpu.dma_semaphore, #tpu.memory_space<semaphore_mem>>)
      %dma_wait3A_92 = tpu.memref_slice %arg10[%add3A_63] : memref<1048576xf32, #tpu.memory_space<vmem_shared>> -> memref<8192xf32, #tpu.memory_space<vmem_shared>>
      %dma_wait3A_93 = tpu.memref_slice %arg10[%add3A_63] : memref<1048576xf32, #tpu.memory_space<vmem_shared>> -> memref<8192xf32, #tpu.memory_space<vmem_shared>>
      tpu.wait_dma2 semaphore(%run_scoped3A : memref<!tpu.dma_semaphore, #tpu.memory_space<semaphore_mem>>) src(%arg9 : memref<8192xf32, #tpu.memory_space<vmem>>) dst(%dma_wait3A_93 : memref<8192xf32, #tpu.memory_space<vmem_shared>>)
      tpu.yield
    }) : () -> ()
    %add3A_64 = arith.constant 32768 : i32
    %add3A_65 = arith.addi %mul3A_2, %add3A_64 : i32
    "tpu.region"() ({
      %run_scoped3A = tpu.sem_alloc : memref<!tpu.dma_semaphore, #tpu.memory_space<semaphore_mem>>
      %dma_start3A = tpu.memref_slice %arg10[%add3A_65] : memref<1048576xf32, #tpu.memory_space<vmem_shared>> -> memref<8192xf32, #tpu.memory_space<vmem_shared>>
      %dma_start3A_91 = tpu.memref_slice %arg10[%add3A_65] : memref<1048576xf32, #tpu.memory_space<vmem_shared>> -> memref<8192xf32, #tpu.memory_space<vmem_shared>>
      tpu.enqueue_dma source(%arg9 : memref<8192xf32, #tpu.memory_space<vmem>>) target(%dma_start3A_91 : memref<8192xf32, #tpu.memory_space<vmem_shared>>) target_semaphore(%run_scoped3A : memref<!tpu.dma_semaphore, #tpu.memory_space<semaphore_mem>>)
      %dma_wait3A_92 = tpu.memref_slice %arg10[%add3A_65] : memref<1048576xf32, #tpu.memory_space<vmem_shared>> -> memref<8192xf32, #tpu.memory_space<vmem_shared>>
      %dma_wait3A_93 = tpu.memref_slice %arg10[%add3A_65] : memref<1048576xf32, #tpu.memory_space<vmem_shared>> -> memref<8192xf32, #tpu.memory_space<vmem_shared>>
      tpu.wait_dma2 semaphore(%run_scoped3A : memref<!tpu.dma_semaphore, #tpu.memory_space<semaphore_mem>>) src(%arg9 : memref<8192xf32, #tpu.memory_space<vmem>>) dst(%dma_wait3A_93 : memref<8192xf32, #tpu.memory_space<vmem_shared>>)
      tpu.yield
    }) : () -> ()
    %add3A_66 = arith.constant 40960 : i32
    %add3A_67 = arith.addi %mul3A_2, %add3A_66 : i32
    "tpu.region"() ({
      %run_scoped3A = tpu.sem_alloc : memref<!tpu.dma_semaphore, #tpu.memory_space<semaphore_mem>>
      %dma_start3A = tpu.memref_slice %arg10[%add3A_67] : memref<1048576xf32, #tpu.memory_space<vmem_shared>> -> memref<8192xf32, #tpu.memory_space<vmem_shared>>
      %dma_start3A_91 = tpu.memref_slice %arg10[%add3A_67] : memref<1048576xf32, #tpu.memory_space<vmem_shared>> -> memref<8192xf32, #tpu.memory_space<vmem_shared>>
      tpu.enqueue_dma source(%arg9 : memref<8192xf32, #tpu.memory_space<vmem>>) target(%dma_start3A_91 : memref<8192xf32, #tpu.memory_space<vmem_shared>>) target_semaphore(%run_scoped3A : memref<!tpu.dma_semaphore, #tpu.memory_space<semaphore_mem>>)
      %dma_wait3A_92 = tpu.memref_slice %arg10[%add3A_67] : memref<1048576xf32, #tpu.memory_space<vmem_shared>> -> memref<8192xf32, #tpu.memory_space<vmem_shared>>
      %dma_wait3A_93 = tpu.memref_slice %arg10[%add3A_67] : memref<1048576xf32, #tpu.memory_space<vmem_shared>> -> memref<8192xf32, #tpu.memory_space<vmem_shared>>
      tpu.wait_dma2 semaphore(%run_scoped3A : memref<!tpu.dma_semaphore, #tpu.memory_space<semaphore_mem>>) src(%arg9 : memref<8192xf32, #tpu.memory_space<vmem>>) dst(%dma_wait3A_93 : memref<8192xf32, #tpu.memory_space<vmem_shared>>)
      tpu.yield
    }) : () -> ()
    %add3A_68 = arith.constant 49152 : i32
    %add3A_69 = arith.addi %mul3A_2, %add3A_68 : i32
    "tpu.region"() ({
      %run_scoped3A = tpu.sem_alloc : memref<!tpu.dma_semaphore, #tpu.memory_space<semaphore_mem>>
      %dma_start3A = tpu.memref_slice %arg10[%add3A_69] : memref<1048576xf32, #tpu.memory_space<vmem_shared>> -> memref<8192xf32, #tpu.memory_space<vmem_shared>>
      %dma_start3A_91 = tpu.memref_slice %arg10[%add3A_69] : memref<1048576xf32, #tpu.memory_space<vmem_shared>> -> memref<8192xf32, #tpu.memory_space<vmem_shared>>
      tpu.enqueue_dma source(%arg9 : memref<8192xf32, #tpu.memory_space<vmem>>) target(%dma_start3A_91 : memref<8192xf32, #tpu.memory_space<vmem_shared>>) target_semaphore(%run_scoped3A : memref<!tpu.dma_semaphore, #tpu.memory_space<semaphore_mem>>)
      %dma_wait3A_92 = tpu.memref_slice %arg10[%add3A_69] : memref<1048576xf32, #tpu.memory_space<vmem_shared>> -> memref<8192xf32, #tpu.memory_space<vmem_shared>>
      %dma_wait3A_93 = tpu.memref_slice %arg10[%add3A_69] : memref<1048576xf32, #tpu.memory_space<vmem_shared>> -> memref<8192xf32, #tpu.memory_space<vmem_shared>>
      tpu.wait_dma2 semaphore(%run_scoped3A : memref<!tpu.dma_semaphore, #tpu.memory_space<semaphore_mem>>) src(%arg9 : memref<8192xf32, #tpu.memory_space<vmem>>) dst(%dma_wait3A_93 : memref<8192xf32, #tpu.memory_space<vmem_shared>>)
      tpu.yield
    }) : () -> ()
    %add3A_70 = arith.constant 57344 : i32
    %add3A_71 = arith.addi %mul3A_2, %add3A_70 : i32
    "tpu.region"() ({
      %run_scoped3A = tpu.sem_alloc : memref<!tpu.dma_semaphore, #tpu.memory_space<semaphore_mem>>
      %dma_start3A = tpu.memref_slice %arg10[%add3A_71] : memref<1048576xf32, #tpu.memory_space<vmem_shared>> -> memref<8192xf32, #tpu.memory_space<vmem_shared>>
      %dma_start3A_91 = tpu.memref_slice %arg10[%add3A_71] : memref<1048576xf32, #tpu.memory_space<vmem_shared>> -> memref<8192xf32, #tpu.memory_space<vmem_shared>>
      tpu.enqueue_dma source(%arg9 : memref<8192xf32, #tpu.memory_space<vmem>>) target(%dma_start3A_91 : memref<8192xf32, #tpu.memory_space<vmem_shared>>) target_semaphore(%run_scoped3A : memref<!tpu.dma_semaphore, #tpu.memory_space<semaphore_mem>>)
      %dma_wait3A_92 = tpu.memref_slice %arg10[%add3A_71] : memref<1048576xf32, #tpu.memory_space<vmem_shared>> -> memref<8192xf32, #tpu.memory_space<vmem_shared>>
      %dma_wait3A_93 = tpu.memref_slice %arg10[%add3A_71] : memref<1048576xf32, #tpu.memory_space<vmem_shared>> -> memref<8192xf32, #tpu.memory_space<vmem_shared>>
      tpu.wait_dma2 semaphore(%run_scoped3A : memref<!tpu.dma_semaphore, #tpu.memory_space<semaphore_mem>>) src(%arg9 : memref<8192xf32, #tpu.memory_space<vmem>>) dst(%dma_wait3A_93 : memref<8192xf32, #tpu.memory_space<vmem_shared>>)
      tpu.yield
    }) : () -> ()
    %scan3A_72 = arith.constant 0 : i32
    %scan3A_73 = arith.constant 0 : i32
    %scan3A_74 = arith.constant 656 : i32
    %scan3A_75 = arith.addi %scan3A_73, %scan3A_74 : i32
    %scan3A_76 = arith.constant 1 : i32
    scf.for %scan3A_91 = %scan3A_73 to %scan3A_75 step %scan3A_76  : i32 {
      %mul3A_92 = arith.constant 16 : i32
      %mul3A_93 = arith.muli %scan3A_91, %mul3A_92 : i32
      %get3A = arith.index_cast %mul3A_93 : i32 to index
      %get3A_94 = tpu.vector_load %arg5[%get3A] {strides = array<i32>} : memref<10496xi32, #tpu.memory_space<vmem>>, vector<16xi32>,
      %get3A_95 = vector.shape_cast %get3A_94 : vector<16xi32> to vector<16xi32>
      %mul3A_96 = arith.constant 16 : i32
      %mul3A_97 = arith.muli %scan3A_91, %mul3A_96 : i32
      %get3A_98 = arith.index_cast %mul3A_97 : i32 to index
      %get3A_99 = tpu.vector_load %arg6[%get3A_98] {strides = array<i32>} : memref<10496xf32, #tpu.memory_space<vmem>>, vector<16xf32>,
      %get3A_100 = vector.shape_cast %get3A_99 : vector<16xf32> to vector<16xf32>
      %sub3A = vector.broadcast %mul3A_53 : i32 to vector<16xi32>
      %sub3A_101 = arith.subi %get3A_95, %sub3A : vector<16xi32>
      %ge3A = arith.constant 0 : i32
      %ge3A_102 = vector.broadcast %ge3A : i32 to vector<16xi32>
      %ge3A_103 = arith.cmpi sge, %sub3A_101, %ge3A_102 : vector<16xi32>
      %lt3A = arith.constant 1048576 : i32
      %lt3A_104 = vector.broadcast %lt3A : i32 to vector<16xi32>
      %lt3A_105 = arith.cmpi slt, %sub3A_101, %lt3A_104 : vector<16xi32>
      %and3A = arith.andi %ge3A_103, %lt3A_105 : vector<16xi1>
      %mul3A_106 = arith.constant 16 : i32
      %mul3A_107 = arith.muli %scan3A_91, %mul3A_106 : i32
      %add3A_108 = arith.addi %mul3A_0, %mul3A_107 : i32
      %add3A_109 = vector.broadcast %add3A_108 : i32 to vector<16xi32>
      %add3A_110 = arith.addi %add3A_109, %iota3A : vector<16xi32>
      %select_n3A = arith.select %and3A, %sub3A_101, %add3A_110 : vector<16xi1>, vector<16xi32>
      %jit3A = arith.constant 8 : i32
      %div3A = arith.divsi %scan3A_91, %jit3A : i32
      %sign3A = arith.constant 0 : i32
      %sign3A_111 = arith.cmpi sgt, %scan3A_91, %sign3A : i32
      %sign3A_112 = arith.extui %sign3A_111 : i1 to i32
      %sign3A_113 = arith.constant 0 : i32
      %sign3A_114 = arith.cmpi slt, %scan3A_91, %sign3A_113 : i32
      %sign3A_115 = arith.extui %sign3A_114 : i1 to i32
      %sign3A_116 = arith.subi %sign3A_112, %sign3A_115 : i32
      %sign3A_117 = arith.constant 0 : i32
      %sign3A_118 = arith.cmpi sgt, %jit3A, %sign3A_117 : i32
      %sign3A_119 = arith.extui %sign3A_118 : i1 to i32
      %sign3A_120 = arith.constant 0 : i32
      %sign3A_121 = arith.cmpi slt, %jit3A, %sign3A_120 : i32
      %sign3A_122 = arith.extui %sign3A_121 : i1 to i32
      %sign3A_123 = arith.subi %sign3A_119, %sign3A_122 : i32
      %ne3A = arith.cmpi ne, %sign3A_116, %sign3A_123 : i32
      %rem3A = arith.remsi %scan3A_91, %jit3A : i32
      %ne3A_124 = arith.constant 0 : i32
      %ne3A_125 = arith.cmpi ne, %rem3A, %ne3A_124 : i32
      %and3A_126 = arith.andi %ne3A, %ne3A_125 : i1
      %sub3A_127 = arith.constant 1 : i32
      %sub3A_128 = arith.subi %div3A, %sub3A_127 : i32
      %select_n3A_129 = arith.select %and3A_126, %sub3A_128, %div3A : i32
      %jit3A_130 = arith.constant 8 : i32
      %eq3A = arith.constant 0 : i32
      %eq3A_131 = arith.cmpi eq, %jit3A_130, %eq3A : i32
      %jit3A_132 = arith.constant 1 : i32
      %select_n3A_133 = arith.select %eq3A_131, %jit3A_132, %jit3A_130 : i32
      %rem3A_134 = arith.remsi %scan3A_91, %select_n3A_133 : i32
      %ne3A_135 = arith.constant 0 : i32
      %ne3A_136 = arith.cmpi ne, %rem3A_134, %ne3A_135 : i32
      %lt3A_137 = arith.constant 0 : i32
      %lt3A_138 = arith.cmpi slt, %rem3A_134, %lt3A_137 : i32
      %lt3A_139 = arith.constant 0 : i32
      %lt3A_140 = arith.cmpi slt, %select_n3A_133, %lt3A_139 : i32
      %ne3A_141 = arith.xori %lt3A_138, %lt3A_140 : i1
      %and3A_142 = arith.andi %ne3A_141, %ne3A_136 : i1
      %add3A_143 = arith.addi %rem3A_134, %select_n3A_133 : i32
      %select_n3A_144 = arith.select %and3A_142, %add3A_143, %rem3A_134 : i32
      %mul3A_145 = arith.constant 16 : i32
      %mul3A_146 = arith.muli %select_n3A_144, %mul3A_145 : i32
      %swap3A = arith.index_cast %select_n3A_129 : i32 to index
      %swap3A_147 = arith.index_cast %mul3A_146 : i32 to index
      %swap3A_148 = tpu.vector_load %arg7[%swap3A, %swap3A_147] {strides = array<i32>} : memref<82x128xi32, #tpu.memory_space<vmem>>, vector<1x16xi32>,
      %swap3A_149 = vector.shape_cast %swap3A_148 : vector<1x16xi32> to vector<16xi32>
      %swap3A_150 = vector.shape_cast %select_n3A : vector<16xi32> to vector<1x16xi32>
      tpu.vector_store %arg7[%swap3A, %swap3A_147], %swap3A_150 {strides = array<i32>} : memref<82x128xi32, #tpu.memory_space<vmem>>, vector<1x16xi32>,
      %jit3A_151 = arith.constant 0.000000e+00 : f32
      %broadcast_in_dim3A = vector.broadcast %jit3A_151 : f32 to vector<16xf32>
      %select_n3A_152 = arith.select %and3A, %get3A_100, %broadcast_in_dim3A : vector<16xi1>, vector<16xf32>
      %mul3A_153 = arith.constant 16 : i32
      %mul3A_154 = arith.muli %scan3A_91, %mul3A_153 : i32
      %swap3A_155 = arith.index_cast %mul3A_154 : i32 to index
      %swap3A_156 = tpu.vector_load %arg8[%swap3A_155] {strides = array<i32>} : memref<10496xf32, #tpu.memory_space<vmem>>, vector<16xf32>,
      %swap3A_157 = vector.shape_cast %swap3A_156 : vector<16xf32> to vector<16xf32>
      %swap3A_158 = vector.shape_cast %select_n3A_152 : vector<16xf32> to vector<16xf32>
      tpu.vector_store %arg8[%swap3A_155], %swap3A_158 {strides = array<i32>} : memref<10496xf32, #tpu.memory_space<vmem>>, vector<16xf32>,
    }
    %scan3A_77 = arith.constant 656 : i32
    %barrier3A_78 = arith.constant 0 : index
    tpu.barrier barrier_id(%barrier3A_78)
    %scan3A_79 = arith.constant 0 : i32
    %scan3A_80 = arith.constant 0 : i32
    %scan3A_81 = arith.constant 82 : i32
    %scan3A_82 = arith.addi %scan3A_80, %scan3A_81 : i32
    %scan3A_83 = arith.constant 1 : i32
    scf.for %scan3A_91 = %scan3A_80 to %scan3A_82 step %scan3A_83  : i32 {
      %mul3A_92 = arith.constant 128 : i32
      %mul3A_93 = arith.muli %scan3A_91, %mul3A_92 : i32
      %dma_start3A = tpu.memref_slice %arg8[%mul3A_93] : memref<10496xf32, #tpu.memory_space<vmem>> -> memref<128xf32, #tpu.memory_space<vmem>>
      %dma_start3A_94 = arith.constant 0 : i32
      %dma_start3A_95 = tpu.memref_slice %arg7[%scan3A_91, %dma_start3A_94] : memref<82x128xi32, #tpu.memory_space<vmem>> -> memref<1x128xi32, #tpu.memory_space<vmem>>
      %dma_start3A_96 = tpu.memref_squeeze %dma_start3A_95 : memref<1x128xi32, #tpu.memory_space<vmem>> -> memref<128xi32, #tpu.memory_space<vmem>>
      %dma_start3A_97 = arith.constant 0 : i32
      %dma_start3A_98 = tpu.memref_slice %arg10[%dma_start3A_97] : memref<1048576xf32, #tpu.memory_space<vmem_shared>> -> memref<1048576xf32, #tpu.memory_space<vmem_shared>>
      tpu.enqueue_indirect_dma source(%dma_start3A : memref<128xf32, #tpu.memory_space<vmem>>) target(%dma_start3A_98 : memref<1048576xf32, #tpu.memory_space<vmem_shared>>) offsets(%dma_start3A_96 : memref<128xi32, #tpu.memory_space<vmem>>) semaphore(%arg11 : memref<!tpu.dma_semaphore, #tpu.memory_space<semaphore_mem>>) {add = true}
    }
    %scan3A_84 = arith.constant 82 : i32
    %dma_wait3A_85 = arith.constant 0 : i32
    %dma_wait3A_86 = tpu.memref_slice %arg3[%dma_wait3A_85] : memref<167936xf32, #tpu.memory_space<hbm>> -> memref<10496xf32, #tpu.memory_space<hbm>>
    %dma_wait3A_87 = arith.constant 0 : i32
    %dma_wait3A_88 = tpu.memref_slice %arg3[%dma_wait3A_87] : memref<167936xf32, #tpu.memory_space<hbm>> -> memref<10496xf32, #tpu.memory_space<hbm>>
    tpu.wait_dma2 semaphore(%arg11 : memref<!tpu.dma_semaphore, #tpu.memory_space<semaphore_mem>>) src(%dma_wait3A_88 : memref<10496xf32, #tpu.memory_space<hbm>>) dst(%arg8 : memref<10496xf32, #tpu.memory_space<vmem>>)
    %barrier3A_89 = arith.constant 0 : index
    tpu.barrier barrier_id(%barrier3A_89)
    %add3A_90 = arith.addi %mul3A_55, %mul3A_2 : i32
    "tpu.region"() ({
      %run_scoped3A = tpu.sem_alloc : memref<!tpu.dma_semaphore, #tpu.memory_space<semaphore_mem>>
      %dma_start3A = tpu.memref_slice %arg4[%add3A_90] : memref<4194304xf32, #tpu.memory_space<hbm>> -> memref<65536xf32, #tpu.memory_space<hbm>>
      %dma_start3A_91 = tpu.memref_slice %arg10[%mul3A_2] : memref<1048576xf32, #tpu.memory_space<vmem_shared>> -> memref<65536xf32, #tpu.memory_space<vmem_shared>>
      tpu.enqueue_dma source(%dma_start3A_91 : memref<65536xf32, #tpu.memory_space<vmem_shared>>) target(%dma_start3A : memref<65536xf32, #tpu.memory_space<hbm>>) target_semaphore(%run_scoped3A : memref<!tpu.dma_semaphore, #tpu.memory_space<semaphore_mem>>)
      %dma_wait3A_92 = tpu.memref_slice %arg4[%add3A_90] : memref<4194304xf32, #tpu.memory_space<hbm>> -> memref<65536xf32, #tpu.memory_space<hbm>>
      %dma_wait3A_93 = tpu.memref_slice %arg10[%mul3A_2] : memref<1048576xf32, #tpu.memory_space<vmem_shared>> -> memref<65536xf32, #tpu.memory_space<vmem_shared>>
      tpu.wait_dma2 semaphore(%run_scoped3A : memref<!tpu.dma_semaphore, #tpu.memory_space<semaphore_mem>>) src(%dma_wait3A_93 : memref<65536xf32, #tpu.memory_space<vmem_shared>>) dst(%dma_wait3A_92 : memref<65536xf32, #tpu.memory_space<hbm>>)
      tpu.yield
    }) : () -> ()
    return
  }
}

#map = affine_map<(d0, d1) -> (0)>
module attributes {stable_mosaic.version = 14 : i64} {
  func.func @densify_kernel(%arg0: i32, %arg1: i32, %arg2: memref<167936xi32, #tpu.memory_space<hbm>>, %arg3: memref<167936xf32, #tpu.memory_space<hbm>>, %arg4: memref<4194304xf32, #tpu.memory_space<hbm>>, %arg5: memref<10496xi32, #tpu.memory_space<vmem>>, %arg6: memref<10496xf32, #tpu.memory_space<vmem>>, %arg7: memref<82x128xi32, #tpu.memory_space<vmem>>, %arg8: memref<10496xf32, #tpu.memory_space<vmem>>, %arg9: memref<8192xf32, #tpu.memory_space<vmem>>, %arg10: memref<1048576xf32, #tpu.memory_space<vmem_shared>>, %arg11: memref<!tpu.dma_semaphore, #tpu.memory_space<semaphore_mem>>) attributes {dimension_semantics = [#tpu.dimension_semantics<core_parallel>, #tpu.dimension_semantics<subcore_parallel>], iteration_bounds = array<i64: 2, 16>, scalar_prefetch = 0 : i64, scratch_operands = 7 : i64, tpu.core_type = #tpu.core_type<sc_vector_subcore>, window_params = [{transform_indices = #map}, {transform_indices = #map}, {transform_indices = #map}]} {
    %mul3A = arith.constant 10496 : i32
    %mul3A_0 = arith.muli %arg1, %mul3A : i32
    %mul3A_1 = arith.constant 65536 : i32
    %mul3A_2 = arith.muli %arg1, %mul3A_1 : i32
    "tpu.region"() ({
      %run_scoped3A = tpu.sem_alloc : memref<!tpu.dma_semaphore, #tpu.memory_space<semaphore_mem>>
      %dma_start3A = tpu.memref_slice %arg2[%mul3A_0] : memref<167936xi32, #tpu.memory_space<hbm>> -> memref<10496xi32, #tpu.memory_space<hbm>>
      %dma_start3A_91 = tpu.memref_slice %arg2[%mul3A_0] : memref<167936xi32, #tpu.memory_space<hbm>> -> memref<10496xi32, #tpu.memory_space<hbm>>
      tpu.enqueue_dma source(%dma_start3A_91 : memref<10496xi32, #tpu.memory_space<hbm>>) target(%arg5 : memref<10496xi32, #tpu.memory_space<vmem>>) target_semaphore(%run_scoped3A : memref<!tpu.dma_semaphore, #tpu.memory_space<semaphore_mem>>)
      %dma_wait3A_92 = tpu.memref_slice %arg2[%mul3A_0] : memref<167936xi32, #tpu.memory_space<hbm>> -> memref<10496xi32, #tpu.memory_space<hbm>>
      %dma_wait3A_93 = tpu.memref_slice %arg2[%mul3A_0] : memref<167936xi32, #tpu.memory_space<hbm>> -> memref<10496xi32, #tpu.memory_space<hbm>>
      tpu.wait_dma2 semaphore(%run_scoped3A : memref<!tpu.dma_semaphore, #tpu.memory_space<semaphore_mem>>) src(%dma_wait3A_93 : memref<10496xi32, #tpu.memory_space<hbm>>) dst(%arg5 : memref<10496xi32, #tpu.memory_space<vmem>>)
      tpu.yield
    }) : () -> ()
    "tpu.region"() ({
      %run_scoped3A = tpu.sem_alloc : memref<!tpu.dma_semaphore, #tpu.memory_space<semaphore_mem>>
      %dma_start3A = tpu.memref_slice %arg3[%mul3A_0] : memref<167936xf32, #tpu.memory_space<hbm>> -> memref<10496xf32, #tpu.memory_space<hbm>>
      %dma_start3A_91 = tpu.memref_slice %arg3[%mul3A_0] : memref<167936xf32, #tpu.memory_space<hbm>> -> memref<10496xf32, #tpu.memory_space<hbm>>
      tpu.enqueue_dma source(%dma_start3A_91 : memref<10496xf32, #tpu.memory_space<hbm>>) target(%arg6 : memref<10496xf32, #tpu.memory_space<vmem>>) target_semaphore(%run_scoped3A : memref<!tpu.dma_semaphore, #tpu.memory_space<semaphore_mem>>)
      %dma_wait3A_92 = tpu.memref_slice %arg3[%mul3A_0] : memref<167936xf32, #tpu.memory_space<hbm>> -> memref<10496xf32, #tpu.memory_space<hbm>>
      %dma_wait3A_93 = tpu.memref_slice %arg3[%mul3A_0] : memref<167936xf32, #tpu.memory_space<hbm>> -> memref<10496xf32, #tpu.memory_space<hbm>>
      tpu.wait_dma2 semaphore(%run_scoped3A : memref<!tpu.dma_semaphore, #tpu.memory_space<semaphore_mem>>) src(%dma_wait3A_93 : memref<10496xf32, #tpu.memory_space<hbm>>) dst(%arg6 : memref<10496xf32, #tpu.memory_space<vmem>>)
      tpu.yield
    }) : () -> ()
    %scan3A = arith.constant 0 : i32
    %scan3A_3 = arith.constant 0 : i32
    %scan3A_4 = arith.constant 512 : i32
    %scan3A_5 = arith.addi %scan3A_3, %scan3A_4 : i32
    %scan3A_6 = arith.constant 1 : i32
    scf.for %scan3A_91 = %scan3A_3 to %scan3A_5 step %scan3A_6  : i32 {
      %broadcast_in_dim3A = arith.constant 0.000000e+00 : f32
      %broadcast_in_dim3A_92 = vector.broadcast %broadcast_in_dim3A : f32 to vector<16xf32>
      %mul3A_93 = arith.constant 16 : i32
      %mul3A_94 = arith.muli %scan3A_91, %mul3A_93 : i32
      %swap3A = arith.index_cast %mul3A_94 : i32 to index
      %swap3A_95 = tpu.vector_load %arg9[%swap3A] {strides = array<i32>} : memref<8192xf32, #tpu.memory_space<vmem>>, vector<16xf32>,
      %swap3A_96 = vector.shape_cast %swap3A_95 : vector<16xf32> to vector<16xf32>
      %swap3A_97 = vector.shape_cast %broadcast_in_dim3A_92 : vector<16xf32> to vector<16xf32>
      tpu.vector_store %arg9[%swap3A], %swap3A_97 {strides = array<i32>} : memref<8192xf32, #tpu.memory_space<vmem>>, vector<16xf32>,
    }
    %scan3A_7 = arith.constant 512 : i32
    %iota3A = tpu.iota {dimensions = array<i32: 0>} : vector<16xi32>
    %add3A = arith.constant 0 : i32
    %add3A_8 = arith.addi %add3A, %arg0 : i32
    %add3A_9 = arith.constant 4 : i32
    %add3A_10 = arith.addi %add3A_9, %add3A_8 : i32
    %mul3A_11 = arith.constant 1048576 : i32
    %mul3A_12 = arith.muli %add3A_10, %mul3A_11 : i32
    %mul3A_13 = arith.constant 1048576 : i32
    %mul3A_14 = arith.muli %add3A_8, %mul3A_13 : i32
    %add3A_15 = arith.constant 0 : i32
    %add3A_16 = arith.addi %mul3A_2, %add3A_15 : i32
    "tpu.region"() ({
      %run_scoped3A = tpu.sem_alloc : memref<!tpu.dma_semaphore, #tpu.memory_space<semaphore_mem>>
      %dma_start3A = tpu.memref_slice %arg10[%add3A_16] : memref<1048576xf32, #tpu.memory_space<vmem_shared>> -> memref<8192xf32, #tpu.memory_space<vmem_shared>>
      %dma_start3A_91 = tpu.memref_slice %arg10[%add3A_16] : memref<1048576xf32, #tpu.memory_space<vmem_shared>> -> memref<8192xf32, #tpu.memory_space<vmem_shared>>
      tpu.enqueue_dma source(%arg9 : memref<8192xf32, #tpu.memory_space<vmem>>) target(%dma_start3A_91 : memref<8192xf32, #tpu.memory_space<vmem_shared>>) target_semaphore(%run_scoped3A : memref<!tpu.dma_semaphore, #tpu.memory_space<semaphore_mem>>)
      %dma_wait3A_92 = tpu.memref_slice %arg10[%add3A_16] : memref<1048576xf32, #tpu.memory_space<vmem_shared>> -> memref<8192xf32, #tpu.memory_space<vmem_shared>>
      %dma_wait3A_93 = tpu.memref_slice %arg10[%add3A_16] : memref<1048576xf32, #tpu.memory_space<vmem_shared>> -> memref<8192xf32, #tpu.memory_space<vmem_shared>>
      tpu.wait_dma2 semaphore(%run_scoped3A : memref<!tpu.dma_semaphore, #tpu.memory_space<semaphore_mem>>) src(%arg9 : memref<8192xf32, #tpu.memory_space<vmem>>) dst(%dma_wait3A_93 : memref<8192xf32, #tpu.memory_space<vmem_shared>>)
      tpu.yield
    }) : () -> ()
    %add3A_17 = arith.constant 8192 : i32
    %add3A_18 = arith.addi %mul3A_2, %add3A_17 : i32
    "tpu.region"() ({
      %run_scoped3A = tpu.sem_alloc : memref<!tpu.dma_semaphore, #tpu.memory_space<semaphore_mem>>
      %dma_start3A = tpu.memref_slice %arg10[%add3A_18] : memref<1048576xf32, #tpu.memory_space<vmem_shared>> -> memref<8192xf32, #tpu.memory_space<vmem_shared>>
      %dma_start3A_91 = tpu.memref_slice %arg10[%add3A_18] : memref<1048576xf32, #tpu.memory_space<vmem_shared>> -> memref<8192xf32, #tpu.memory_space<vmem_shared>>
      tpu.enqueue_dma source(%arg9 : memref<8192xf32, #tpu.memory_space<vmem>>) target(%dma_start3A_91 : memref<8192xf32, #tpu.memory_space<vmem_shared>>) target_semaphore(%run_scoped3A : memref<!tpu.dma_semaphore, #tpu.memory_space<semaphore_mem>>)
      %dma_wait3A_92 = tpu.memref_slice %arg10[%add3A_18] : memref<1048576xf32, #tpu.memory_space<vmem_shared>> -> memref<8192xf32, #tpu.memory_space<vmem_shared>>
      %dma_wait3A_93 = tpu.memref_slice %arg10[%add3A_18] : memref<1048576xf32, #tpu.memory_space<vmem_shared>> -> memref<8192xf32, #tpu.memory_space<vmem_shared>>
      tpu.wait_dma2 semaphore(%run_scoped3A : memref<!tpu.dma_semaphore, #tpu.memory_space<semaphore_mem>>) src(%arg9 : memref<8192xf32, #tpu.memory_space<vmem>>) dst(%dma_wait3A_93 : memref<8192xf32, #tpu.memory_space<vmem_shared>>)
      tpu.yield
    }) : () -> ()
    %add3A_19 = arith.constant 16384 : i32
    %add3A_20 = arith.addi %mul3A_2, %add3A_19 : i32
    "tpu.region"() ({
      %run_scoped3A = tpu.sem_alloc : memref<!tpu.dma_semaphore, #tpu.memory_space<semaphore_mem>>
      %dma_start3A = tpu.memref_slice %arg10[%add3A_20] : memref<1048576xf32, #tpu.memory_space<vmem_shared>> -> memref<8192xf32, #tpu.memory_space<vmem_shared>>
      %dma_start3A_91 = tpu.memref_slice %arg10[%add3A_20] : memref<1048576xf32, #tpu.memory_space<vmem_shared>> -> memref<8192xf32, #tpu.memory_space<vmem_shared>>
      tpu.enqueue_dma source(%arg9 : memref<8192xf32, #tpu.memory_space<vmem>>) target(%dma_start3A_91 : memref<8192xf32, #tpu.memory_space<vmem_shared>>) target_semaphore(%run_scoped3A : memref<!tpu.dma_semaphore, #tpu.memory_space<semaphore_mem>>)
      %dma_wait3A_92 = tpu.memref_slice %arg10[%add3A_20] : memref<1048576xf32, #tpu.memory_space<vmem_shared>> -> memref<8192xf32, #tpu.memory_space<vmem_shared>>
      %dma_wait3A_93 = tpu.memref_slice %arg10[%add3A_20] : memref<1048576xf32, #tpu.memory_space<vmem_shared>> -> memref<8192xf32, #tpu.memory_space<vmem_shared>>
      tpu.wait_dma2 semaphore(%run_scoped3A : memref<!tpu.dma_semaphore, #tpu.memory_space<semaphore_mem>>) src(%arg9 : memref<8192xf32, #tpu.memory_space<vmem>>) dst(%dma_wait3A_93 : memref<8192xf32, #tpu.memory_space<vmem_shared>>)
      tpu.yield
    }) : () -> ()
    %add3A_21 = arith.constant 24576 : i32
    %add3A_22 = arith.addi %mul3A_2, %add3A_21 : i32
    "tpu.region"() ({
      %run_scoped3A = tpu.sem_alloc : memref<!tpu.dma_semaphore, #tpu.memory_space<semaphore_mem>>
      %dma_start3A = tpu.memref_slice %arg10[%add3A_22] : memref<1048576xf32, #tpu.memory_space<vmem_shared>> -> memref<8192xf32, #tpu.memory_space<vmem_shared>>
      %dma_start3A_91 = tpu.memref_slice %arg10[%add3A_22] : memref<1048576xf32, #tpu.memory_space<vmem_shared>> -> memref<8192xf32, #tpu.memory_space<vmem_shared>>
      tpu.enqueue_dma source(%arg9 : memref<8192xf32, #tpu.memory_space<vmem>>) target(%dma_start3A_91 : memref<8192xf32, #tpu.memory_space<vmem_shared>>) target_semaphore(%run_scoped3A : memref<!tpu.dma_semaphore, #tpu.memory_space<semaphore_mem>>)
      %dma_wait3A_92 = tpu.memref_slice %arg10[%add3A_22] : memref<1048576xf32, #tpu.memory_space<vmem_shared>> -> memref<8192xf32, #tpu.memory_space<vmem_shared>>
      %dma_wait3A_93 = tpu.memref_slice %arg10[%add3A_22] : memref<1048576xf32, #tpu.memory_space<vmem_shared>> -> memref<8192xf32, #tpu.memory_space<vmem_shared>>
      tpu.wait_dma2 semaphore(%run_scoped3A : memref<!tpu.dma_semaphore, #tpu.memory_space<semaphore_mem>>) src(%arg9 : memref<8192xf32, #tpu.memory_space<vmem>>) dst(%dma_wait3A_93 : memref<8192xf32, #tpu.memory_space<vmem_shared>>)
      tpu.yield
    }) : () -> ()
    %add3A_23 = arith.constant 32768 : i32
    %add3A_24 = arith.addi %mul3A_2, %add3A_23 : i32
    "tpu.region"() ({
      %run_scoped3A = tpu.sem_alloc : memref<!tpu.dma_semaphore, #tpu.memory_space<semaphore_mem>>
      %dma_start3A = tpu.memref_slice %arg10[%add3A_24] : memref<1048576xf32, #tpu.memory_space<vmem_shared>> -> memref<8192xf32, #tpu.memory_space<vmem_shared>>
      %dma_start3A_91 = tpu.memref_slice %arg10[%add3A_24] : memref<1048576xf32, #tpu.memory_space<vmem_shared>> -> memref<8192xf32, #tpu.memory_space<vmem_shared>>
      tpu.enqueue_dma source(%arg9 : memref<8192xf32, #tpu.memory_space<vmem>>) target(%dma_start3A_91 : memref<8192xf32, #tpu.memory_space<vmem_shared>>) target_semaphore(%run_scoped3A : memref<!tpu.dma_semaphore, #tpu.memory_space<semaphore_mem>>)
      %dma_wait3A_92 = tpu.memref_slice %arg10[%add3A_24] : memref<1048576xf32, #tpu.memory_space<vmem_shared>> -> memref<8192xf32, #tpu.memory_space<vmem_shared>>
      %dma_wait3A_93 = tpu.memref_slice %arg10[%add3A_24] : memref<1048576xf32, #tpu.memory_space<vmem_shared>> -> memref<8192xf32, #tpu.memory_space<vmem_shared>>
      tpu.wait_dma2 semaphore(%run_scoped3A : memref<!tpu.dma_semaphore, #tpu.memory_space<semaphore_mem>>) src(%arg9 : memref<8192xf32, #tpu.memory_space<vmem>>) dst(%dma_wait3A_93 : memref<8192xf32, #tpu.memory_space<vmem_shared>>)
      tpu.yield
    }) : () -> ()
    %add3A_25 = arith.constant 40960 : i32
    %add3A_26 = arith.addi %mul3A_2, %add3A_25 : i32
    "tpu.region"() ({
      %run_scoped3A = tpu.sem_alloc : memref<!tpu.dma_semaphore, #tpu.memory_space<semaphore_mem>>
      %dma_start3A = tpu.memref_slice %arg10[%add3A_26] : memref<1048576xf32, #tpu.memory_space<vmem_shared>> -> memref<8192xf32, #tpu.memory_space<vmem_shared>>
      %dma_start3A_91 = tpu.memref_slice %arg10[%add3A_26] : memref<1048576xf32, #tpu.memory_space<vmem_shared>> -> memref<8192xf32, #tpu.memory_space<vmem_shared>>
      tpu.enqueue_dma source(%arg9 : memref<8192xf32, #tpu.memory_space<vmem>>) target(%dma_start3A_91 : memref<8192xf32, #tpu.memory_space<vmem_shared>>) target_semaphore(%run_scoped3A : memref<!tpu.dma_semaphore, #tpu.memory_space<semaphore_mem>>)
      %dma_wait3A_92 = tpu.memref_slice %arg10[%add3A_26] : memref<1048576xf32, #tpu.memory_space<vmem_shared>> -> memref<8192xf32, #tpu.memory_space<vmem_shared>>
      %dma_wait3A_93 = tpu.memref_slice %arg10[%add3A_26] : memref<1048576xf32, #tpu.memory_space<vmem_shared>> -> memref<8192xf32, #tpu.memory_space<vmem_shared>>
      tpu.wait_dma2 semaphore(%run_scoped3A : memref<!tpu.dma_semaphore, #tpu.memory_space<semaphore_mem>>) src(%arg9 : memref<8192xf32, #tpu.memory_space<vmem>>) dst(%dma_wait3A_93 : memref<8192xf32, #tpu.memory_space<vmem_shared>>)
      tpu.yield
    }) : () -> ()
    %add3A_27 = arith.constant 49152 : i32
    %add3A_28 = arith.addi %mul3A_2, %add3A_27 : i32
    "tpu.region"() ({
      %run_scoped3A = tpu.sem_alloc : memref<!tpu.dma_semaphore, #tpu.memory_space<semaphore_mem>>
      %dma_start3A = tpu.memref_slice %arg10[%add3A_28] : memref<1048576xf32, #tpu.memory_space<vmem_shared>> -> memref<8192xf32, #tpu.memory_space<vmem_shared>>
      %dma_start3A_91 = tpu.memref_slice %arg10[%add3A_28] : memref<1048576xf32, #tpu.memory_space<vmem_shared>> -> memref<8192xf32, #tpu.memory_space<vmem_shared>>
      tpu.enqueue_dma source(%arg9 : memref<8192xf32, #tpu.memory_space<vmem>>) target(%dma_start3A_91 : memref<8192xf32, #tpu.memory_space<vmem_shared>>) target_semaphore(%run_scoped3A : memref<!tpu.dma_semaphore, #tpu.memory_space<semaphore_mem>>)
      %dma_wait3A_92 = tpu.memref_slice %arg10[%add3A_28] : memref<1048576xf32, #tpu.memory_space<vmem_shared>> -> memref<8192xf32, #tpu.memory_space<vmem_shared>>
      %dma_wait3A_93 = tpu.memref_slice %arg10[%add3A_28] : memref<1048576xf32, #tpu.memory_space<vmem_shared>> -> memref<8192xf32, #tpu.memory_space<vmem_shared>>
      tpu.wait_dma2 semaphore(%run_scoped3A : memref<!tpu.dma_semaphore, #tpu.memory_space<semaphore_mem>>) src(%arg9 : memref<8192xf32, #tpu.memory_space<vmem>>) dst(%dma_wait3A_93 : memref<8192xf32, #tpu.memory_space<vmem_shared>>)
      tpu.yield
    }) : () -> ()
    %add3A_29 = arith.constant 57344 : i32
    %add3A_30 = arith.addi %mul3A_2, %add3A_29 : i32
    "tpu.region"() ({
      %run_scoped3A = tpu.sem_alloc : memref<!tpu.dma_semaphore, #tpu.memory_space<semaphore_mem>>
      %dma_start3A = tpu.memref_slice %arg10[%add3A_30] : memref<1048576xf32, #tpu.memory_space<vmem_shared>> -> memref<8192xf32, #tpu.memory_space<vmem_shared>>
      %dma_start3A_91 = tpu.memref_slice %arg10[%add3A_30] : memref<1048576xf32, #tpu.memory_space<vmem_shared>> -> memref<8192xf32, #tpu.memory_space<vmem_shared>>
      tpu.enqueue_dma source(%arg9 : memref<8192xf32, #tpu.memory_space<vmem>>) target(%dma_start3A_91 : memref<8192xf32, #tpu.memory_space<vmem_shared>>) target_semaphore(%run_scoped3A : memref<!tpu.dma_semaphore, #tpu.memory_space<semaphore_mem>>)
      %dma_wait3A_92 = tpu.memref_slice %arg10[%add3A_30] : memref<1048576xf32, #tpu.memory_space<vmem_shared>> -> memref<8192xf32, #tpu.memory_space<vmem_shared>>
      %dma_wait3A_93 = tpu.memref_slice %arg10[%add3A_30] : memref<1048576xf32, #tpu.memory_space<vmem_shared>> -> memref<8192xf32, #tpu.memory_space<vmem_shared>>
      tpu.wait_dma2 semaphore(%run_scoped3A : memref<!tpu.dma_semaphore, #tpu.memory_space<semaphore_mem>>) src(%arg9 : memref<8192xf32, #tpu.memory_space<vmem>>) dst(%dma_wait3A_93 : memref<8192xf32, #tpu.memory_space<vmem_shared>>)
      tpu.yield
    }) : () -> ()
    %scan3A_31 = arith.constant 0 : i32
    %scan3A_32 = arith.constant 0 : i32
    %scan3A_33 = arith.constant 656 : i32
    %scan3A_34 = arith.addi %scan3A_32, %scan3A_33 : i32
    %scan3A_35 = arith.constant 1 : i32
    scf.for %scan3A_91 = %scan3A_32 to %scan3A_34 step %scan3A_35  : i32 {
      %mul3A_92 = arith.constant 16 : i32
      %mul3A_93 = arith.muli %scan3A_91, %mul3A_92 : i32
      %get3A = arith.index_cast %mul3A_93 : i32 to index
      %get3A_94 = tpu.vector_load %arg5[%get3A] {strides = array<i32>} : memref<10496xi32, #tpu.memory_space<vmem>>, vector<16xi32>,
      %get3A_95 = vector.shape_cast %get3A_94 : vector<16xi32> to vector<16xi32>
      %mul3A_96 = arith.constant 16 : i32
      %mul3A_97 = arith.muli %scan3A_91, %mul3A_96 : i32
      %get3A_98 = arith.index_cast %mul3A_97 : i32 to index
      %get3A_99 = tpu.vector_load %arg6[%get3A_98] {strides = array<i32>} : memref<10496xf32, #tpu.memory_space<vmem>>, vector<16xf32>,
      %get3A_100 = vector.shape_cast %get3A_99 : vector<16xf32> to vector<16xf32>
      %sub3A = vector.broadcast %mul3A_12 : i32 to vector<16xi32>
      %sub3A_101 = arith.subi %get3A_95, %sub3A : vector<16xi32>
      %ge3A = arith.constant 0 : i32
      %ge3A_102 = vector.broadcast %ge3A : i32 to vector<16xi32>
      %ge3A_103 = arith.cmpi sge, %sub3A_101, %ge3A_102 : vector<16xi32>
      %lt3A = arith.constant 1048576 : i32
      %lt3A_104 = vector.broadcast %lt3A : i32 to vector<16xi32>
      %lt3A_105 = arith.cmpi slt, %sub3A_101, %lt3A_104 : vector<16xi32>
      %and3A = arith.andi %ge3A_103, %lt3A_105 : vector<16xi1>
      %mul3A_106 = arith.constant 16 : i32
      %mul3A_107 = arith.muli %scan3A_91, %mul3A_106 : i32
      %add3A_108 = arith.addi %mul3A_0, %mul3A_107 : i32
      %add3A_109 = vector.broadcast %add3A_108 : i32 to vector<16xi32>
      %add3A_110 = arith.addi %add3A_109, %iota3A : vector<16xi32>
      %select_n3A = arith.select %and3A, %sub3A_101, %add3A_110 : vector<16xi1>, vector<16xi32>
      %jit3A = arith.constant 8 : i32
      %div3A = arith.divsi %scan3A_91, %jit3A : i32
      %sign3A = arith.constant 0 : i32
      %sign3A_111 = arith.cmpi sgt, %scan3A_91, %sign3A : i32
      %sign3A_112 = arith.extui %sign3A_111 : i1 to i32
      %sign3A_113 = arith.constant 0 : i32
      %sign3A_114 = arith.cmpi slt, %scan3A_91, %sign3A_113 : i32
      %sign3A_115 = arith.extui %sign3A_114 : i1 to i32
      %sign3A_116 = arith.subi %sign3A_112, %sign3A_115 : i32
      %sign3A_117 = arith.constant 0 : i32
      %sign3A_118 = arith.cmpi sgt, %jit3A, %sign3A_117 : i32
      %sign3A_119 = arith.extui %sign3A_118 : i1 to i32
      %sign3A_120 = arith.constant 0 : i32
      %sign3A_121 = arith.cmpi slt, %jit3A, %sign3A_120 : i32
      %sign3A_122 = arith.extui %sign3A_121 : i1 to i32
      %sign3A_123 = arith.subi %sign3A_119, %sign3A_122 : i32
      %ne3A = arith.cmpi ne, %sign3A_116, %sign3A_123 : i32
      %rem3A = arith.remsi %scan3A_91, %jit3A : i32
      %ne3A_124 = arith.constant 0 : i32
      %ne3A_125 = arith.cmpi ne, %rem3A, %ne3A_124 : i32
      %and3A_126 = arith.andi %ne3A, %ne3A_125 : i1
      %sub3A_127 = arith.constant 1 : i32
      %sub3A_128 = arith.subi %div3A, %sub3A_127 : i32
      %select_n3A_129 = arith.select %and3A_126, %sub3A_128, %div3A : i32
      %jit3A_130 = arith.constant 8 : i32
      %eq3A = arith.constant 0 : i32
      %eq3A_131 = arith.cmpi eq, %jit3A_130, %eq3A : i32
      %jit3A_132 = arith.constant 1 : i32
      %select_n3A_133 = arith.select %eq3A_131, %jit3A_132, %jit3A_130 : i32
      %rem3A_134 = arith.remsi %scan3A_91, %select_n3A_133 : i32
      %ne3A_135 = arith.constant 0 : i32
      %ne3A_136 = arith.cmpi ne, %rem3A_134, %ne3A_135 : i32
      %lt3A_137 = arith.constant 0 : i32
      %lt3A_138 = arith.cmpi slt, %rem3A_134, %lt3A_137 : i32
      %lt3A_139 = arith.constant 0 : i32
      %lt3A_140 = arith.cmpi slt, %select_n3A_133, %lt3A_139 : i32
      %ne3A_141 = arith.xori %lt3A_138, %lt3A_140 : i1
      %and3A_142 = arith.andi %ne3A_141, %ne3A_136 : i1
      %add3A_143 = arith.addi %rem3A_134, %select_n3A_133 : i32
      %select_n3A_144 = arith.select %and3A_142, %add3A_143, %rem3A_134 : i32
      %mul3A_145 = arith.constant 16 : i32
      %mul3A_146 = arith.muli %select_n3A_144, %mul3A_145 : i32
      %swap3A = arith.index_cast %select_n3A_129 : i32 to index
      %swap3A_147 = arith.index_cast %mul3A_146 : i32 to index
      %swap3A_148 = tpu.vector_load %arg7[%swap3A, %swap3A_147] {strides = array<i32>} : memref<82x128xi32, #tpu.memory_space<vmem>>, vector<1x16xi32>,
      %swap3A_149 = vector.shape_cast %swap3A_148 : vector<1x16xi32> to vector<16xi32>
      %swap3A_150 = vector.shape_cast %select_n3A : vector<16xi32> to vector<1x16xi32>
      tpu.vector_store %arg7[%swap3A, %swap3A_147], %swap3A_150 {strides = array<i32>} : memref<82x128xi32, #tpu.memory_space<vmem>>, vector<1x16xi32>,
      %jit3A_151 = arith.constant 0.000000e+00 : f32
      %broadcast_in_dim3A = vector.broadcast %jit3A_151 : f32 to vector<16xf32>
      %select_n3A_152 = arith.select %and3A, %get3A_100, %broadcast_in_dim3A : vector<16xi1>, vector<16xf32>
      %mul3A_153 = arith.constant 16 : i32
      %mul3A_154 = arith.muli %scan3A_91, %mul3A_153 : i32
      %swap3A_155 = arith.index_cast %mul3A_154 : i32 to index
      %swap3A_156 = tpu.vector_load %arg8[%swap3A_155] {strides = array<i32>} : memref<10496xf32, #tpu.memory_space<vmem>>, vector<16xf32>,
      %swap3A_157 = vector.shape_cast %swap3A_156 : vector<16xf32> to vector<16xf32>
      %swap3A_158 = vector.shape_cast %select_n3A_152 : vector<16xf32> to vector<16xf32>
      tpu.vector_store %arg8[%swap3A_155], %swap3A_158 {strides = array<i32>} : memref<10496xf32, #tpu.memory_space<vmem>>, vector<16xf32>,
    }
    %scan3A_36 = arith.constant 656 : i32
    %barrier3A = arith.constant 0 : index
    tpu.barrier barrier_id(%barrier3A)
    %scan3A_37 = arith.constant 0 : i32
    %scan3A_38 = arith.constant 0 : i32
    %scan3A_39 = arith.constant 82 : i32
    %scan3A_40 = arith.addi %scan3A_38, %scan3A_39 : i32
    %scan3A_41 = arith.constant 1 : i32
    scf.for %scan3A_91 = %scan3A_38 to %scan3A_40 step %scan3A_41  : i32 {
      %mul3A_92 = arith.constant 128 : i32
      %mul3A_93 = arith.muli %scan3A_91, %mul3A_92 : i32
      %dma_start3A = tpu.memref_slice %arg8[%mul3A_93] : memref<10496xf32, #tpu.memory_space<vmem>> -> memref<128xf32, #tpu.memory_space<vmem>>
      %dma_start3A_94 = arith.constant 0 : i32
      %dma_start3A_95 = tpu.memref_slice %arg7[%scan3A_91, %dma_start3A_94] : memref<82x128xi32, #tpu.memory_space<vmem>> -> memref<1x128xi32, #tpu.memory_space<vmem>>
      %dma_start3A_96 = tpu.memref_squeeze %dma_start3A_95 : memref<1x128xi32, #tpu.memory_space<vmem>> -> memref<128xi32, #tpu.memory_space<vmem>>
      %dma_start3A_97 = arith.constant 0 : i32
      %dma_start3A_98 = tpu.memref_slice %arg10[%dma_start3A_97] : memref<1048576xf32, #tpu.memory_space<vmem_shared>> -> memref<1048576xf32, #tpu.memory_space<vmem_shared>>
      tpu.enqueue_indirect_dma source(%dma_start3A : memref<128xf32, #tpu.memory_space<vmem>>) target(%dma_start3A_98 : memref<1048576xf32, #tpu.memory_space<vmem_shared>>) offsets(%dma_start3A_96 : memref<128xi32, #tpu.memory_space<vmem>>) semaphore(%arg11 : memref<!tpu.dma_semaphore, #tpu.memory_space<semaphore_mem>>) {add = true}
    }
    %scan3A_42 = arith.constant 82 : i32
    %dma_wait3A = arith.constant 0 : i32
    %dma_wait3A_43 = tpu.memref_slice %arg3[%dma_wait3A] : memref<167936xf32, #tpu.memory_space<hbm>> -> memref<10496xf32, #tpu.memory_space<hbm>>
    %dma_wait3A_44 = arith.constant 0 : i32
    %dma_wait3A_45 = tpu.memref_slice %arg3[%dma_wait3A_44] : memref<167936xf32, #tpu.memory_space<hbm>> -> memref<10496xf32, #tpu.memory_space<hbm>>
    tpu.wait_dma2 semaphore(%arg11 : memref<!tpu.dma_semaphore, #tpu.memory_space<semaphore_mem>>) src(%dma_wait3A_45 : memref<10496xf32, #tpu.memory_space<hbm>>) dst(%arg8 : memref<10496xf32, #tpu.memory_space<vmem>>)
    %barrier3A_46 = arith.constant 0 : index
    tpu.barrier barrier_id(%barrier3A_46)
    %add3A_47 = arith.addi %mul3A_14, %mul3A_2 : i32
    "tpu.region"() ({
      %run_scoped3A = tpu.sem_alloc : memref<!tpu.dma_semaphore, #tpu.memory_space<semaphore_mem>>
      %dma_start3A = tpu.memref_slice %arg4[%add3A_47] : memref<4194304xf32, #tpu.memory_space<hbm>> -> memref<65536xf32, #tpu.memory_space<hbm>>
      %dma_start3A_91 = tpu.memref_slice %arg10[%mul3A_2] : memref<1048576xf32, #tpu.memory_space<vmem_shared>> -> memref<65536xf32, #tpu.memory_space<vmem_shared>>
      tpu.enqueue_dma source(%dma_start3A_91 : memref<65536xf32, #tpu.memory_space<vmem_shared>>) target(%dma_start3A : memref<65536xf32, #tpu.memory_space<hbm>>) target_semaphore(%run_scoped3A : memref<!tpu.dma_semaphore, #tpu.memory_space<semaphore_mem>>)
      %dma_wait3A_92 = tpu.memref_slice %arg4[%add3A_47] : memref<4194304xf32, #tpu.memory_space<hbm>> -> memref<65536xf32, #tpu.memory_space<hbm>>
      %dma_wait3A_93 = tpu.memref_slice %arg10[%mul3A_2] : memref<1048576xf32, #tpu.memory_space<vmem_shared>> -> memref<65536xf32, #tpu.memory_space<vmem_shared>>
      tpu.wait_dma2 semaphore(%run_scoped3A : memref<!tpu.dma_semaphore, #tpu.memory_space<semaphore_mem>>) src(%dma_wait3A_93 : memref<65536xf32, #tpu.memory_space<vmem_shared>>) dst(%dma_wait3A_92 : memref<65536xf32, #tpu.memory_space<hbm>>)
      tpu.yield
    }) : () -> ()
    %add3A_48 = arith.constant 2 : i32
    %add3A_49 = arith.addi %add3A_48, %arg0 : i32
    %add3A_50 = arith.constant 4 : i32
    %add3A_51 = arith.addi %add3A_50, %add3A_49 : i32
    %mul3A_52 = arith.constant 1048576 : i32
    %mul3A_53 = arith.muli %add3A_51, %mul3A_52 : i32
    %mul3A_54 = arith.constant 1048576 : i32
    %mul3A_55 = arith.muli %add3A_49, %mul3A_54 : i32
    %add3A_56 = arith.constant 0 : i32
    %add3A_57 = arith.addi %mul3A_2, %add3A_56 : i32
    "tpu.region"() ({
      %run_scoped3A = tpu.sem_alloc : memref<!tpu.dma_semaphore, #tpu.memory_space<semaphore_mem>>
      %dma_start3A = tpu.memref_slice %arg10[%add3A_57] : memref<1048576xf32, #tpu.memory_space<vmem_shared>> -> memref<8192xf32, #tpu.memory_space<vmem_shared>>
      %dma_start3A_91 = tpu.memref_slice %arg10[%add3A_57] : memref<1048576xf32, #tpu.memory_space<vmem_shared>> -> memref<8192xf32, #tpu.memory_space<vmem_shared>>
      tpu.enqueue_dma source(%arg9 : memref<8192xf32, #tpu.memory_space<vmem>>) target(%dma_start3A_91 : memref<8192xf32, #tpu.memory_space<vmem_shared>>) target_semaphore(%run_scoped3A : memref<!tpu.dma_semaphore, #tpu.memory_space<semaphore_mem>>)
      %dma_wait3A_92 = tpu.memref_slice %arg10[%add3A_57] : memref<1048576xf32, #tpu.memory_space<vmem_shared>> -> memref<8192xf32, #tpu.memory_space<vmem_shared>>
      %dma_wait3A_93 = tpu.memref_slice %arg10[%add3A_57] : memref<1048576xf32, #tpu.memory_space<vmem_shared>> -> memref<8192xf32, #tpu.memory_space<vmem_shared>>
      tpu.wait_dma2 semaphore(%run_scoped3A : memref<!tpu.dma_semaphore, #tpu.memory_space<semaphore_mem>>) src(%arg9 : memref<8192xf32, #tpu.memory_space<vmem>>) dst(%dma_wait3A_93 : memref<8192xf32, #tpu.memory_space<vmem_shared>>)
      tpu.yield
    }) : () -> ()
    %add3A_58 = arith.constant 8192 : i32
    %add3A_59 = arith.addi %mul3A_2, %add3A_58 : i32
    "tpu.region"() ({
      %run_scoped3A = tpu.sem_alloc : memref<!tpu.dma_semaphore, #tpu.memory_space<semaphore_mem>>
      %dma_start3A = tpu.memref_slice %arg10[%add3A_59] : memref<1048576xf32, #tpu.memory_space<vmem_shared>> -> memref<8192xf32, #tpu.memory_space<vmem_shared>>
      %dma_start3A_91 = tpu.memref_slice %arg10[%add3A_59] : memref<1048576xf32, #tpu.memory_space<vmem_shared>> -> memref<8192xf32, #tpu.memory_space<vmem_shared>>
      tpu.enqueue_dma source(%arg9 : memref<8192xf32, #tpu.memory_space<vmem>>) target(%dma_start3A_91 : memref<8192xf32, #tpu.memory_space<vmem_shared>>) target_semaphore(%run_scoped3A : memref<!tpu.dma_semaphore, #tpu.memory_space<semaphore_mem>>)
      %dma_wait3A_92 = tpu.memref_slice %arg10[%add3A_59] : memref<1048576xf32, #tpu.memory_space<vmem_shared>> -> memref<8192xf32, #tpu.memory_space<vmem_shared>>
      %dma_wait3A_93 = tpu.memref_slice %arg10[%add3A_59] : memref<1048576xf32, #tpu.memory_space<vmem_shared>> -> memref<8192xf32, #tpu.memory_space<vmem_shared>>
      tpu.wait_dma2 semaphore(%run_scoped3A : memref<!tpu.dma_semaphore, #tpu.memory_space<semaphore_mem>>) src(%arg9 : memref<8192xf32, #tpu.memory_space<vmem>>) dst(%dma_wait3A_93 : memref<8192xf32, #tpu.memory_space<vmem_shared>>)
      tpu.yield
    }) : () -> ()
    %add3A_60 = arith.constant 16384 : i32
    %add3A_61 = arith.addi %mul3A_2, %add3A_60 : i32
    "tpu.region"() ({
      %run_scoped3A = tpu.sem_alloc : memref<!tpu.dma_semaphore, #tpu.memory_space<semaphore_mem>>
      %dma_start3A = tpu.memref_slice %arg10[%add3A_61] : memref<1048576xf32, #tpu.memory_space<vmem_shared>> -> memref<8192xf32, #tpu.memory_space<vmem_shared>>
      %dma_start3A_91 = tpu.memref_slice %arg10[%add3A_61] : memref<1048576xf32, #tpu.memory_space<vmem_shared>> -> memref<8192xf32, #tpu.memory_space<vmem_shared>>
      tpu.enqueue_dma source(%arg9 : memref<8192xf32, #tpu.memory_space<vmem>>) target(%dma_start3A_91 : memref<8192xf32, #tpu.memory_space<vmem_shared>>) target_semaphore(%run_scoped3A : memref<!tpu.dma_semaphore, #tpu.memory_space<semaphore_mem>>)
      %dma_wait3A_92 = tpu.memref_slice %arg10[%add3A_61] : memref<1048576xf32, #tpu.memory_space<vmem_shared>> -> memref<8192xf32, #tpu.memory_space<vmem_shared>>
      %dma_wait3A_93 = tpu.memref_slice %arg10[%add3A_61] : memref<1048576xf32, #tpu.memory_space<vmem_shared>> -> memref<8192xf32, #tpu.memory_space<vmem_shared>>
      tpu.wait_dma2 semaphore(%run_scoped3A : memref<!tpu.dma_semaphore, #tpu.memory_space<semaphore_mem>>) src(%arg9 : memref<8192xf32, #tpu.memory_space<vmem>>) dst(%dma_wait3A_93 : memref<8192xf32, #tpu.memory_space<vmem_shared>>)
      tpu.yield
    }) : () -> ()
    %add3A_62 = arith.constant 24576 : i32
    %add3A_63 = arith.addi %mul3A_2, %add3A_62 : i32
    "tpu.region"() ({
      %run_scoped3A = tpu.sem_alloc : memref<!tpu.dma_semaphore, #tpu.memory_space<semaphore_mem>>
      %dma_start3A = tpu.memref_slice %arg10[%add3A_63] : memref<1048576xf32, #tpu.memory_space<vmem_shared>> -> memref<8192xf32, #tpu.memory_space<vmem_shared>>
      %dma_start3A_91 = tpu.memref_slice %arg10[%add3A_63] : memref<1048576xf32, #tpu.memory_space<vmem_shared>> -> memref<8192xf32, #tpu.memory_space<vmem_shared>>
      tpu.enqueue_dma source(%arg9 : memref<8192xf32, #tpu.memory_space<vmem>>) target(%dma_start3A_91 : memref<8192xf32, #tpu.memory_space<vmem_shared>>) target_semaphore(%run_scoped3A : memref<!tpu.dma_semaphore, #tpu.memory_space<semaphore_mem>>)
      %dma_wait3A_92 = tpu.memref_slice %arg10[%add3A_63] : memref<1048576xf32, #tpu.memory_space<vmem_shared>> -> memref<8192xf32, #tpu.memory_space<vmem_shared>>
      %dma_wait3A_93 = tpu.memref_slice %arg10[%add3A_63] : memref<1048576xf32, #tpu.memory_space<vmem_shared>> -> memref<8192xf32, #tpu.memory_space<vmem_shared>>
      tpu.wait_dma2 semaphore(%run_scoped3A : memref<!tpu.dma_semaphore, #tpu.memory_space<semaphore_mem>>) src(%arg9 : memref<8192xf32, #tpu.memory_space<vmem>>) dst(%dma_wait3A_93 : memref<8192xf32, #tpu.memory_space<vmem_shared>>)
      tpu.yield
    }) : () -> ()
    %add3A_64 = arith.constant 32768 : i32
    %add3A_65 = arith.addi %mul3A_2, %add3A_64 : i32
    "tpu.region"() ({
      %run_scoped3A = tpu.sem_alloc : memref<!tpu.dma_semaphore, #tpu.memory_space<semaphore_mem>>
      %dma_start3A = tpu.memref_slice %arg10[%add3A_65] : memref<1048576xf32, #tpu.memory_space<vmem_shared>> -> memref<8192xf32, #tpu.memory_space<vmem_shared>>
      %dma_start3A_91 = tpu.memref_slice %arg10[%add3A_65] : memref<1048576xf32, #tpu.memory_space<vmem_shared>> -> memref<8192xf32, #tpu.memory_space<vmem_shared>>
      tpu.enqueue_dma source(%arg9 : memref<8192xf32, #tpu.memory_space<vmem>>) target(%dma_start3A_91 : memref<8192xf32, #tpu.memory_space<vmem_shared>>) target_semaphore(%run_scoped3A : memref<!tpu.dma_semaphore, #tpu.memory_space<semaphore_mem>>)
      %dma_wait3A_92 = tpu.memref_slice %arg10[%add3A_65] : memref<1048576xf32, #tpu.memory_space<vmem_shared>> -> memref<8192xf32, #tpu.memory_space<vmem_shared>>
      %dma_wait3A_93 = tpu.memref_slice %arg10[%add3A_65] : memref<1048576xf32, #tpu.memory_space<vmem_shared>> -> memref<8192xf32, #tpu.memory_space<vmem_shared>>
      tpu.wait_dma2 semaphore(%run_scoped3A : memref<!tpu.dma_semaphore, #tpu.memory_space<semaphore_mem>>) src(%arg9 : memref<8192xf32, #tpu.memory_space<vmem>>) dst(%dma_wait3A_93 : memref<8192xf32, #tpu.memory_space<vmem_shared>>)
      tpu.yield
    }) : () -> ()
    %add3A_66 = arith.constant 40960 : i32
    %add3A_67 = arith.addi %mul3A_2, %add3A_66 : i32
    "tpu.region"() ({
      %run_scoped3A = tpu.sem_alloc : memref<!tpu.dma_semaphore, #tpu.memory_space<semaphore_mem>>
      %dma_start3A = tpu.memref_slice %arg10[%add3A_67] : memref<1048576xf32, #tpu.memory_space<vmem_shared>> -> memref<8192xf32, #tpu.memory_space<vmem_shared>>
      %dma_start3A_91 = tpu.memref_slice %arg10[%add3A_67] : memref<1048576xf32, #tpu.memory_space<vmem_shared>> -> memref<8192xf32, #tpu.memory_space<vmem_shared>>
      tpu.enqueue_dma source(%arg9 : memref<8192xf32, #tpu.memory_space<vmem>>) target(%dma_start3A_91 : memref<8192xf32, #tpu.memory_space<vmem_shared>>) target_semaphore(%run_scoped3A : memref<!tpu.dma_semaphore, #tpu.memory_space<semaphore_mem>>)
      %dma_wait3A_92 = tpu.memref_slice %arg10[%add3A_67] : memref<1048576xf32, #tpu.memory_space<vmem_shared>> -> memref<8192xf32, #tpu.memory_space<vmem_shared>>
      %dma_wait3A_93 = tpu.memref_slice %arg10[%add3A_67] : memref<1048576xf32, #tpu.memory_space<vmem_shared>> -> memref<8192xf32, #tpu.memory_space<vmem_shared>>
      tpu.wait_dma2 semaphore(%run_scoped3A : memref<!tpu.dma_semaphore, #tpu.memory_space<semaphore_mem>>) src(%arg9 : memref<8192xf32, #tpu.memory_space<vmem>>) dst(%dma_wait3A_93 : memref<8192xf32, #tpu.memory_space<vmem_shared>>)
      tpu.yield
    }) : () -> ()
    %add3A_68 = arith.constant 49152 : i32
    %add3A_69 = arith.addi %mul3A_2, %add3A_68 : i32
    "tpu.region"() ({
      %run_scoped3A = tpu.sem_alloc : memref<!tpu.dma_semaphore, #tpu.memory_space<semaphore_mem>>
      %dma_start3A = tpu.memref_slice %arg10[%add3A_69] : memref<1048576xf32, #tpu.memory_space<vmem_shared>> -> memref<8192xf32, #tpu.memory_space<vmem_shared>>
      %dma_start3A_91 = tpu.memref_slice %arg10[%add3A_69] : memref<1048576xf32, #tpu.memory_space<vmem_shared>> -> memref<8192xf32, #tpu.memory_space<vmem_shared>>
      tpu.enqueue_dma source(%arg9 : memref<8192xf32, #tpu.memory_space<vmem>>) target(%dma_start3A_91 : memref<8192xf32, #tpu.memory_space<vmem_shared>>) target_semaphore(%run_scoped3A : memref<!tpu.dma_semaphore, #tpu.memory_space<semaphore_mem>>)
      %dma_wait3A_92 = tpu.memref_slice %arg10[%add3A_69] : memref<1048576xf32, #tpu.memory_space<vmem_shared>> -> memref<8192xf32, #tpu.memory_space<vmem_shared>>
      %dma_wait3A_93 = tpu.memref_slice %arg10[%add3A_69] : memref<1048576xf32, #tpu.memory_space<vmem_shared>> -> memref<8192xf32, #tpu.memory_space<vmem_shared>>
      tpu.wait_dma2 semaphore(%run_scoped3A : memref<!tpu.dma_semaphore, #tpu.memory_space<semaphore_mem>>) src(%arg9 : memref<8192xf32, #tpu.memory_space<vmem>>) dst(%dma_wait3A_93 : memref<8192xf32, #tpu.memory_space<vmem_shared>>)
      tpu.yield
    }) : () -> ()
    %add3A_70 = arith.constant 57344 : i32
    %add3A_71 = arith.addi %mul3A_2, %add3A_70 : i32
    "tpu.region"() ({
      %run_scoped3A = tpu.sem_alloc : memref<!tpu.dma_semaphore, #tpu.memory_space<semaphore_mem>>
      %dma_start3A = tpu.memref_slice %arg10[%add3A_71] : memref<1048576xf32, #tpu.memory_space<vmem_shared>> -> memref<8192xf32, #tpu.memory_space<vmem_shared>>
      %dma_start3A_91 = tpu.memref_slice %arg10[%add3A_71] : memref<1048576xf32, #tpu.memory_space<vmem_shared>> -> memref<8192xf32, #tpu.memory_space<vmem_shared>>
      tpu.enqueue_dma source(%arg9 : memref<8192xf32, #tpu.memory_space<vmem>>) target(%dma_start3A_91 : memref<8192xf32, #tpu.memory_space<vmem_shared>>) target_semaphore(%run_scoped3A : memref<!tpu.dma_semaphore, #tpu.memory_space<semaphore_mem>>)
      %dma_wait3A_92 = tpu.memref_slice %arg10[%add3A_71] : memref<1048576xf32, #tpu.memory_space<vmem_shared>> -> memref<8192xf32, #tpu.memory_space<vmem_shared>>
      %dma_wait3A_93 = tpu.memref_slice %arg10[%add3A_71] : memref<1048576xf32, #tpu.memory_space<vmem_shared>> -> memref<8192xf32, #tpu.memory_space<vmem_shared>>
      tpu.wait_dma2 semaphore(%run_scoped3A : memref<!tpu.dma_semaphore, #tpu.memory_space<semaphore_mem>>) src(%arg9 : memref<8192xf32, #tpu.memory_space<vmem>>) dst(%dma_wait3A_93 : memref<8192xf32, #tpu.memory_space<vmem_shared>>)
      tpu.yield
    }) : () -> ()
    %scan3A_72 = arith.constant 0 : i32
    %scan3A_73 = arith.constant 0 : i32
    %scan3A_74 = arith.constant 656 : i32
    %scan3A_75 = arith.addi %scan3A_73, %scan3A_74 : i32
    %scan3A_76 = arith.constant 1 : i32
    scf.for %scan3A_91 = %scan3A_73 to %scan3A_75 step %scan3A_76  : i32 {
      %mul3A_92 = arith.constant 16 : i32
      %mul3A_93 = arith.muli %scan3A_91, %mul3A_92 : i32
      %get3A = arith.index_cast %mul3A_93 : i32 to index
      %get3A_94 = tpu.vector_load %arg5[%get3A] {strides = array<i32>} : memref<10496xi32, #tpu.memory_space<vmem>>, vector<16xi32>,
      %get3A_95 = vector.shape_cast %get3A_94 : vector<16xi32> to vector<16xi32>
      %mul3A_96 = arith.constant 16 : i32
      %mul3A_97 = arith.muli %scan3A_91, %mul3A_96 : i32
      %get3A_98 = arith.index_cast %mul3A_97 : i32 to index
      %get3A_99 = tpu.vector_load %arg6[%get3A_98] {strides = array<i32>} : memref<10496xf32, #tpu.memory_space<vmem>>, vector<16xf32>,
      %get3A_100 = vector.shape_cast %get3A_99 : vector<16xf32> to vector<16xf32>
      %sub3A = vector.broadcast %mul3A_53 : i32 to vector<16xi32>
      %sub3A_101 = arith.subi %get3A_95, %sub3A : vector<16xi32>
      %ge3A = arith.constant 0 : i32
      %ge3A_102 = vector.broadcast %ge3A : i32 to vector<16xi32>
      %ge3A_103 = arith.cmpi sge, %sub3A_101, %ge3A_102 : vector<16xi32>
      %lt3A = arith.constant 1048576 : i32
      %lt3A_104 = vector.broadcast %lt3A : i32 to vector<16xi32>
      %lt3A_105 = arith.cmpi slt, %sub3A_101, %lt3A_104 : vector<16xi32>
      %and3A = arith.andi %ge3A_103, %lt3A_105 : vector<16xi1>
      %mul3A_106 = arith.constant 16 : i32
      %mul3A_107 = arith.muli %scan3A_91, %mul3A_106 : i32
      %add3A_108 = arith.addi %mul3A_0, %mul3A_107 : i32
      %add3A_109 = vector.broadcast %add3A_108 : i32 to vector<16xi32>
      %add3A_110 = arith.addi %add3A_109, %iota3A : vector<16xi32>
      %select_n3A = arith.select %and3A, %sub3A_101, %add3A_110 : vector<16xi1>, vector<16xi32>
      %jit3A = arith.constant 8 : i32
      %div3A = arith.divsi %scan3A_91, %jit3A : i32
      %sign3A = arith.constant 0 : i32
      %sign3A_111 = arith.cmpi sgt, %scan3A_91, %sign3A : i32
      %sign3A_112 = arith.extui %sign3A_111 : i1 to i32
      %sign3A_113 = arith.constant 0 : i32
      %sign3A_114 = arith.cmpi slt, %scan3A_91, %sign3A_113 : i32
      %sign3A_115 = arith.extui %sign3A_114 : i1 to i32
      %sign3A_116 = arith.subi %sign3A_112, %sign3A_115 : i32
      %sign3A_117 = arith.constant 0 : i32
      %sign3A_118 = arith.cmpi sgt, %jit3A, %sign3A_117 : i32
      %sign3A_119 = arith.extui %sign3A_118 : i1 to i32
      %sign3A_120 = arith.constant 0 : i32
      %sign3A_121 = arith.cmpi slt, %jit3A, %sign3A_120 : i32
      %sign3A_122 = arith.extui %sign3A_121 : i1 to i32
      %sign3A_123 = arith.subi %sign3A_119, %sign3A_122 : i32
      %ne3A = arith.cmpi ne, %sign3A_116, %sign3A_123 : i32
      %rem3A = arith.remsi %scan3A_91, %jit3A : i32
      %ne3A_124 = arith.constant 0 : i32
      %ne3A_125 = arith.cmpi ne, %rem3A, %ne3A_124 : i32
      %and3A_126 = arith.andi %ne3A, %ne3A_125 : i1
      %sub3A_127 = arith.constant 1 : i32
      %sub3A_128 = arith.subi %div3A, %sub3A_127 : i32
      %select_n3A_129 = arith.select %and3A_126, %sub3A_128, %div3A : i32
      %jit3A_130 = arith.constant 8 : i32
      %eq3A = arith.constant 0 : i32
      %eq3A_131 = arith.cmpi eq, %jit3A_130, %eq3A : i32
      %jit3A_132 = arith.constant 1 : i32
      %select_n3A_133 = arith.select %eq3A_131, %jit3A_132, %jit3A_130 : i32
      %rem3A_134 = arith.remsi %scan3A_91, %select_n3A_133 : i32
      %ne3A_135 = arith.constant 0 : i32
      %ne3A_136 = arith.cmpi ne, %rem3A_134, %ne3A_135 : i32
      %lt3A_137 = arith.constant 0 : i32
      %lt3A_138 = arith.cmpi slt, %rem3A_134, %lt3A_137 : i32
      %lt3A_139 = arith.constant 0 : i32
      %lt3A_140 = arith.cmpi slt, %select_n3A_133, %lt3A_139 : i32
      %ne3A_141 = arith.xori %lt3A_138, %lt3A_140 : i1
      %and3A_142 = arith.andi %ne3A_141, %ne3A_136 : i1
      %add3A_143 = arith.addi %rem3A_134, %select_n3A_133 : i32
      %select_n3A_144 = arith.select %and3A_142, %add3A_143, %rem3A_134 : i32
      %mul3A_145 = arith.constant 16 : i32
      %mul3A_146 = arith.muli %select_n3A_144, %mul3A_145 : i32
      %swap3A = arith.index_cast %select_n3A_129 : i32 to index
      %swap3A_147 = arith.index_cast %mul3A_146 : i32 to index
      %swap3A_148 = tpu.vector_load %arg7[%swap3A, %swap3A_147] {strides = array<i32>} : memref<82x128xi32, #tpu.memory_space<vmem>>, vector<1x16xi32>,
      %swap3A_149 = vector.shape_cast %swap3A_148 : vector<1x16xi32> to vector<16xi32>
      %swap3A_150 = vector.shape_cast %select_n3A : vector<16xi32> to vector<1x16xi32>
      tpu.vector_store %arg7[%swap3A, %swap3A_147], %swap3A_150 {strides = array<i32>} : memref<82x128xi32, #tpu.memory_space<vmem>>, vector<1x16xi32>,
      %jit3A_151 = arith.constant 0.000000e+00 : f32
      %broadcast_in_dim3A = vector.broadcast %jit3A_151 : f32 to vector<16xf32>
      %select_n3A_152 = arith.select %and3A, %get3A_100, %broadcast_in_dim3A : vector<16xi1>, vector<16xf32>
      %mul3A_153 = arith.constant 16 : i32
      %mul3A_154 = arith.muli %scan3A_91, %mul3A_153 : i32
      %swap3A_155 = arith.index_cast %mul3A_154 : i32 to index
      %swap3A_156 = tpu.vector_load %arg8[%swap3A_155] {strides = array<i32>} : memref<10496xf32, #tpu.memory_space<vmem>>, vector<16xf32>,
      %swap3A_157 = vector.shape_cast %swap3A_156 : vector<16xf32> to vector<16xf32>
      %swap3A_158 = vector.shape_cast %select_n3A_152 : vector<16xf32> to vector<16xf32>
      tpu.vector_store %arg8[%swap3A_155], %swap3A_158 {strides = array<i32>} : memref<10496xf32, #tpu.memory_space<vmem>>, vector<16xf32>,
    }
    %scan3A_77 = arith.constant 656 : i32
    %barrier3A_78 = arith.constant 0 : index
    tpu.barrier barrier_id(%barrier3A_78)
    %scan3A_79 = arith.constant 0 : i32
    %scan3A_80 = arith.constant 0 : i32
    %scan3A_81 = arith.constant 82 : i32
    %scan3A_82 = arith.addi %scan3A_80, %scan3A_81 : i32
    %scan3A_83 = arith.constant 1 : i32
    scf.for %scan3A_91 = %scan3A_80 to %scan3A_82 step %scan3A_83  : i32 {
      %mul3A_92 = arith.constant 128 : i32
      %mul3A_93 = arith.muli %scan3A_91, %mul3A_92 : i32
      %dma_start3A = tpu.memref_slice %arg8[%mul3A_93] : memref<10496xf32, #tpu.memory_space<vmem>> -> memref<128xf32, #tpu.memory_space<vmem>>
      %dma_start3A_94 = arith.constant 0 : i32
      %dma_start3A_95 = tpu.memref_slice %arg7[%scan3A_91, %dma_start3A_94] : memref<82x128xi32, #tpu.memory_space<vmem>> -> memref<1x128xi32, #tpu.memory_space<vmem>>
      %dma_start3A_96 = tpu.memref_squeeze %dma_start3A_95 : memref<1x128xi32, #tpu.memory_space<vmem>> -> memref<128xi32, #tpu.memory_space<vmem>>
      %dma_start3A_97 = arith.constant 0 : i32
      %dma_start3A_98 = tpu.memref_slice %arg10[%dma_start3A_97] : memref<1048576xf32, #tpu.memory_space<vmem_shared>> -> memref<1048576xf32, #tpu.memory_space<vmem_shared>>
      tpu.enqueue_indirect_dma source(%dma_start3A : memref<128xf32, #tpu.memory_space<vmem>>) target(%dma_start3A_98 : memref<1048576xf32, #tpu.memory_space<vmem_shared>>) offsets(%dma_start3A_96 : memref<128xi32, #tpu.memory_space<vmem>>) semaphore(%arg11 : memref<!tpu.dma_semaphore, #tpu.memory_space<semaphore_mem>>) {add = true}
    }
    %scan3A_84 = arith.constant 82 : i32
    %dma_wait3A_85 = arith.constant 0 : i32
    %dma_wait3A_86 = tpu.memref_slice %arg3[%dma_wait3A_85] : memref<167936xf32, #tpu.memory_space<hbm>> -> memref<10496xf32, #tpu.memory_space<hbm>>
    %dma_wait3A_87 = arith.constant 0 : i32
    %dma_wait3A_88 = tpu.memref_slice %arg3[%dma_wait3A_87] : memref<167936xf32, #tpu.memory_space<hbm>> -> memref<10496xf32, #tpu.memory_space<hbm>>
    tpu.wait_dma2 semaphore(%arg11 : memref<!tpu.dma_semaphore, #tpu.memory_space<semaphore_mem>>) src(%dma_wait3A_88 : memref<10496xf32, #tpu.memory_space<hbm>>) dst(%arg8 : memref<10496xf32, #tpu.memory_space<vmem>>)
    %barrier3A_89 = arith.constant 0 : index
    tpu.barrier barrier_id(%barrier3A_89)
    %add3A_90 = arith.addi %mul3A_55, %mul3A_2 : i32
    "tpu.region"() ({
      %run_scoped3A = tpu.sem_alloc : memref<!tpu.dma_semaphore, #tpu.memory_space<semaphore_mem>>
      %dma_start3A = tpu.memref_slice %arg4[%add3A_90] : memref<4194304xf32, #tpu.memory_space<hbm>> -> memref<65536xf32, #tpu.memory_space<hbm>>
      %dma_start3A_91 = tpu.memref_slice %arg10[%mul3A_2] : memref<1048576xf32, #tpu.memory_space<vmem_shared>> -> memref<65536xf32, #tpu.memory_space<vmem_shared>>
      tpu.enqueue_dma source(%dma_start3A_91 : memref<65536xf32, #tpu.memory_space<vmem_shared>>) target(%dma_start3A : memref<65536xf32, #tpu.memory_space<hbm>>) target_semaphore(%run_scoped3A : memref<!tpu.dma_semaphore, #tpu.memory_space<semaphore_mem>>)
      %dma_wait3A_92 = tpu.memref_slice %arg4[%add3A_90] : memref<4194304xf32, #tpu.memory_space<hbm>> -> memref<65536xf32, #tpu.memory_space<hbm>>
      %dma_wait3A_93 = tpu.memref_slice %arg10[%mul3A_2] : memref<1048576xf32, #tpu.memory_space<vmem_shared>> -> memref<65536xf32, #tpu.memory_space<vmem_shared>>
      tpu.wait_dma2 semaphore(%run_scoped3A : memref<!tpu.dma_semaphore, #tpu.memory_space<semaphore_mem>>) src(%dma_wait3A_93 : memref<65536xf32, #tpu.memory_space<vmem_shared>>) dst(%dma_wait3A_92 : memref<65536xf32, #tpu.memory_space<hbm>>)
      tpu.yield
    }) : () -> ()
    return
  }
}

#map = affine_map<(d0, d1) -> (0)>
module attributes {stable_mosaic.version = 14 : i64} {
  func.func @densify_kernel(%arg0: i32, %arg1: i32, %arg2: memref<167936xi32, #tpu.memory_space<hbm>>, %arg3: memref<167936xf32, #tpu.memory_space<hbm>>, %arg4: memref<8388608xf32, #tpu.memory_space<hbm>>, %arg5: memref<10496xi32, #tpu.memory_space<vmem>>, %arg6: memref<10496xf32, #tpu.memory_space<vmem>>, %arg7: memref<82x128xi32, #tpu.memory_space<vmem>>, %arg8: memref<10496xf32, #tpu.memory_space<vmem>>, %arg9: memref<8192xf32, #tpu.memory_space<vmem>>, %arg10: memref<1048576xf32, #tpu.memory_space<vmem_shared>>, %arg11: memref<!tpu.dma_semaphore, #tpu.memory_space<semaphore_mem>>) attributes {dimension_semantics = [#tpu.dimension_semantics<core_parallel>, #tpu.dimension_semantics<subcore_parallel>], iteration_bounds = array<i64: 2, 16>, scalar_prefetch = 0 : i64, scratch_operands = 7 : i64, tpu.core_type = #tpu.core_type<sc_vector_subcore>, window_params = [{transform_indices = #map}, {transform_indices = #map}, {transform_indices = #map}]} {
    %mul3A = arith.constant 10496 : i32
    %mul3A_0 = arith.muli %arg1, %mul3A : i32
    %mul3A_1 = arith.constant 65536 : i32
    %mul3A_2 = arith.muli %arg1, %mul3A_1 : i32
    "tpu.region"() ({
      %run_scoped3A = tpu.sem_alloc : memref<!tpu.dma_semaphore, #tpu.memory_space<semaphore_mem>>
      %dma_start3A = tpu.memref_slice %arg2[%mul3A_0] : memref<167936xi32, #tpu.memory_space<hbm>> -> memref<10496xi32, #tpu.memory_space<hbm>>
      %dma_start3A_177 = tpu.memref_slice %arg2[%mul3A_0] : memref<167936xi32, #tpu.memory_space<hbm>> -> memref<10496xi32, #tpu.memory_space<hbm>>
      tpu.enqueue_dma source(%dma_start3A_177 : memref<10496xi32, #tpu.memory_space<hbm>>) target(%arg5 : memref<10496xi32, #tpu.memory_space<vmem>>) target_semaphore(%run_scoped3A : memref<!tpu.dma_semaphore, #tpu.memory_space<semaphore_mem>>)
      %dma_wait3A_178 = tpu.memref_slice %arg2[%mul3A_0] : memref<167936xi32, #tpu.memory_space<hbm>> -> memref<10496xi32, #tpu.memory_space<hbm>>
      %dma_wait3A_179 = tpu.memref_slice %arg2[%mul3A_0] : memref<167936xi32, #tpu.memory_space<hbm>> -> memref<10496xi32, #tpu.memory_space<hbm>>
      tpu.wait_dma2 semaphore(%run_scoped3A : memref<!tpu.dma_semaphore, #tpu.memory_space<semaphore_mem>>) src(%dma_wait3A_179 : memref<10496xi32, #tpu.memory_space<hbm>>) dst(%arg5 : memref<10496xi32, #tpu.memory_space<vmem>>)
      tpu.yield
    }) : () -> ()
    "tpu.region"() ({
      %run_scoped3A = tpu.sem_alloc : memref<!tpu.dma_semaphore, #tpu.memory_space<semaphore_mem>>
      %dma_start3A = tpu.memref_slice %arg3[%mul3A_0] : memref<167936xf32, #tpu.memory_space<hbm>> -> memref<10496xf32, #tpu.memory_space<hbm>>
      %dma_start3A_177 = tpu.memref_slice %arg3[%mul3A_0] : memref<167936xf32, #tpu.memory_space<hbm>> -> memref<10496xf32, #tpu.memory_space<hbm>>
      tpu.enqueue_dma source(%dma_start3A_177 : memref<10496xf32, #tpu.memory_space<hbm>>) target(%arg6 : memref<10496xf32, #tpu.memory_space<vmem>>) target_semaphore(%run_scoped3A : memref<!tpu.dma_semaphore, #tpu.memory_space<semaphore_mem>>)
      %dma_wait3A_178 = tpu.memref_slice %arg3[%mul3A_0] : memref<167936xf32, #tpu.memory_space<hbm>> -> memref<10496xf32, #tpu.memory_space<hbm>>
      %dma_wait3A_179 = tpu.memref_slice %arg3[%mul3A_0] : memref<167936xf32, #tpu.memory_space<hbm>> -> memref<10496xf32, #tpu.memory_space<hbm>>
      tpu.wait_dma2 semaphore(%run_scoped3A : memref<!tpu.dma_semaphore, #tpu.memory_space<semaphore_mem>>) src(%dma_wait3A_179 : memref<10496xf32, #tpu.memory_space<hbm>>) dst(%arg6 : memref<10496xf32, #tpu.memory_space<vmem>>)
      tpu.yield
    }) : () -> ()
    %scan3A = arith.constant 0 : i32
    %scan3A_3 = arith.constant 0 : i32
    %scan3A_4 = arith.constant 512 : i32
    %scan3A_5 = arith.addi %scan3A_3, %scan3A_4 : i32
    %scan3A_6 = arith.constant 1 : i32
    scf.for %scan3A_177 = %scan3A_3 to %scan3A_5 step %scan3A_6  : i32 {
      %broadcast_in_dim3A = arith.constant 0.000000e+00 : f32
      %broadcast_in_dim3A_178 = vector.broadcast %broadcast_in_dim3A : f32 to vector<16xf32>
      %mul3A_179 = arith.constant 16 : i32
      %mul3A_180 = arith.muli %scan3A_177, %mul3A_179 : i32
      %swap3A = arith.index_cast %mul3A_180 : i32 to index
      %swap3A_181 = tpu.vector_load %arg9[%swap3A] {strides = array<i32>} : memref<8192xf32, #tpu.memory_space<vmem>>, vector<16xf32>,
      %swap3A_182 = vector.shape_cast %swap3A_181 : vector<16xf32> to vector<16xf32>
      %swap3A_183 = vector.shape_cast %broadcast_in_dim3A_178 : vector<16xf32> to vector<16xf32>
      tpu.vector_store %arg9[%swap3A], %swap3A_183 {strides = array<i32>} : memref<8192xf32, #tpu.memory_space<vmem>>, vector<16xf32>,
    }
    %scan3A_7 = arith.constant 512 : i32
    %iota3A = tpu.iota {dimensions = array<i32: 0>} : vector<16xi32>
    %add3A = arith.constant 0 : i32
    %add3A_8 = arith.addi %add3A, %arg0 : i32
    %add3A_9 = arith.constant 8 : i32
    %add3A_10 = arith.addi %add3A_9, %add3A_8 : i32
    %mul3A_11 = arith.constant 1048576 : i32
    %mul3A_12 = arith.muli %add3A_10, %mul3A_11 : i32
    %mul3A_13 = arith.constant 1048576 : i32
    %mul3A_14 = arith.muli %add3A_8, %mul3A_13 : i32
    %add3A_15 = arith.constant 0 : i32
    %add3A_16 = arith.addi %mul3A_2, %add3A_15 : i32
    "tpu.region"() ({
      %run_scoped3A = tpu.sem_alloc : memref<!tpu.dma_semaphore, #tpu.memory_space<semaphore_mem>>
      %dma_start3A = tpu.memref_slice %arg10[%add3A_16] : memref<1048576xf32, #tpu.memory_space<vmem_shared>> -> memref<8192xf32, #tpu.memory_space<vmem_shared>>
      %dma_start3A_177 = tpu.memref_slice %arg10[%add3A_16] : memref<1048576xf32, #tpu.memory_space<vmem_shared>> -> memref<8192xf32, #tpu.memory_space<vmem_shared>>
      tpu.enqueue_dma source(%arg9 : memref<8192xf32, #tpu.memory_space<vmem>>) target(%dma_start3A_177 : memref<8192xf32, #tpu.memory_space<vmem_shared>>) target_semaphore(%run_scoped3A : memref<!tpu.dma_semaphore, #tpu.memory_space<semaphore_mem>>)
      %dma_wait3A_178 = tpu.memref_slice %arg10[%add3A_16] : memref<1048576xf32, #tpu.memory_space<vmem_shared>> -> memref<8192xf32, #tpu.memory_space<vmem_shared>>
      %dma_wait3A_179 = tpu.memref_slice %arg10[%add3A_16] : memref<1048576xf32, #tpu.memory_space<vmem_shared>> -> memref<8192xf32, #tpu.memory_space<vmem_shared>>
      tpu.wait_dma2 semaphore(%run_scoped3A : memref<!tpu.dma_semaphore, #tpu.memory_space<semaphore_mem>>) src(%arg9 : memref<8192xf32, #tpu.memory_space<vmem>>) dst(%dma_wait3A_179 : memref<8192xf32, #tpu.memory_space<vmem_shared>>)
      tpu.yield
    }) : () -> ()
    %add3A_17 = arith.constant 8192 : i32
    %add3A_18 = arith.addi %mul3A_2, %add3A_17 : i32
    "tpu.region"() ({
      %run_scoped3A = tpu.sem_alloc : memref<!tpu.dma_semaphore, #tpu.memory_space<semaphore_mem>>
      %dma_start3A = tpu.memref_slice %arg10[%add3A_18] : memref<1048576xf32, #tpu.memory_space<vmem_shared>> -> memref<8192xf32, #tpu.memory_space<vmem_shared>>
      %dma_start3A_177 = tpu.memref_slice %arg10[%add3A_18] : memref<1048576xf32, #tpu.memory_space<vmem_shared>> -> memref<8192xf32, #tpu.memory_space<vmem_shared>>
      tpu.enqueue_dma source(%arg9 : memref<8192xf32, #tpu.memory_space<vmem>>) target(%dma_start3A_177 : memref<8192xf32, #tpu.memory_space<vmem_shared>>) target_semaphore(%run_scoped3A : memref<!tpu.dma_semaphore, #tpu.memory_space<semaphore_mem>>)
      %dma_wait3A_178 = tpu.memref_slice %arg10[%add3A_18] : memref<1048576xf32, #tpu.memory_space<vmem_shared>> -> memref<8192xf32, #tpu.memory_space<vmem_shared>>
      %dma_wait3A_179 = tpu.memref_slice %arg10[%add3A_18] : memref<1048576xf32, #tpu.memory_space<vmem_shared>> -> memref<8192xf32, #tpu.memory_space<vmem_shared>>
      tpu.wait_dma2 semaphore(%run_scoped3A : memref<!tpu.dma_semaphore, #tpu.memory_space<semaphore_mem>>) src(%arg9 : memref<8192xf32, #tpu.memory_space<vmem>>) dst(%dma_wait3A_179 : memref<8192xf32, #tpu.memory_space<vmem_shared>>)
      tpu.yield
    }) : () -> ()
    %add3A_19 = arith.constant 16384 : i32
    %add3A_20 = arith.addi %mul3A_2, %add3A_19 : i32
    "tpu.region"() ({
      %run_scoped3A = tpu.sem_alloc : memref<!tpu.dma_semaphore, #tpu.memory_space<semaphore_mem>>
      %dma_start3A = tpu.memref_slice %arg10[%add3A_20] : memref<1048576xf32, #tpu.memory_space<vmem_shared>> -> memref<8192xf32, #tpu.memory_space<vmem_shared>>
      %dma_start3A_177 = tpu.memref_slice %arg10[%add3A_20] : memref<1048576xf32, #tpu.memory_space<vmem_shared>> -> memref<8192xf32, #tpu.memory_space<vmem_shared>>
      tpu.enqueue_dma source(%arg9 : memref<8192xf32, #tpu.memory_space<vmem>>) target(%dma_start3A_177 : memref<8192xf32, #tpu.memory_space<vmem_shared>>) target_semaphore(%run_scoped3A : memref<!tpu.dma_semaphore, #tpu.memory_space<semaphore_mem>>)
      %dma_wait3A_178 = tpu.memref_slice %arg10[%add3A_20] : memref<1048576xf32, #tpu.memory_space<vmem_shared>> -> memref<8192xf32, #tpu.memory_space<vmem_shared>>
      %dma_wait3A_179 = tpu.memref_slice %arg10[%add3A_20] : memref<1048576xf32, #tpu.memory_space<vmem_shared>> -> memref<8192xf32, #tpu.memory_space<vmem_shared>>
      tpu.wait_dma2 semaphore(%run_scoped3A : memref<!tpu.dma_semaphore, #tpu.memory_space<semaphore_mem>>) src(%arg9 : memref<8192xf32, #tpu.memory_space<vmem>>) dst(%dma_wait3A_179 : memref<8192xf32, #tpu.memory_space<vmem_shared>>)
      tpu.yield
    }) : () -> ()
    %add3A_21 = arith.constant 24576 : i32
    %add3A_22 = arith.addi %mul3A_2, %add3A_21 : i32
    "tpu.region"() ({
      %run_scoped3A = tpu.sem_alloc : memref<!tpu.dma_semaphore, #tpu.memory_space<semaphore_mem>>
      %dma_start3A = tpu.memref_slice %arg10[%add3A_22] : memref<1048576xf32, #tpu.memory_space<vmem_shared>> -> memref<8192xf32, #tpu.memory_space<vmem_shared>>
      %dma_start3A_177 = tpu.memref_slice %arg10[%add3A_22] : memref<1048576xf32, #tpu.memory_space<vmem_shared>> -> memref<8192xf32, #tpu.memory_space<vmem_shared>>
      tpu.enqueue_dma source(%arg9 : memref<8192xf32, #tpu.memory_space<vmem>>) target(%dma_start3A_177 : memref<8192xf32, #tpu.memory_space<vmem_shared>>) target_semaphore(%run_scoped3A : memref<!tpu.dma_semaphore, #tpu.memory_space<semaphore_mem>>)
      %dma_wait3A_178 = tpu.memref_slice %arg10[%add3A_22] : memref<1048576xf32, #tpu.memory_space<vmem_shared>> -> memref<8192xf32, #tpu.memory_space<vmem_shared>>
      %dma_wait3A_179 = tpu.memref_slice %arg10[%add3A_22] : memref<1048576xf32, #tpu.memory_space<vmem_shared>> -> memref<8192xf32, #tpu.memory_space<vmem_shared>>
      tpu.wait_dma2 semaphore(%run_scoped3A : memref<!tpu.dma_semaphore, #tpu.memory_space<semaphore_mem>>) src(%arg9 : memref<8192xf32, #tpu.memory_space<vmem>>) dst(%dma_wait3A_179 : memref<8192xf32, #tpu.memory_space<vmem_shared>>)
      tpu.yield
    }) : () -> ()
    %add3A_23 = arith.constant 32768 : i32
    %add3A_24 = arith.addi %mul3A_2, %add3A_23 : i32
    "tpu.region"() ({
      %run_scoped3A = tpu.sem_alloc : memref<!tpu.dma_semaphore, #tpu.memory_space<semaphore_mem>>
      %dma_start3A = tpu.memref_slice %arg10[%add3A_24] : memref<1048576xf32, #tpu.memory_space<vmem_shared>> -> memref<8192xf32, #tpu.memory_space<vmem_shared>>
      %dma_start3A_177 = tpu.memref_slice %arg10[%add3A_24] : memref<1048576xf32, #tpu.memory_space<vmem_shared>> -> memref<8192xf32, #tpu.memory_space<vmem_shared>>
      tpu.enqueue_dma source(%arg9 : memref<8192xf32, #tpu.memory_space<vmem>>) target(%dma_start3A_177 : memref<8192xf32, #tpu.memory_space<vmem_shared>>) target_semaphore(%run_scoped3A : memref<!tpu.dma_semaphore, #tpu.memory_space<semaphore_mem>>)
      %dma_wait3A_178 = tpu.memref_slice %arg10[%add3A_24] : memref<1048576xf32, #tpu.memory_space<vmem_shared>> -> memref<8192xf32, #tpu.memory_space<vmem_shared>>
      %dma_wait3A_179 = tpu.memref_slice %arg10[%add3A_24] : memref<1048576xf32, #tpu.memory_space<vmem_shared>> -> memref<8192xf32, #tpu.memory_space<vmem_shared>>
      tpu.wait_dma2 semaphore(%run_scoped3A : memref<!tpu.dma_semaphore, #tpu.memory_space<semaphore_mem>>) src(%arg9 : memref<8192xf32, #tpu.memory_space<vmem>>) dst(%dma_wait3A_179 : memref<8192xf32, #tpu.memory_space<vmem_shared>>)
      tpu.yield
    }) : () -> ()
    %add3A_25 = arith.constant 40960 : i32
    %add3A_26 = arith.addi %mul3A_2, %add3A_25 : i32
    "tpu.region"() ({
      %run_scoped3A = tpu.sem_alloc : memref<!tpu.dma_semaphore, #tpu.memory_space<semaphore_mem>>
      %dma_start3A = tpu.memref_slice %arg10[%add3A_26] : memref<1048576xf32, #tpu.memory_space<vmem_shared>> -> memref<8192xf32, #tpu.memory_space<vmem_shared>>
      %dma_start3A_177 = tpu.memref_slice %arg10[%add3A_26] : memref<1048576xf32, #tpu.memory_space<vmem_shared>> -> memref<8192xf32, #tpu.memory_space<vmem_shared>>
      tpu.enqueue_dma source(%arg9 : memref<8192xf32, #tpu.memory_space<vmem>>) target(%dma_start3A_177 : memref<8192xf32, #tpu.memory_space<vmem_shared>>) target_semaphore(%run_scoped3A : memref<!tpu.dma_semaphore, #tpu.memory_space<semaphore_mem>>)
      %dma_wait3A_178 = tpu.memref_slice %arg10[%add3A_26] : memref<1048576xf32, #tpu.memory_space<vmem_shared>> -> memref<8192xf32, #tpu.memory_space<vmem_shared>>
      %dma_wait3A_179 = tpu.memref_slice %arg10[%add3A_26] : memref<1048576xf32, #tpu.memory_space<vmem_shared>> -> memref<8192xf32, #tpu.memory_space<vmem_shared>>
      tpu.wait_dma2 semaphore(%run_scoped3A : memref<!tpu.dma_semaphore, #tpu.memory_space<semaphore_mem>>) src(%arg9 : memref<8192xf32, #tpu.memory_space<vmem>>) dst(%dma_wait3A_179 : memref<8192xf32, #tpu.memory_space<vmem_shared>>)
      tpu.yield
    }) : () -> ()
    %add3A_27 = arith.constant 49152 : i32
    %add3A_28 = arith.addi %mul3A_2, %add3A_27 : i32
    "tpu.region"() ({
      %run_scoped3A = tpu.sem_alloc : memref<!tpu.dma_semaphore, #tpu.memory_space<semaphore_mem>>
      %dma_start3A = tpu.memref_slice %arg10[%add3A_28] : memref<1048576xf32, #tpu.memory_space<vmem_shared>> -> memref<8192xf32, #tpu.memory_space<vmem_shared>>
      %dma_start3A_177 = tpu.memref_slice %arg10[%add3A_28] : memref<1048576xf32, #tpu.memory_space<vmem_shared>> -> memref<8192xf32, #tpu.memory_space<vmem_shared>>
      tpu.enqueue_dma source(%arg9 : memref<8192xf32, #tpu.memory_space<vmem>>) target(%dma_start3A_177 : memref<8192xf32, #tpu.memory_space<vmem_shared>>) target_semaphore(%run_scoped3A : memref<!tpu.dma_semaphore, #tpu.memory_space<semaphore_mem>>)
      %dma_wait3A_178 = tpu.memref_slice %arg10[%add3A_28] : memref<1048576xf32, #tpu.memory_space<vmem_shared>> -> memref<8192xf32, #tpu.memory_space<vmem_shared>>
      %dma_wait3A_179 = tpu.memref_slice %arg10[%add3A_28] : memref<1048576xf32, #tpu.memory_space<vmem_shared>> -> memref<8192xf32, #tpu.memory_space<vmem_shared>>
      tpu.wait_dma2 semaphore(%run_scoped3A : memref<!tpu.dma_semaphore, #tpu.memory_space<semaphore_mem>>) src(%arg9 : memref<8192xf32, #tpu.memory_space<vmem>>) dst(%dma_wait3A_179 : memref<8192xf32, #tpu.memory_space<vmem_shared>>)
      tpu.yield
    }) : () -> ()
    %add3A_29 = arith.constant 57344 : i32
    %add3A_30 = arith.addi %mul3A_2, %add3A_29 : i32
    "tpu.region"() ({
      %run_scoped3A = tpu.sem_alloc : memref<!tpu.dma_semaphore, #tpu.memory_space<semaphore_mem>>
      %dma_start3A = tpu.memref_slice %arg10[%add3A_30] : memref<1048576xf32, #tpu.memory_space<vmem_shared>> -> memref<8192xf32, #tpu.memory_space<vmem_shared>>
      %dma_start3A_177 = tpu.memref_slice %arg10[%add3A_30] : memref<1048576xf32, #tpu.memory_space<vmem_shared>> -> memref<8192xf32, #tpu.memory_space<vmem_shared>>
      tpu.enqueue_dma source(%arg9 : memref<8192xf32, #tpu.memory_space<vmem>>) target(%dma_start3A_177 : memref<8192xf32, #tpu.memory_space<vmem_shared>>) target_semaphore(%run_scoped3A : memref<!tpu.dma_semaphore, #tpu.memory_space<semaphore_mem>>)
      %dma_wait3A_178 = tpu.memref_slice %arg10[%add3A_30] : memref<1048576xf32, #tpu.memory_space<vmem_shared>> -> memref<8192xf32, #tpu.memory_space<vmem_shared>>
      %dma_wait3A_179 = tpu.memref_slice %arg10[%add3A_30] : memref<1048576xf32, #tpu.memory_space<vmem_shared>> -> memref<8192xf32, #tpu.memory_space<vmem_shared>>
      tpu.wait_dma2 semaphore(%run_scoped3A : memref<!tpu.dma_semaphore, #tpu.memory_space<semaphore_mem>>) src(%arg9 : memref<8192xf32, #tpu.memory_space<vmem>>) dst(%dma_wait3A_179 : memref<8192xf32, #tpu.memory_space<vmem_shared>>)
      tpu.yield
    }) : () -> ()
    %scan3A_31 = arith.constant 0 : i32
    %scan3A_32 = arith.constant 0 : i32
    %scan3A_33 = arith.constant 656 : i32
    %scan3A_34 = arith.addi %scan3A_32, %scan3A_33 : i32
    %scan3A_35 = arith.constant 1 : i32
    scf.for %scan3A_177 = %scan3A_32 to %scan3A_34 step %scan3A_35  : i32 {
      %mul3A_178 = arith.constant 16 : i32
      %mul3A_179 = arith.muli %scan3A_177, %mul3A_178 : i32
      %get3A = arith.index_cast %mul3A_179 : i32 to index
      %get3A_180 = tpu.vector_load %arg5[%get3A] {strides = array<i32>} : memref<10496xi32, #tpu.memory_space<vmem>>, vector<16xi32>,
      %get3A_181 = vector.shape_cast %get3A_180 : vector<16xi32> to vector<16xi32>
      %mul3A_182 = arith.constant 16 : i32
      %mul3A_183 = arith.muli %scan3A_177, %mul3A_182 : i32
      %get3A_184 = arith.index_cast %mul3A_183 : i32 to index
      %get3A_185 = tpu.vector_load %arg6[%get3A_184] {strides = array<i32>} : memref<10496xf32, #tpu.memory_space<vmem>>, vector<16xf32>,
      %get3A_186 = vector.shape_cast %get3A_185 : vector<16xf32> to vector<16xf32>
      %sub3A = vector.broadcast %mul3A_12 : i32 to vector<16xi32>
      %sub3A_187 = arith.subi %get3A_181, %sub3A : vector<16xi32>
      %ge3A = arith.constant 0 : i32
      %ge3A_188 = vector.broadcast %ge3A : i32 to vector<16xi32>
      %ge3A_189 = arith.cmpi sge, %sub3A_187, %ge3A_188 : vector<16xi32>
      %lt3A = arith.constant 1048576 : i32
      %lt3A_190 = vector.broadcast %lt3A : i32 to vector<16xi32>
      %lt3A_191 = arith.cmpi slt, %sub3A_187, %lt3A_190 : vector<16xi32>
      %and3A = arith.andi %ge3A_189, %lt3A_191 : vector<16xi1>
      %mul3A_192 = arith.constant 16 : i32
      %mul3A_193 = arith.muli %scan3A_177, %mul3A_192 : i32
      %add3A_194 = arith.addi %mul3A_0, %mul3A_193 : i32
      %add3A_195 = vector.broadcast %add3A_194 : i32 to vector<16xi32>
      %add3A_196 = arith.addi %add3A_195, %iota3A : vector<16xi32>
      %select_n3A = arith.select %and3A, %sub3A_187, %add3A_196 : vector<16xi1>, vector<16xi32>
      %jit3A = arith.constant 8 : i32
      %div3A = arith.divsi %scan3A_177, %jit3A : i32
      %sign3A = arith.constant 0 : i32
      %sign3A_197 = arith.cmpi sgt, %scan3A_177, %sign3A : i32
      %sign3A_198 = arith.extui %sign3A_197 : i1 to i32
      %sign3A_199 = arith.constant 0 : i32
      %sign3A_200 = arith.cmpi slt, %scan3A_177, %sign3A_199 : i32
      %sign3A_201 = arith.extui %sign3A_200 : i1 to i32
      %sign3A_202 = arith.subi %sign3A_198, %sign3A_201 : i32
      %sign3A_203 = arith.constant 0 : i32
      %sign3A_204 = arith.cmpi sgt, %jit3A, %sign3A_203 : i32
      %sign3A_205 = arith.extui %sign3A_204 : i1 to i32
      %sign3A_206 = arith.constant 0 : i32
      %sign3A_207 = arith.cmpi slt, %jit3A, %sign3A_206 : i32
      %sign3A_208 = arith.extui %sign3A_207 : i1 to i32
      %sign3A_209 = arith.subi %sign3A_205, %sign3A_208 : i32
      %ne3A = arith.cmpi ne, %sign3A_202, %sign3A_209 : i32
      %rem3A = arith.remsi %scan3A_177, %jit3A : i32
      %ne3A_210 = arith.constant 0 : i32
      %ne3A_211 = arith.cmpi ne, %rem3A, %ne3A_210 : i32
      %and3A_212 = arith.andi %ne3A, %ne3A_211 : i1
      %sub3A_213 = arith.constant 1 : i32
      %sub3A_214 = arith.subi %div3A, %sub3A_213 : i32
      %select_n3A_215 = arith.select %and3A_212, %sub3A_214, %div3A : i32
      %jit3A_216 = arith.constant 8 : i32
      %eq3A = arith.constant 0 : i32
      %eq3A_217 = arith.cmpi eq, %jit3A_216, %eq3A : i32
      %jit3A_218 = arith.constant 1 : i32
      %select_n3A_219 = arith.select %eq3A_217, %jit3A_218, %jit3A_216 : i32
      %rem3A_220 = arith.remsi %scan3A_177, %select_n3A_219 : i32
      %ne3A_221 = arith.constant 0 : i32
      %ne3A_222 = arith.cmpi ne, %rem3A_220, %ne3A_221 : i32
      %lt3A_223 = arith.constant 0 : i32
      %lt3A_224 = arith.cmpi slt, %rem3A_220, %lt3A_223 : i32
      %lt3A_225 = arith.constant 0 : i32
      %lt3A_226 = arith.cmpi slt, %select_n3A_219, %lt3A_225 : i32
      %ne3A_227 = arith.xori %lt3A_224, %lt3A_226 : i1
      %and3A_228 = arith.andi %ne3A_227, %ne3A_222 : i1
      %add3A_229 = arith.addi %rem3A_220, %select_n3A_219 : i32
      %select_n3A_230 = arith.select %and3A_228, %add3A_229, %rem3A_220 : i32
      %mul3A_231 = arith.constant 16 : i32
      %mul3A_232 = arith.muli %select_n3A_230, %mul3A_231 : i32
      %swap3A = arith.index_cast %select_n3A_215 : i32 to index
      %swap3A_233 = arith.index_cast %mul3A_232 : i32 to index
      %swap3A_234 = tpu.vector_load %arg7[%swap3A, %swap3A_233] {strides = array<i32>} : memref<82x128xi32, #tpu.memory_space<vmem>>, vector<1x16xi32>,
      %swap3A_235 = vector.shape_cast %swap3A_234 : vector<1x16xi32> to vector<16xi32>
      %swap3A_236 = vector.shape_cast %select_n3A : vector<16xi32> to vector<1x16xi32>
      tpu.vector_store %arg7[%swap3A, %swap3A_233], %swap3A_236 {strides = array<i32>} : memref<82x128xi32, #tpu.memory_space<vmem>>, vector<1x16xi32>,
      %jit3A_237 = arith.constant 0.000000e+00 : f32
      %broadcast_in_dim3A = vector.broadcast %jit3A_237 : f32 to vector<16xf32>
      %select_n3A_238 = arith.select %and3A, %get3A_186, %broadcast_in_dim3A : vector<16xi1>, vector<16xf32>
      %mul3A_239 = arith.constant 16 : i32
      %mul3A_240 = arith.muli %scan3A_177, %mul3A_239 : i32
      %swap3A_241 = arith.index_cast %mul3A_240 : i32 to index
      %swap3A_242 = tpu.vector_load %arg8[%swap3A_241] {strides = array<i32>} : memref<10496xf32, #tpu.memory_space<vmem>>, vector<16xf32>,
      %swap3A_243 = vector.shape_cast %swap3A_242 : vector<16xf32> to vector<16xf32>
      %swap3A_244 = vector.shape_cast %select_n3A_238 : vector<16xf32> to vector<16xf32>
      tpu.vector_store %arg8[%swap3A_241], %swap3A_244 {strides = array<i32>} : memref<10496xf32, #tpu.memory_space<vmem>>, vector<16xf32>,
    }
    %scan3A_36 = arith.constant 656 : i32
    %barrier3A = arith.constant 0 : index
    tpu.barrier barrier_id(%barrier3A)
    %scan3A_37 = arith.constant 0 : i32
    %scan3A_38 = arith.constant 0 : i32
    %scan3A_39 = arith.constant 82 : i32
    %scan3A_40 = arith.addi %scan3A_38, %scan3A_39 : i32
    %scan3A_41 = arith.constant 1 : i32
    scf.for %scan3A_177 = %scan3A_38 to %scan3A_40 step %scan3A_41  : i32 {
      %mul3A_178 = arith.constant 128 : i32
      %mul3A_179 = arith.muli %scan3A_177, %mul3A_178 : i32
      %dma_start3A = tpu.memref_slice %arg8[%mul3A_179] : memref<10496xf32, #tpu.memory_space<vmem>> -> memref<128xf32, #tpu.memory_space<vmem>>
      %dma_start3A_180 = arith.constant 0 : i32
      %dma_start3A_181 = tpu.memref_slice %arg7[%scan3A_177, %dma_start3A_180] : memref<82x128xi32, #tpu.memory_space<vmem>> -> memref<1x128xi32, #tpu.memory_space<vmem>>
      %dma_start3A_182 = tpu.memref_squeeze %dma_start3A_181 : memref<1x128xi32, #tpu.memory_space<vmem>> -> memref<128xi32, #tpu.memory_space<vmem>>
      %dma_start3A_183 = arith.constant 0 : i32
      %dma_start3A_184 = tpu.memref_slice %arg10[%dma_start3A_183] : memref<1048576xf32, #tpu.memory_space<vmem_shared>> -> memref<1048576xf32, #tpu.memory_space<vmem_shared>>
      tpu.enqueue_indirect_dma source(%dma_start3A : memref<128xf32, #tpu.memory_space<vmem>>) target(%dma_start3A_184 : memref<1048576xf32, #tpu.memory_space<vmem_shared>>) offsets(%dma_start3A_182 : memref<128xi32, #tpu.memory_space<vmem>>) semaphore(%arg11 : memref<!tpu.dma_semaphore, #tpu.memory_space<semaphore_mem>>) {add = true}
    }
    %scan3A_42 = arith.constant 82 : i32
    %dma_wait3A = arith.constant 0 : i32
    %dma_wait3A_43 = tpu.memref_slice %arg3[%dma_wait3A] : memref<167936xf32, #tpu.memory_space<hbm>> -> memref<10496xf32, #tpu.memory_space<hbm>>
    %dma_wait3A_44 = arith.constant 0 : i32
    %dma_wait3A_45 = tpu.memref_slice %arg3[%dma_wait3A_44] : memref<167936xf32, #tpu.memory_space<hbm>> -> memref<10496xf32, #tpu.memory_space<hbm>>
    tpu.wait_dma2 semaphore(%arg11 : memref<!tpu.dma_semaphore, #tpu.memory_space<semaphore_mem>>) src(%dma_wait3A_45 : memref<10496xf32, #tpu.memory_space<hbm>>) dst(%arg8 : memref<10496xf32, #tpu.memory_space<vmem>>)
    %barrier3A_46 = arith.constant 0 : index
    tpu.barrier barrier_id(%barrier3A_46)
    %add3A_47 = arith.addi %mul3A_14, %mul3A_2 : i32
    "tpu.region"() ({
      %run_scoped3A = tpu.sem_alloc : memref<!tpu.dma_semaphore, #tpu.memory_space<semaphore_mem>>
      %dma_start3A = tpu.memref_slice %arg4[%add3A_47] : memref<8388608xf32, #tpu.memory_space<hbm>> -> memref<65536xf32, #tpu.memory_space<hbm>>
      %dma_start3A_177 = tpu.memref_slice %arg10[%mul3A_2] : memref<1048576xf32, #tpu.memory_space<vmem_shared>> -> memref<65536xf32, #tpu.memory_space<vmem_shared>>
      tpu.enqueue_dma source(%dma_start3A_177 : memref<65536xf32, #tpu.memory_space<vmem_shared>>) target(%dma_start3A : memref<65536xf32, #tpu.memory_space<hbm>>) target_semaphore(%run_scoped3A : memref<!tpu.dma_semaphore, #tpu.memory_space<semaphore_mem>>)
      %dma_wait3A_178 = tpu.memref_slice %arg4[%add3A_47] : memref<8388608xf32, #tpu.memory_space<hbm>> -> memref<65536xf32, #tpu.memory_space<hbm>>
      %dma_wait3A_179 = tpu.memref_slice %arg10[%mul3A_2] : memref<1048576xf32, #tpu.memory_space<vmem_shared>> -> memref<65536xf32, #tpu.memory_space<vmem_shared>>
      tpu.wait_dma2 semaphore(%run_scoped3A : memref<!tpu.dma_semaphore, #tpu.memory_space<semaphore_mem>>) src(%dma_wait3A_179 : memref<65536xf32, #tpu.memory_space<vmem_shared>>) dst(%dma_wait3A_178 : memref<65536xf32, #tpu.memory_space<hbm>>)
      tpu.yield
    }) : () -> ()
    %add3A_48 = arith.constant 2 : i32
    %add3A_49 = arith.addi %add3A_48, %arg0 : i32
    %add3A_50 = arith.constant 8 : i32
    %add3A_51 = arith.addi %add3A_50, %add3A_49 : i32
    %mul3A_52 = arith.constant 1048576 : i32
    %mul3A_53 = arith.muli %add3A_51, %mul3A_52 : i32
    %mul3A_54 = arith.constant 1048576 : i32
    %mul3A_55 = arith.muli %add3A_49, %mul3A_54 : i32
    %add3A_56 = arith.constant 0 : i32
    %add3A_57 = arith.addi %mul3A_2, %add3A_56 : i32
    "tpu.region"() ({
      %run_scoped3A = tpu.sem_alloc : memref<!tpu.dma_semaphore, #tpu.memory_space<semaphore_mem>>
      %dma_start3A = tpu.memref_slice %arg10[%add3A_57] : memref<1048576xf32, #tpu.memory_space<vmem_shared>> -> memref<8192xf32, #tpu.memory_space<vmem_shared>>
      %dma_start3A_177 = tpu.memref_slice %arg10[%add3A_57] : memref<1048576xf32, #tpu.memory_space<vmem_shared>> -> memref<8192xf32, #tpu.memory_space<vmem_shared>>
      tpu.enqueue_dma source(%arg9 : memref<8192xf32, #tpu.memory_space<vmem>>) target(%dma_start3A_177 : memref<8192xf32, #tpu.memory_space<vmem_shared>>) target_semaphore(%run_scoped3A : memref<!tpu.dma_semaphore, #tpu.memory_space<semaphore_mem>>)
      %dma_wait3A_178 = tpu.memref_slice %arg10[%add3A_57] : memref<1048576xf32, #tpu.memory_space<vmem_shared>> -> memref<8192xf32, #tpu.memory_space<vmem_shared>>
      %dma_wait3A_179 = tpu.memref_slice %arg10[%add3A_57] : memref<1048576xf32, #tpu.memory_space<vmem_shared>> -> memref<8192xf32, #tpu.memory_space<vmem_shared>>
      tpu.wait_dma2 semaphore(%run_scoped3A : memref<!tpu.dma_semaphore, #tpu.memory_space<semaphore_mem>>) src(%arg9 : memref<8192xf32, #tpu.memory_space<vmem>>) dst(%dma_wait3A_179 : memref<8192xf32, #tpu.memory_space<vmem_shared>>)
      tpu.yield
    }) : () -> ()
    %add3A_58 = arith.constant 8192 : i32
    %add3A_59 = arith.addi %mul3A_2, %add3A_58 : i32
    "tpu.region"() ({
      %run_scoped3A = tpu.sem_alloc : memref<!tpu.dma_semaphore, #tpu.memory_space<semaphore_mem>>
      %dma_start3A = tpu.memref_slice %arg10[%add3A_59] : memref<1048576xf32, #tpu.memory_space<vmem_shared>> -> memref<8192xf32, #tpu.memory_space<vmem_shared>>
      %dma_start3A_177 = tpu.memref_slice %arg10[%add3A_59] : memref<1048576xf32, #tpu.memory_space<vmem_shared>> -> memref<8192xf32, #tpu.memory_space<vmem_shared>>
      tpu.enqueue_dma source(%arg9 : memref<8192xf32, #tpu.memory_space<vmem>>) target(%dma_start3A_177 : memref<8192xf32, #tpu.memory_space<vmem_shared>>) target_semaphore(%run_scoped3A : memref<!tpu.dma_semaphore, #tpu.memory_space<semaphore_mem>>)
      %dma_wait3A_178 = tpu.memref_slice %arg10[%add3A_59] : memref<1048576xf32, #tpu.memory_space<vmem_shared>> -> memref<8192xf32, #tpu.memory_space<vmem_shared>>
      %dma_wait3A_179 = tpu.memref_slice %arg10[%add3A_59] : memref<1048576xf32, #tpu.memory_space<vmem_shared>> -> memref<8192xf32, #tpu.memory_space<vmem_shared>>
      tpu.wait_dma2 semaphore(%run_scoped3A : memref<!tpu.dma_semaphore, #tpu.memory_space<semaphore_mem>>) src(%arg9 : memref<8192xf32, #tpu.memory_space<vmem>>) dst(%dma_wait3A_179 : memref<8192xf32, #tpu.memory_space<vmem_shared>>)
      tpu.yield
    }) : () -> ()
    %add3A_60 = arith.constant 16384 : i32
    %add3A_61 = arith.addi %mul3A_2, %add3A_60 : i32
    "tpu.region"() ({
      %run_scoped3A = tpu.sem_alloc : memref<!tpu.dma_semaphore, #tpu.memory_space<semaphore_mem>>
      %dma_start3A = tpu.memref_slice %arg10[%add3A_61] : memref<1048576xf32, #tpu.memory_space<vmem_shared>> -> memref<8192xf32, #tpu.memory_space<vmem_shared>>
      %dma_start3A_177 = tpu.memref_slice %arg10[%add3A_61] : memref<1048576xf32, #tpu.memory_space<vmem_shared>> -> memref<8192xf32, #tpu.memory_space<vmem_shared>>
      tpu.enqueue_dma source(%arg9 : memref<8192xf32, #tpu.memory_space<vmem>>) target(%dma_start3A_177 : memref<8192xf32, #tpu.memory_space<vmem_shared>>) target_semaphore(%run_scoped3A : memref<!tpu.dma_semaphore, #tpu.memory_space<semaphore_mem>>)
      %dma_wait3A_178 = tpu.memref_slice %arg10[%add3A_61] : memref<1048576xf32, #tpu.memory_space<vmem_shared>> -> memref<8192xf32, #tpu.memory_space<vmem_shared>>
      %dma_wait3A_179 = tpu.memref_slice %arg10[%add3A_61] : memref<1048576xf32, #tpu.memory_space<vmem_shared>> -> memref<8192xf32, #tpu.memory_space<vmem_shared>>
      tpu.wait_dma2 semaphore(%run_scoped3A : memref<!tpu.dma_semaphore, #tpu.memory_space<semaphore_mem>>) src(%arg9 : memref<8192xf32, #tpu.memory_space<vmem>>) dst(%dma_wait3A_179 : memref<8192xf32, #tpu.memory_space<vmem_shared>>)
      tpu.yield
    }) : () -> ()
    %add3A_62 = arith.constant 24576 : i32
    %add3A_63 = arith.addi %mul3A_2, %add3A_62 : i32
    "tpu.region"() ({
      %run_scoped3A = tpu.sem_alloc : memref<!tpu.dma_semaphore, #tpu.memory_space<semaphore_mem>>
      %dma_start3A = tpu.memref_slice %arg10[%add3A_63] : memref<1048576xf32, #tpu.memory_space<vmem_shared>> -> memref<8192xf32, #tpu.memory_space<vmem_shared>>
      %dma_start3A_177 = tpu.memref_slice %arg10[%add3A_63] : memref<1048576xf32, #tpu.memory_space<vmem_shared>> -> memref<8192xf32, #tpu.memory_space<vmem_shared>>
      tpu.enqueue_dma source(%arg9 : memref<8192xf32, #tpu.memory_space<vmem>>) target(%dma_start3A_177 : memref<8192xf32, #tpu.memory_space<vmem_shared>>) target_semaphore(%run_scoped3A : memref<!tpu.dma_semaphore, #tpu.memory_space<semaphore_mem>>)
      %dma_wait3A_178 = tpu.memref_slice %arg10[%add3A_63] : memref<1048576xf32, #tpu.memory_space<vmem_shared>> -> memref<8192xf32, #tpu.memory_space<vmem_shared>>
      %dma_wait3A_179 = tpu.memref_slice %arg10[%add3A_63] : memref<1048576xf32, #tpu.memory_space<vmem_shared>> -> memref<8192xf32, #tpu.memory_space<vmem_shared>>
      tpu.wait_dma2 semaphore(%run_scoped3A : memref<!tpu.dma_semaphore, #tpu.memory_space<semaphore_mem>>) src(%arg9 : memref<8192xf32, #tpu.memory_space<vmem>>) dst(%dma_wait3A_179 : memref<8192xf32, #tpu.memory_space<vmem_shared>>)
      tpu.yield
    }) : () -> ()
    %add3A_64 = arith.constant 32768 : i32
    %add3A_65 = arith.addi %mul3A_2, %add3A_64 : i32
    "tpu.region"() ({
      %run_scoped3A = tpu.sem_alloc : memref<!tpu.dma_semaphore, #tpu.memory_space<semaphore_mem>>
      %dma_start3A = tpu.memref_slice %arg10[%add3A_65] : memref<1048576xf32, #tpu.memory_space<vmem_shared>> -> memref<8192xf32, #tpu.memory_space<vmem_shared>>
      %dma_start3A_177 = tpu.memref_slice %arg10[%add3A_65] : memref<1048576xf32, #tpu.memory_space<vmem_shared>> -> memref<8192xf32, #tpu.memory_space<vmem_shared>>
      tpu.enqueue_dma source(%arg9 : memref<8192xf32, #tpu.memory_space<vmem>>) target(%dma_start3A_177 : memref<8192xf32, #tpu.memory_space<vmem_shared>>) target_semaphore(%run_scoped3A : memref<!tpu.dma_semaphore, #tpu.memory_space<semaphore_mem>>)
      %dma_wait3A_178 = tpu.memref_slice %arg10[%add3A_65] : memref<1048576xf32, #tpu.memory_space<vmem_shared>> -> memref<8192xf32, #tpu.memory_space<vmem_shared>>
      %dma_wait3A_179 = tpu.memref_slice %arg10[%add3A_65] : memref<1048576xf32, #tpu.memory_space<vmem_shared>> -> memref<8192xf32, #tpu.memory_space<vmem_shared>>
      tpu.wait_dma2 semaphore(%run_scoped3A : memref<!tpu.dma_semaphore, #tpu.memory_space<semaphore_mem>>) src(%arg9 : memref<8192xf32, #tpu.memory_space<vmem>>) dst(%dma_wait3A_179 : memref<8192xf32, #tpu.memory_space<vmem_shared>>)
      tpu.yield
    }) : () -> ()
    %add3A_66 = arith.constant 40960 : i32
    %add3A_67 = arith.addi %mul3A_2, %add3A_66 : i32
    "tpu.region"() ({
      %run_scoped3A = tpu.sem_alloc : memref<!tpu.dma_semaphore, #tpu.memory_space<semaphore_mem>>
      %dma_start3A = tpu.memref_slice %arg10[%add3A_67] : memref<1048576xf32, #tpu.memory_space<vmem_shared>> -> memref<8192xf32, #tpu.memory_space<vmem_shared>>
      %dma_start3A_177 = tpu.memref_slice %arg10[%add3A_67] : memref<1048576xf32, #tpu.memory_space<vmem_shared>> -> memref<8192xf32, #tpu.memory_space<vmem_shared>>
      tpu.enqueue_dma source(%arg9 : memref<8192xf32, #tpu.memory_space<vmem>>) target(%dma_start3A_177 : memref<8192xf32, #tpu.memory_space<vmem_shared>>) target_semaphore(%run_scoped3A : memref<!tpu.dma_semaphore, #tpu.memory_space<semaphore_mem>>)
      %dma_wait3A_178 = tpu.memref_slice %arg10[%add3A_67] : memref<1048576xf32, #tpu.memory_space<vmem_shared>> -> memref<8192xf32, #tpu.memory_space<vmem_shared>>
      %dma_wait3A_179 = tpu.memref_slice %arg10[%add3A_67] : memref<1048576xf32, #tpu.memory_space<vmem_shared>> -> memref<8192xf32, #tpu.memory_space<vmem_shared>>
      tpu.wait_dma2 semaphore(%run_scoped3A : memref<!tpu.dma_semaphore, #tpu.memory_space<semaphore_mem>>) src(%arg9 : memref<8192xf32, #tpu.memory_space<vmem>>) dst(%dma_wait3A_179 : memref<8192xf32, #tpu.memory_space<vmem_shared>>)
      tpu.yield
    }) : () -> ()
    %add3A_68 = arith.constant 49152 : i32
    %add3A_69 = arith.addi %mul3A_2, %add3A_68 : i32
    "tpu.region"() ({
      %run_scoped3A = tpu.sem_alloc : memref<!tpu.dma_semaphore, #tpu.memory_space<semaphore_mem>>
      %dma_start3A = tpu.memref_slice %arg10[%add3A_69] : memref<1048576xf32, #tpu.memory_space<vmem_shared>> -> memref<8192xf32, #tpu.memory_space<vmem_shared>>
      %dma_start3A_177 = tpu.memref_slice %arg10[%add3A_69] : memref<1048576xf32, #tpu.memory_space<vmem_shared>> -> memref<8192xf32, #tpu.memory_space<vmem_shared>>
      tpu.enqueue_dma source(%arg9 : memref<8192xf32, #tpu.memory_space<vmem>>) target(%dma_start3A_177 : memref<8192xf32, #tpu.memory_space<vmem_shared>>) target_semaphore(%run_scoped3A : memref<!tpu.dma_semaphore, #tpu.memory_space<semaphore_mem>>)
      %dma_wait3A_178 = tpu.memref_slice %arg10[%add3A_69] : memref<1048576xf32, #tpu.memory_space<vmem_shared>> -> memref<8192xf32, #tpu.memory_space<vmem_shared>>
      %dma_wait3A_179 = tpu.memref_slice %arg10[%add3A_69] : memref<1048576xf32, #tpu.memory_space<vmem_shared>> -> memref<8192xf32, #tpu.memory_space<vmem_shared>>
      tpu.wait_dma2 semaphore(%run_scoped3A : memref<!tpu.dma_semaphore, #tpu.memory_space<semaphore_mem>>) src(%arg9 : memref<8192xf32, #tpu.memory_space<vmem>>) dst(%dma_wait3A_179 : memref<8192xf32, #tpu.memory_space<vmem_shared>>)
      tpu.yield
    }) : () -> ()
    %add3A_70 = arith.constant 57344 : i32
    %add3A_71 = arith.addi %mul3A_2, %add3A_70 : i32
    "tpu.region"() ({
      %run_scoped3A = tpu.sem_alloc : memref<!tpu.dma_semaphore, #tpu.memory_space<semaphore_mem>>
      %dma_start3A = tpu.memref_slice %arg10[%add3A_71] : memref<1048576xf32, #tpu.memory_space<vmem_shared>> -> memref<8192xf32, #tpu.memory_space<vmem_shared>>
      %dma_start3A_177 = tpu.memref_slice %arg10[%add3A_71] : memref<1048576xf32, #tpu.memory_space<vmem_shared>> -> memref<8192xf32, #tpu.memory_space<vmem_shared>>
      tpu.enqueue_dma source(%arg9 : memref<8192xf32, #tpu.memory_space<vmem>>) target(%dma_start3A_177 : memref<8192xf32, #tpu.memory_space<vmem_shared>>) target_semaphore(%run_scoped3A : memref<!tpu.dma_semaphore, #tpu.memory_space<semaphore_mem>>)
      %dma_wait3A_178 = tpu.memref_slice %arg10[%add3A_71] : memref<1048576xf32, #tpu.memory_space<vmem_shared>> -> memref<8192xf32, #tpu.memory_space<vmem_shared>>
      %dma_wait3A_179 = tpu.memref_slice %arg10[%add3A_71] : memref<1048576xf32, #tpu.memory_space<vmem_shared>> -> memref<8192xf32, #tpu.memory_space<vmem_shared>>
      tpu.wait_dma2 semaphore(%run_scoped3A : memref<!tpu.dma_semaphore, #tpu.memory_space<semaphore_mem>>) src(%arg9 : memref<8192xf32, #tpu.memory_space<vmem>>) dst(%dma_wait3A_179 : memref<8192xf32, #tpu.memory_space<vmem_shared>>)
      tpu.yield
    }) : () -> ()
    %scan3A_72 = arith.constant 0 : i32
    %scan3A_73 = arith.constant 0 : i32
    %scan3A_74 = arith.constant 656 : i32
    %scan3A_75 = arith.addi %scan3A_73, %scan3A_74 : i32
    %scan3A_76 = arith.constant 1 : i32
    scf.for %scan3A_177 = %scan3A_73 to %scan3A_75 step %scan3A_76  : i32 {
      %mul3A_178 = arith.constant 16 : i32
      %mul3A_179 = arith.muli %scan3A_177, %mul3A_178 : i32
      %get3A = arith.index_cast %mul3A_179 : i32 to index
      %get3A_180 = tpu.vector_load %arg5[%get3A] {strides = array<i32>} : memref<10496xi32, #tpu.memory_space<vmem>>, vector<16xi32>,
      %get3A_181 = vector.shape_cast %get3A_180 : vector<16xi32> to vector<16xi32>
      %mul3A_182 = arith.constant 16 : i32
      %mul3A_183 = arith.muli %scan3A_177, %mul3A_182 : i32
      %get3A_184 = arith.index_cast %mul3A_183 : i32 to index
      %get3A_185 = tpu.vector_load %arg6[%get3A_184] {strides = array<i32>} : memref<10496xf32, #tpu.memory_space<vmem>>, vector<16xf32>,
      %get3A_186 = vector.shape_cast %get3A_185 : vector<16xf32> to vector<16xf32>
      %sub3A = vector.broadcast %mul3A_53 : i32 to vector<16xi32>
      %sub3A_187 = arith.subi %get3A_181, %sub3A : vector<16xi32>
      %ge3A = arith.constant 0 : i32
      %ge3A_188 = vector.broadcast %ge3A : i32 to vector<16xi32>
      %ge3A_189 = arith.cmpi sge, %sub3A_187, %ge3A_188 : vector<16xi32>
      %lt3A = arith.constant 1048576 : i32
      %lt3A_190 = vector.broadcast %lt3A : i32 to vector<16xi32>
      %lt3A_191 = arith.cmpi slt, %sub3A_187, %lt3A_190 : vector<16xi32>
      %and3A = arith.andi %ge3A_189, %lt3A_191 : vector<16xi1>
      %mul3A_192 = arith.constant 16 : i32
      %mul3A_193 = arith.muli %scan3A_177, %mul3A_192 : i32
      %add3A_194 = arith.addi %mul3A_0, %mul3A_193 : i32
      %add3A_195 = vector.broadcast %add3A_194 : i32 to vector<16xi32>
      %add3A_196 = arith.addi %add3A_195, %iota3A : vector<16xi32>
      %select_n3A = arith.select %and3A, %sub3A_187, %add3A_196 : vector<16xi1>, vector<16xi32>
      %jit3A = arith.constant 8 : i32
      %div3A = arith.divsi %scan3A_177, %jit3A : i32
      %sign3A = arith.constant 0 : i32
      %sign3A_197 = arith.cmpi sgt, %scan3A_177, %sign3A : i32
      %sign3A_198 = arith.extui %sign3A_197 : i1 to i32
      %sign3A_199 = arith.constant 0 : i32
      %sign3A_200 = arith.cmpi slt, %scan3A_177, %sign3A_199 : i32
      %sign3A_201 = arith.extui %sign3A_200 : i1 to i32
      %sign3A_202 = arith.subi %sign3A_198, %sign3A_201 : i32
      %sign3A_203 = arith.constant 0 : i32
      %sign3A_204 = arith.cmpi sgt, %jit3A, %sign3A_203 : i32
      %sign3A_205 = arith.extui %sign3A_204 : i1 to i32
      %sign3A_206 = arith.constant 0 : i32
      %sign3A_207 = arith.cmpi slt, %jit3A, %sign3A_206 : i32
      %sign3A_208 = arith.extui %sign3A_207 : i1 to i32
      %sign3A_209 = arith.subi %sign3A_205, %sign3A_208 : i32
      %ne3A = arith.cmpi ne, %sign3A_202, %sign3A_209 : i32
      %rem3A = arith.remsi %scan3A_177, %jit3A : i32
      %ne3A_210 = arith.constant 0 : i32
      %ne3A_211 = arith.cmpi ne, %rem3A, %ne3A_210 : i32
      %and3A_212 = arith.andi %ne3A, %ne3A_211 : i1
      %sub3A_213 = arith.constant 1 : i32
      %sub3A_214 = arith.subi %div3A, %sub3A_213 : i32
      %select_n3A_215 = arith.select %and3A_212, %sub3A_214, %div3A : i32
      %jit3A_216 = arith.constant 8 : i32
      %eq3A = arith.constant 0 : i32
      %eq3A_217 = arith.cmpi eq, %jit3A_216, %eq3A : i32
      %jit3A_218 = arith.constant 1 : i32
      %select_n3A_219 = arith.select %eq3A_217, %jit3A_218, %jit3A_216 : i32
      %rem3A_220 = arith.remsi %scan3A_177, %select_n3A_219 : i32
      %ne3A_221 = arith.constant 0 : i32
      %ne3A_222 = arith.cmpi ne, %rem3A_220, %ne3A_221 : i32
      %lt3A_223 = arith.constant 0 : i32
      %lt3A_224 = arith.cmpi slt, %rem3A_220, %lt3A_223 : i32
      %lt3A_225 = arith.constant 0 : i32
      %lt3A_226 = arith.cmpi slt, %select_n3A_219, %lt3A_225 : i32
      %ne3A_227 = arith.xori %lt3A_224, %lt3A_226 : i1
      %and3A_228 = arith.andi %ne3A_227, %ne3A_222 : i1
      %add3A_229 = arith.addi %rem3A_220, %select_n3A_219 : i32
      %select_n3A_230 = arith.select %and3A_228, %add3A_229, %rem3A_220 : i32
      %mul3A_231 = arith.constant 16 : i32
      %mul3A_232 = arith.muli %select_n3A_230, %mul3A_231 : i32
      %swap3A = arith.index_cast %select_n3A_215 : i32 to index
      %swap3A_233 = arith.index_cast %mul3A_232 : i32 to index
      %swap3A_234 = tpu.vector_load %arg7[%swap3A, %swap3A_233] {strides = array<i32>} : memref<82x128xi32, #tpu.memory_space<vmem>>, vector<1x16xi32>,
      %swap3A_235 = vector.shape_cast %swap3A_234 : vector<1x16xi32> to vector<16xi32>
      %swap3A_236 = vector.shape_cast %select_n3A : vector<16xi32> to vector<1x16xi32>
      tpu.vector_store %arg7[%swap3A, %swap3A_233], %swap3A_236 {strides = array<i32>} : memref<82x128xi32, #tpu.memory_space<vmem>>, vector<1x16xi32>,
      %jit3A_237 = arith.constant 0.000000e+00 : f32
      %broadcast_in_dim3A = vector.broadcast %jit3A_237 : f32 to vector<16xf32>
      %select_n3A_238 = arith.select %and3A, %get3A_186, %broadcast_in_dim3A : vector<16xi1>, vector<16xf32>
      %mul3A_239 = arith.constant 16 : i32
      %mul3A_240 = arith.muli %scan3A_177, %mul3A_239 : i32
      %swap3A_241 = arith.index_cast %mul3A_240 : i32 to index
      %swap3A_242 = tpu.vector_load %arg8[%swap3A_241] {strides = array<i32>} : memref<10496xf32, #tpu.memory_space<vmem>>, vector<16xf32>,
      %swap3A_243 = vector.shape_cast %swap3A_242 : vector<16xf32> to vector<16xf32>
      %swap3A_244 = vector.shape_cast %select_n3A_238 : vector<16xf32> to vector<16xf32>
      tpu.vector_store %arg8[%swap3A_241], %swap3A_244 {strides = array<i32>} : memref<10496xf32, #tpu.memory_space<vmem>>, vector<16xf32>,
    }
    %scan3A_77 = arith.constant 656 : i32
    %barrier3A_78 = arith.constant 0 : index
    tpu.barrier barrier_id(%barrier3A_78)
    %scan3A_79 = arith.constant 0 : i32
    %scan3A_80 = arith.constant 0 : i32
    %scan3A_81 = arith.constant 82 : i32
    %scan3A_82 = arith.addi %scan3A_80, %scan3A_81 : i32
    %scan3A_83 = arith.constant 1 : i32
    scf.for %scan3A_177 = %scan3A_80 to %scan3A_82 step %scan3A_83  : i32 {
      %mul3A_178 = arith.constant 128 : i32
      %mul3A_179 = arith.muli %scan3A_177, %mul3A_178 : i32
      %dma_start3A = tpu.memref_slice %arg8[%mul3A_179] : memref<10496xf32, #tpu.memory_space<vmem>> -> memref<128xf32, #tpu.memory_space<vmem>>
      %dma_start3A_180 = arith.constant 0 : i32
      %dma_start3A_181 = tpu.memref_slice %arg7[%scan3A_177, %dma_start3A_180] : memref<82x128xi32, #tpu.memory_space<vmem>> -> memref<1x128xi32, #tpu.memory_space<vmem>>
      %dma_start3A_182 = tpu.memref_squeeze %dma_start3A_181 : memref<1x128xi32, #tpu.memory_space<vmem>> -> memref<128xi32, #tpu.memory_space<vmem>>
      %dma_start3A_183 = arith.constant 0 : i32
      %dma_start3A_184 = tpu.memref_slice %arg10[%dma_start3A_183] : memref<1048576xf32, #tpu.memory_space<vmem_shared>> -> memref<1048576xf32, #tpu.memory_space<vmem_shared>>
      tpu.enqueue_indirect_dma source(%dma_start3A : memref<128xf32, #tpu.memory_space<vmem>>) target(%dma_start3A_184 : memref<1048576xf32, #tpu.memory_space<vmem_shared>>) offsets(%dma_start3A_182 : memref<128xi32, #tpu.memory_space<vmem>>) semaphore(%arg11 : memref<!tpu.dma_semaphore, #tpu.memory_space<semaphore_mem>>) {add = true}
    }
    %scan3A_84 = arith.constant 82 : i32
    %dma_wait3A_85 = arith.constant 0 : i32
    %dma_wait3A_86 = tpu.memref_slice %arg3[%dma_wait3A_85] : memref<167936xf32, #tpu.memory_space<hbm>> -> memref<10496xf32, #tpu.memory_space<hbm>>
    %dma_wait3A_87 = arith.constant 0 : i32
    %dma_wait3A_88 = tpu.memref_slice %arg3[%dma_wait3A_87] : memref<167936xf32, #tpu.memory_space<hbm>> -> memref<10496xf32, #tpu.memory_space<hbm>>
    tpu.wait_dma2 semaphore(%arg11 : memref<!tpu.dma_semaphore, #tpu.memory_space<semaphore_mem>>) src(%dma_wait3A_88 : memref<10496xf32, #tpu.memory_space<hbm>>) dst(%arg8 : memref<10496xf32, #tpu.memory_space<vmem>>)
    %barrier3A_89 = arith.constant 0 : index
    tpu.barrier barrier_id(%barrier3A_89)
    %add3A_90 = arith.addi %mul3A_55, %mul3A_2 : i32
    "tpu.region"() ({
      %run_scoped3A = tpu.sem_alloc : memref<!tpu.dma_semaphore, #tpu.memory_space<semaphore_mem>>
      %dma_start3A = tpu.memref_slice %arg4[%add3A_90] : memref<8388608xf32, #tpu.memory_space<hbm>> -> memref<65536xf32, #tpu.memory_space<hbm>>
      %dma_start3A_177 = tpu.memref_slice %arg10[%mul3A_2] : memref<1048576xf32, #tpu.memory_space<vmem_shared>> -> memref<65536xf32, #tpu.memory_space<vmem_shared>>
      tpu.enqueue_dma source(%dma_start3A_177 : memref<65536xf32, #tpu.memory_space<vmem_shared>>) target(%dma_start3A : memref<65536xf32, #tpu.memory_space<hbm>>) target_semaphore(%run_scoped3A : memref<!tpu.dma_semaphore, #tpu.memory_space<semaphore_mem>>)
      %dma_wait3A_178 = tpu.memref_slice %arg4[%add3A_90] : memref<8388608xf32, #tpu.memory_space<hbm>> -> memref<65536xf32, #tpu.memory_space<hbm>>
      %dma_wait3A_179 = tpu.memref_slice %arg10[%mul3A_2] : memref<1048576xf32, #tpu.memory_space<vmem_shared>> -> memref<65536xf32, #tpu.memory_space<vmem_shared>>
      tpu.wait_dma2 semaphore(%run_scoped3A : memref<!tpu.dma_semaphore, #tpu.memory_space<semaphore_mem>>) src(%dma_wait3A_179 : memref<65536xf32, #tpu.memory_space<vmem_shared>>) dst(%dma_wait3A_178 : memref<65536xf32, #tpu.memory_space<hbm>>)
      tpu.yield
    }) : () -> ()
    %add3A_91 = arith.constant 4 : i32
    %add3A_92 = arith.addi %add3A_91, %arg0 : i32
    %add3A_93 = arith.constant 8 : i32
    %add3A_94 = arith.addi %add3A_93, %add3A_92 : i32
    %mul3A_95 = arith.constant 1048576 : i32
    %mul3A_96 = arith.muli %add3A_94, %mul3A_95 : i32
    %mul3A_97 = arith.constant 1048576 : i32
    %mul3A_98 = arith.muli %add3A_92, %mul3A_97 : i32
    %add3A_99 = arith.constant 0 : i32
    %add3A_100 = arith.addi %mul3A_2, %add3A_99 : i32
    "tpu.region"() ({
      %run_scoped3A = tpu.sem_alloc : memref<!tpu.dma_semaphore, #tpu.memory_space<semaphore_mem>>
      %dma_start3A = tpu.memref_slice %arg10[%add3A_100] : memref<1048576xf32, #tpu.memory_space<vmem_shared>> -> memref<8192xf32, #tpu.memory_space<vmem_shared>>
      %dma_start3A_177 = tpu.memref_slice %arg10[%add3A_100] : memref<1048576xf32, #tpu.memory_space<vmem_shared>> -> memref<8192xf32, #tpu.memory_space<vmem_shared>>
      tpu.enqueue_dma source(%arg9 : memref<8192xf32, #tpu.memory_space<vmem>>) target(%dma_start3A_177 : memref<8192xf32, #tpu.memory_space<vmem_shared>>) target_semaphore(%run_scoped3A : memref<!tpu.dma_semaphore, #tpu.memory_space<semaphore_mem>>)
      %dma_wait3A_178 = tpu.memref_slice %arg10[%add3A_100] : memref<1048576xf32, #tpu.memory_space<vmem_shared>> -> memref<8192xf32, #tpu.memory_space<vmem_shared>>
      %dma_wait3A_179 = tpu.memref_slice %arg10[%add3A_100] : memref<1048576xf32, #tpu.memory_space<vmem_shared>> -> memref<8192xf32, #tpu.memory_space<vmem_shared>>
      tpu.wait_dma2 semaphore(%run_scoped3A : memref<!tpu.dma_semaphore, #tpu.memory_space<semaphore_mem>>) src(%arg9 : memref<8192xf32, #tpu.memory_space<vmem>>) dst(%dma_wait3A_179 : memref<8192xf32, #tpu.memory_space<vmem_shared>>)
      tpu.yield
    }) : () -> ()
    %add3A_101 = arith.constant 8192 : i32
    %add3A_102 = arith.addi %mul3A_2, %add3A_101 : i32
    "tpu.region"() ({
      %run_scoped3A = tpu.sem_alloc : memref<!tpu.dma_semaphore, #tpu.memory_space<semaphore_mem>>
      %dma_start3A = tpu.memref_slice %arg10[%add3A_102] : memref<1048576xf32, #tpu.memory_space<vmem_shared>> -> memref<8192xf32, #tpu.memory_space<vmem_shared>>
      %dma_start3A_177 = tpu.memref_slice %arg10[%add3A_102] : memref<1048576xf32, #tpu.memory_space<vmem_shared>> -> memref<8192xf32, #tpu.memory_space<vmem_shared>>
      tpu.enqueue_dma source(%arg9 : memref<8192xf32, #tpu.memory_space<vmem>>) target(%dma_start3A_177 : memref<8192xf32, #tpu.memory_space<vmem_shared>>) target_semaphore(%run_scoped3A : memref<!tpu.dma_semaphore, #tpu.memory_space<semaphore_mem>>)
      %dma_wait3A_178 = tpu.memref_slice %arg10[%add3A_102] : memref<1048576xf32, #tpu.memory_space<vmem_shared>> -> memref<8192xf32, #tpu.memory_space<vmem_shared>>
      %dma_wait3A_179 = tpu.memref_slice %arg10[%add3A_102] : memref<1048576xf32, #tpu.memory_space<vmem_shared>> -> memref<8192xf32, #tpu.memory_space<vmem_shared>>
      tpu.wait_dma2 semaphore(%run_scoped3A : memref<!tpu.dma_semaphore, #tpu.memory_space<semaphore_mem>>) src(%arg9 : memref<8192xf32, #tpu.memory_space<vmem>>) dst(%dma_wait3A_179 : memref<8192xf32, #tpu.memory_space<vmem_shared>>)
      tpu.yield
    }) : () -> ()
    %add3A_103 = arith.constant 16384 : i32
    %add3A_104 = arith.addi %mul3A_2, %add3A_103 : i32
    "tpu.region"() ({
      %run_scoped3A = tpu.sem_alloc : memref<!tpu.dma_semaphore, #tpu.memory_space<semaphore_mem>>
      %dma_start3A = tpu.memref_slice %arg10[%add3A_104] : memref<1048576xf32, #tpu.memory_space<vmem_shared>> -> memref<8192xf32, #tpu.memory_space<vmem_shared>>
      %dma_start3A_177 = tpu.memref_slice %arg10[%add3A_104] : memref<1048576xf32, #tpu.memory_space<vmem_shared>> -> memref<8192xf32, #tpu.memory_space<vmem_shared>>
      tpu.enqueue_dma source(%arg9 : memref<8192xf32, #tpu.memory_space<vmem>>) target(%dma_start3A_177 : memref<8192xf32, #tpu.memory_space<vmem_shared>>) target_semaphore(%run_scoped3A : memref<!tpu.dma_semaphore, #tpu.memory_space<semaphore_mem>>)
      %dma_wait3A_178 = tpu.memref_slice %arg10[%add3A_104] : memref<1048576xf32, #tpu.memory_space<vmem_shared>> -> memref<8192xf32, #tpu.memory_space<vmem_shared>>
      %dma_wait3A_179 = tpu.memref_slice %arg10[%add3A_104] : memref<1048576xf32, #tpu.memory_space<vmem_shared>> -> memref<8192xf32, #tpu.memory_space<vmem_shared>>
      tpu.wait_dma2 semaphore(%run_scoped3A : memref<!tpu.dma_semaphore, #tpu.memory_space<semaphore_mem>>) src(%arg9 : memref<8192xf32, #tpu.memory_space<vmem>>) dst(%dma_wait3A_179 : memref<8192xf32, #tpu.memory_space<vmem_shared>>)
      tpu.yield
    }) : () -> ()
    %add3A_105 = arith.constant 24576 : i32
    %add3A_106 = arith.addi %mul3A_2, %add3A_105 : i32
    "tpu.region"() ({
      %run_scoped3A = tpu.sem_alloc : memref<!tpu.dma_semaphore, #tpu.memory_space<semaphore_mem>>
      %dma_start3A = tpu.memref_slice %arg10[%add3A_106] : memref<1048576xf32, #tpu.memory_space<vmem_shared>> -> memref<8192xf32, #tpu.memory_space<vmem_shared>>
      %dma_start3A_177 = tpu.memref_slice %arg10[%add3A_106] : memref<1048576xf32, #tpu.memory_space<vmem_shared>> -> memref<8192xf32, #tpu.memory_space<vmem_shared>>
      tpu.enqueue_dma source(%arg9 : memref<8192xf32, #tpu.memory_space<vmem>>) target(%dma_start3A_177 : memref<8192xf32, #tpu.memory_space<vmem_shared>>) target_semaphore(%run_scoped3A : memref<!tpu.dma_semaphore, #tpu.memory_space<semaphore_mem>>)
      %dma_wait3A_178 = tpu.memref_slice %arg10[%add3A_106] : memref<1048576xf32, #tpu.memory_space<vmem_shared>> -> memref<8192xf32, #tpu.memory_space<vmem_shared>>
      %dma_wait3A_179 = tpu.memref_slice %arg10[%add3A_106] : memref<1048576xf32, #tpu.memory_space<vmem_shared>> -> memref<8192xf32, #tpu.memory_space<vmem_shared>>
      tpu.wait_dma2 semaphore(%run_scoped3A : memref<!tpu.dma_semaphore, #tpu.memory_space<semaphore_mem>>) src(%arg9 : memref<8192xf32, #tpu.memory_space<vmem>>) dst(%dma_wait3A_179 : memref<8192xf32, #tpu.memory_space<vmem_shared>>)
      tpu.yield
    }) : () -> ()
    %add3A_107 = arith.constant 32768 : i32
    %add3A_108 = arith.addi %mul3A_2, %add3A_107 : i32
    "tpu.region"() ({
      %run_scoped3A = tpu.sem_alloc : memref<!tpu.dma_semaphore, #tpu.memory_space<semaphore_mem>>
      %dma_start3A = tpu.memref_slice %arg10[%add3A_108] : memref<1048576xf32, #tpu.memory_space<vmem_shared>> -> memref<8192xf32, #tpu.memory_space<vmem_shared>>
      %dma_start3A_177 = tpu.memref_slice %arg10[%add3A_108] : memref<1048576xf32, #tpu.memory_space<vmem_shared>> -> memref<8192xf32, #tpu.memory_space<vmem_shared>>
      tpu.enqueue_dma source(%arg9 : memref<8192xf32, #tpu.memory_space<vmem>>) target(%dma_start3A_177 : memref<8192xf32, #tpu.memory_space<vmem_shared>>) target_semaphore(%run_scoped3A : memref<!tpu.dma_semaphore, #tpu.memory_space<semaphore_mem>>)
      %dma_wait3A_178 = tpu.memref_slice %arg10[%add3A_108] : memref<1048576xf32, #tpu.memory_space<vmem_shared>> -> memref<8192xf32, #tpu.memory_space<vmem_shared>>
      %dma_wait3A_179 = tpu.memref_slice %arg10[%add3A_108] : memref<1048576xf32, #tpu.memory_space<vmem_shared>> -> memref<8192xf32, #tpu.memory_space<vmem_shared>>
      tpu.wait_dma2 semaphore(%run_scoped3A : memref<!tpu.dma_semaphore, #tpu.memory_space<semaphore_mem>>) src(%arg9 : memref<8192xf32, #tpu.memory_space<vmem>>) dst(%dma_wait3A_179 : memref<8192xf32, #tpu.memory_space<vmem_shared>>)
      tpu.yield
    }) : () -> ()
    %add3A_109 = arith.constant 40960 : i32
    %add3A_110 = arith.addi %mul3A_2, %add3A_109 : i32
    "tpu.region"() ({
      %run_scoped3A = tpu.sem_alloc : memref<!tpu.dma_semaphore, #tpu.memory_space<semaphore_mem>>
      %dma_start3A = tpu.memref_slice %arg10[%add3A_110] : memref<1048576xf32, #tpu.memory_space<vmem_shared>> -> memref<8192xf32, #tpu.memory_space<vmem_shared>>
      %dma_start3A_177 = tpu.memref_slice %arg10[%add3A_110] : memref<1048576xf32, #tpu.memory_space<vmem_shared>> -> memref<8192xf32, #tpu.memory_space<vmem_shared>>
      tpu.enqueue_dma source(%arg9 : memref<8192xf32, #tpu.memory_space<vmem>>) target(%dma_start3A_177 : memref<8192xf32, #tpu.memory_space<vmem_shared>>) target_semaphore(%run_scoped3A : memref<!tpu.dma_semaphore, #tpu.memory_space<semaphore_mem>>)
      %dma_wait3A_178 = tpu.memref_slice %arg10[%add3A_110] : memref<1048576xf32, #tpu.memory_space<vmem_shared>> -> memref<8192xf32, #tpu.memory_space<vmem_shared>>
      %dma_wait3A_179 = tpu.memref_slice %arg10[%add3A_110] : memref<1048576xf32, #tpu.memory_space<vmem_shared>> -> memref<8192xf32, #tpu.memory_space<vmem_shared>>
      tpu.wait_dma2 semaphore(%run_scoped3A : memref<!tpu.dma_semaphore, #tpu.memory_space<semaphore_mem>>) src(%arg9 : memref<8192xf32, #tpu.memory_space<vmem>>) dst(%dma_wait3A_179 : memref<8192xf32, #tpu.memory_space<vmem_shared>>)
      tpu.yield
    }) : () -> ()
    %add3A_111 = arith.constant 49152 : i32
    %add3A_112 = arith.addi %mul3A_2, %add3A_111 : i32
    "tpu.region"() ({
      %run_scoped3A = tpu.sem_alloc : memref<!tpu.dma_semaphore, #tpu.memory_space<semaphore_mem>>
      %dma_start3A = tpu.memref_slice %arg10[%add3A_112] : memref<1048576xf32, #tpu.memory_space<vmem_shared>> -> memref<8192xf32, #tpu.memory_space<vmem_shared>>
      %dma_start3A_177 = tpu.memref_slice %arg10[%add3A_112] : memref<1048576xf32, #tpu.memory_space<vmem_shared>> -> memref<8192xf32, #tpu.memory_space<vmem_shared>>
      tpu.enqueue_dma source(%arg9 : memref<8192xf32, #tpu.memory_space<vmem>>) target(%dma_start3A_177 : memref<8192xf32, #tpu.memory_space<vmem_shared>>) target_semaphore(%run_scoped3A : memref<!tpu.dma_semaphore, #tpu.memory_space<semaphore_mem>>)
      %dma_wait3A_178 = tpu.memref_slice %arg10[%add3A_112] : memref<1048576xf32, #tpu.memory_space<vmem_shared>> -> memref<8192xf32, #tpu.memory_space<vmem_shared>>
      %dma_wait3A_179 = tpu.memref_slice %arg10[%add3A_112] : memref<1048576xf32, #tpu.memory_space<vmem_shared>> -> memref<8192xf32, #tpu.memory_space<vmem_shared>>
      tpu.wait_dma2 semaphore(%run_scoped3A : memref<!tpu.dma_semaphore, #tpu.memory_space<semaphore_mem>>) src(%arg9 : memref<8192xf32, #tpu.memory_space<vmem>>) dst(%dma_wait3A_179 : memref<8192xf32, #tpu.memory_space<vmem_shared>>)
      tpu.yield
    }) : () -> ()
    %add3A_113 = arith.constant 57344 : i32
    %add3A_114 = arith.addi %mul3A_2, %add3A_113 : i32
    "tpu.region"() ({
      %run_scoped3A = tpu.sem_alloc : memref<!tpu.dma_semaphore, #tpu.memory_space<semaphore_mem>>
      %dma_start3A = tpu.memref_slice %arg10[%add3A_114] : memref<1048576xf32, #tpu.memory_space<vmem_shared>> -> memref<8192xf32, #tpu.memory_space<vmem_shared>>
      %dma_start3A_177 = tpu.memref_slice %arg10[%add3A_114] : memref<1048576xf32, #tpu.memory_space<vmem_shared>> -> memref<8192xf32, #tpu.memory_space<vmem_shared>>
      tpu.enqueue_dma source(%arg9 : memref<8192xf32, #tpu.memory_space<vmem>>) target(%dma_start3A_177 : memref<8192xf32, #tpu.memory_space<vmem_shared>>) target_semaphore(%run_scoped3A : memref<!tpu.dma_semaphore, #tpu.memory_space<semaphore_mem>>)
      %dma_wait3A_178 = tpu.memref_slice %arg10[%add3A_114] : memref<1048576xf32, #tpu.memory_space<vmem_shared>> -> memref<8192xf32, #tpu.memory_space<vmem_shared>>
      %dma_wait3A_179 = tpu.memref_slice %arg10[%add3A_114] : memref<1048576xf32, #tpu.memory_space<vmem_shared>> -> memref<8192xf32, #tpu.memory_space<vmem_shared>>
      tpu.wait_dma2 semaphore(%run_scoped3A : memref<!tpu.dma_semaphore, #tpu.memory_space<semaphore_mem>>) src(%arg9 : memref<8192xf32, #tpu.memory_space<vmem>>) dst(%dma_wait3A_179 : memref<8192xf32, #tpu.memory_space<vmem_shared>>)
      tpu.yield
    }) : () -> ()
    %scan3A_115 = arith.constant 0 : i32
    %scan3A_116 = arith.constant 0 : i32
    %scan3A_117 = arith.constant 656 : i32
    %scan3A_118 = arith.addi %scan3A_116, %scan3A_117 : i32
    %scan3A_119 = arith.constant 1 : i32
    scf.for %scan3A_177 = %scan3A_116 to %scan3A_118 step %scan3A_119  : i32 {
      %mul3A_178 = arith.constant 16 : i32
      %mul3A_179 = arith.muli %scan3A_177, %mul3A_178 : i32
      %get3A = arith.index_cast %mul3A_179 : i32 to index
      %get3A_180 = tpu.vector_load %arg5[%get3A] {strides = array<i32>} : memref<10496xi32, #tpu.memory_space<vmem>>, vector<16xi32>,
      %get3A_181 = vector.shape_cast %get3A_180 : vector<16xi32> to vector<16xi32>
      %mul3A_182 = arith.constant 16 : i32
      %mul3A_183 = arith.muli %scan3A_177, %mul3A_182 : i32
      %get3A_184 = arith.index_cast %mul3A_183 : i32 to index
      %get3A_185 = tpu.vector_load %arg6[%get3A_184] {strides = array<i32>} : memref<10496xf32, #tpu.memory_space<vmem>>, vector<16xf32>,
      %get3A_186 = vector.shape_cast %get3A_185 : vector<16xf32> to vector<16xf32>
      %sub3A = vector.broadcast %mul3A_96 : i32 to vector<16xi32>
      %sub3A_187 = arith.subi %get3A_181, %sub3A : vector<16xi32>
      %ge3A = arith.constant 0 : i32
      %ge3A_188 = vector.broadcast %ge3A : i32 to vector<16xi32>
      %ge3A_189 = arith.cmpi sge, %sub3A_187, %ge3A_188 : vector<16xi32>
      %lt3A = arith.constant 1048576 : i32
      %lt3A_190 = vector.broadcast %lt3A : i32 to vector<16xi32>
      %lt3A_191 = arith.cmpi slt, %sub3A_187, %lt3A_190 : vector<16xi32>
      %and3A = arith.andi %ge3A_189, %lt3A_191 : vector<16xi1>
      %mul3A_192 = arith.constant 16 : i32
      %mul3A_193 = arith.muli %scan3A_177, %mul3A_192 : i32
      %add3A_194 = arith.addi %mul3A_0, %mul3A_193 : i32
      %add3A_195 = vector.broadcast %add3A_194 : i32 to vector<16xi32>
      %add3A_196 = arith.addi %add3A_195, %iota3A : vector<16xi32>
      %select_n3A = arith.select %and3A, %sub3A_187, %add3A_196 : vector<16xi1>, vector<16xi32>
      %jit3A = arith.constant 8 : i32
      %div3A = arith.divsi %scan3A_177, %jit3A : i32
      %sign3A = arith.constant 0 : i32
      %sign3A_197 = arith.cmpi sgt, %scan3A_177, %sign3A : i32
      %sign3A_198 = arith.extui %sign3A_197 : i1 to i32
      %sign3A_199 = arith.constant 0 : i32
      %sign3A_200 = arith.cmpi slt, %scan3A_177, %sign3A_199 : i32
      %sign3A_201 = arith.extui %sign3A_200 : i1 to i32
      %sign3A_202 = arith.subi %sign3A_198, %sign3A_201 : i32
      %sign3A_203 = arith.constant 0 : i32
      %sign3A_204 = arith.cmpi sgt, %jit3A, %sign3A_203 : i32
      %sign3A_205 = arith.extui %sign3A_204 : i1 to i32
      %sign3A_206 = arith.constant 0 : i32
      %sign3A_207 = arith.cmpi slt, %jit3A, %sign3A_206 : i32
      %sign3A_208 = arith.extui %sign3A_207 : i1 to i32
      %sign3A_209 = arith.subi %sign3A_205, %sign3A_208 : i32
      %ne3A = arith.cmpi ne, %sign3A_202, %sign3A_209 : i32
      %rem3A = arith.remsi %scan3A_177, %jit3A : i32
      %ne3A_210 = arith.constant 0 : i32
      %ne3A_211 = arith.cmpi ne, %rem3A, %ne3A_210 : i32
      %and3A_212 = arith.andi %ne3A, %ne3A_211 : i1
      %sub3A_213 = arith.constant 1 : i32
      %sub3A_214 = arith.subi %div3A, %sub3A_213 : i32
      %select_n3A_215 = arith.select %and3A_212, %sub3A_214, %div3A : i32
      %jit3A_216 = arith.constant 8 : i32
      %eq3A = arith.constant 0 : i32
      %eq3A_217 = arith.cmpi eq, %jit3A_216, %eq3A : i32
      %jit3A_218 = arith.constant 1 : i32
      %select_n3A_219 = arith.select %eq3A_217, %jit3A_218, %jit3A_216 : i32
      %rem3A_220 = arith.remsi %scan3A_177, %select_n3A_219 : i32
      %ne3A_221 = arith.constant 0 : i32
      %ne3A_222 = arith.cmpi ne, %rem3A_220, %ne3A_221 : i32
      %lt3A_223 = arith.constant 0 : i32
      %lt3A_224 = arith.cmpi slt, %rem3A_220, %lt3A_223 : i32
      %lt3A_225 = arith.constant 0 : i32
      %lt3A_226 = arith.cmpi slt, %select_n3A_219, %lt3A_225 : i32
      %ne3A_227 = arith.xori %lt3A_224, %lt3A_226 : i1
      %and3A_228 = arith.andi %ne3A_227, %ne3A_222 : i1
      %add3A_229 = arith.addi %rem3A_220, %select_n3A_219 : i32
      %select_n3A_230 = arith.select %and3A_228, %add3A_229, %rem3A_220 : i32
      %mul3A_231 = arith.constant 16 : i32
      %mul3A_232 = arith.muli %select_n3A_230, %mul3A_231 : i32
      %swap3A = arith.index_cast %select_n3A_215 : i32 to index
      %swap3A_233 = arith.index_cast %mul3A_232 : i32 to index
      %swap3A_234 = tpu.vector_load %arg7[%swap3A, %swap3A_233] {strides = array<i32>} : memref<82x128xi32, #tpu.memory_space<vmem>>, vector<1x16xi32>,
      %swap3A_235 = vector.shape_cast %swap3A_234 : vector<1x16xi32> to vector<16xi32>
      %swap3A_236 = vector.shape_cast %select_n3A : vector<16xi32> to vector<1x16xi32>
      tpu.vector_store %arg7[%swap3A, %swap3A_233], %swap3A_236 {strides = array<i32>} : memref<82x128xi32, #tpu.memory_space<vmem>>, vector<1x16xi32>,
      %jit3A_237 = arith.constant 0.000000e+00 : f32
      %broadcast_in_dim3A = vector.broadcast %jit3A_237 : f32 to vector<16xf32>
      %select_n3A_238 = arith.select %and3A, %get3A_186, %broadcast_in_dim3A : vector<16xi1>, vector<16xf32>
      %mul3A_239 = arith.constant 16 : i32
      %mul3A_240 = arith.muli %scan3A_177, %mul3A_239 : i32
      %swap3A_241 = arith.index_cast %mul3A_240 : i32 to index
      %swap3A_242 = tpu.vector_load %arg8[%swap3A_241] {strides = array<i32>} : memref<10496xf32, #tpu.memory_space<vmem>>, vector<16xf32>,
      %swap3A_243 = vector.shape_cast %swap3A_242 : vector<16xf32> to vector<16xf32>
      %swap3A_244 = vector.shape_cast %select_n3A_238 : vector<16xf32> to vector<16xf32>
      tpu.vector_store %arg8[%swap3A_241], %swap3A_244 {strides = array<i32>} : memref<10496xf32, #tpu.memory_space<vmem>>, vector<16xf32>,
    }
    %scan3A_120 = arith.constant 656 : i32
    %barrier3A_121 = arith.constant 0 : index
    tpu.barrier barrier_id(%barrier3A_121)
    %scan3A_122 = arith.constant 0 : i32
    %scan3A_123 = arith.constant 0 : i32
    %scan3A_124 = arith.constant 82 : i32
    %scan3A_125 = arith.addi %scan3A_123, %scan3A_124 : i32
    %scan3A_126 = arith.constant 1 : i32
    scf.for %scan3A_177 = %scan3A_123 to %scan3A_125 step %scan3A_126  : i32 {
      %mul3A_178 = arith.constant 128 : i32
      %mul3A_179 = arith.muli %scan3A_177, %mul3A_178 : i32
      %dma_start3A = tpu.memref_slice %arg8[%mul3A_179] : memref<10496xf32, #tpu.memory_space<vmem>> -> memref<128xf32, #tpu.memory_space<vmem>>
      %dma_start3A_180 = arith.constant 0 : i32
      %dma_start3A_181 = tpu.memref_slice %arg7[%scan3A_177, %dma_start3A_180] : memref<82x128xi32, #tpu.memory_space<vmem>> -> memref<1x128xi32, #tpu.memory_space<vmem>>
      %dma_start3A_182 = tpu.memref_squeeze %dma_start3A_181 : memref<1x128xi32, #tpu.memory_space<vmem>> -> memref<128xi32, #tpu.memory_space<vmem>>
      %dma_start3A_183 = arith.constant 0 : i32
      %dma_start3A_184 = tpu.memref_slice %arg10[%dma_start3A_183] : memref<1048576xf32, #tpu.memory_space<vmem_shared>> -> memref<1048576xf32, #tpu.memory_space<vmem_shared>>
      tpu.enqueue_indirect_dma source(%dma_start3A : memref<128xf32, #tpu.memory_space<vmem>>) target(%dma_start3A_184 : memref<1048576xf32, #tpu.memory_space<vmem_shared>>) offsets(%dma_start3A_182 : memref<128xi32, #tpu.memory_space<vmem>>) semaphore(%arg11 : memref<!tpu.dma_semaphore, #tpu.memory_space<semaphore_mem>>) {add = true}
    }
    %scan3A_127 = arith.constant 82 : i32
    %dma_wait3A_128 = arith.constant 0 : i32
    %dma_wait3A_129 = tpu.memref_slice %arg3[%dma_wait3A_128] : memref<167936xf32, #tpu.memory_space<hbm>> -> memref<10496xf32, #tpu.memory_space<hbm>>
    %dma_wait3A_130 = arith.constant 0 : i32
    %dma_wait3A_131 = tpu.memref_slice %arg3[%dma_wait3A_130] : memref<167936xf32, #tpu.memory_space<hbm>> -> memref<10496xf32, #tpu.memory_space<hbm>>
    tpu.wait_dma2 semaphore(%arg11 : memref<!tpu.dma_semaphore, #tpu.memory_space<semaphore_mem>>) src(%dma_wait3A_131 : memref<10496xf32, #tpu.memory_space<hbm>>) dst(%arg8 : memref<10496xf32, #tpu.memory_space<vmem>>)
    %barrier3A_132 = arith.constant 0 : index
    tpu.barrier barrier_id(%barrier3A_132)
    %add3A_133 = arith.addi %mul3A_98, %mul3A_2 : i32
    "tpu.region"() ({
      %run_scoped3A = tpu.sem_alloc : memref<!tpu.dma_semaphore, #tpu.memory_space<semaphore_mem>>
      %dma_start3A = tpu.memref_slice %arg4[%add3A_133] : memref<8388608xf32, #tpu.memory_space<hbm>> -> memref<65536xf32, #tpu.memory_space<hbm>>
      %dma_start3A_177 = tpu.memref_slice %arg10[%mul3A_2] : memref<1048576xf32, #tpu.memory_space<vmem_shared>> -> memref<65536xf32, #tpu.memory_space<vmem_shared>>
      tpu.enqueue_dma source(%dma_start3A_177 : memref<65536xf32, #tpu.memory_space<vmem_shared>>) target(%dma_start3A : memref<65536xf32, #tpu.memory_space<hbm>>) target_semaphore(%run_scoped3A : memref<!tpu.dma_semaphore, #tpu.memory_space<semaphore_mem>>)
      %dma_wait3A_178 = tpu.memref_slice %arg4[%add3A_133] : memref<8388608xf32, #tpu.memory_space<hbm>> -> memref<65536xf32, #tpu.memory_space<hbm>>
      %dma_wait3A_179 = tpu.memref_slice %arg10[%mul3A_2] : memref<1048576xf32, #tpu.memory_space<vmem_shared>> -> memref<65536xf32, #tpu.memory_space<vmem_shared>>
      tpu.wait_dma2 semaphore(%run_scoped3A : memref<!tpu.dma_semaphore, #tpu.memory_space<semaphore_mem>>) src(%dma_wait3A_179 : memref<65536xf32, #tpu.memory_space<vmem_shared>>) dst(%dma_wait3A_178 : memref<65536xf32, #tpu.memory_space<hbm>>)
      tpu.yield
    }) : () -> ()
    %add3A_134 = arith.constant 6 : i32
    %add3A_135 = arith.addi %add3A_134, %arg0 : i32
    %add3A_136 = arith.constant 8 : i32
    %add3A_137 = arith.addi %add3A_136, %add3A_135 : i32
    %mul3A_138 = arith.constant 1048576 : i32
    %mul3A_139 = arith.muli %add3A_137, %mul3A_138 : i32
    %mul3A_140 = arith.constant 1048576 : i32
    %mul3A_141 = arith.muli %add3A_135, %mul3A_140 : i32
    %add3A_142 = arith.constant 0 : i32
    %add3A_143 = arith.addi %mul3A_2, %add3A_142 : i32
    "tpu.region"() ({
      %run_scoped3A = tpu.sem_alloc : memref<!tpu.dma_semaphore, #tpu.memory_space<semaphore_mem>>
      %dma_start3A = tpu.memref_slice %arg10[%add3A_143] : memref<1048576xf32, #tpu.memory_space<vmem_shared>> -> memref<8192xf32, #tpu.memory_space<vmem_shared>>
      %dma_start3A_177 = tpu.memref_slice %arg10[%add3A_143] : memref<1048576xf32, #tpu.memory_space<vmem_shared>> -> memref<8192xf32, #tpu.memory_space<vmem_shared>>
      tpu.enqueue_dma source(%arg9 : memref<8192xf32, #tpu.memory_space<vmem>>) target(%dma_start3A_177 : memref<8192xf32, #tpu.memory_space<vmem_shared>>) target_semaphore(%run_scoped3A : memref<!tpu.dma_semaphore, #tpu.memory_space<semaphore_mem>>)
      %dma_wait3A_178 = tpu.memref_slice %arg10[%add3A_143] : memref<1048576xf32, #tpu.memory_space<vmem_shared>> -> memref<8192xf32, #tpu.memory_space<vmem_shared>>
      %dma_wait3A_179 = tpu.memref_slice %arg10[%add3A_143] : memref<1048576xf32, #tpu.memory_space<vmem_shared>> -> memref<8192xf32, #tpu.memory_space<vmem_shared>>
      tpu.wait_dma2 semaphore(%run_scoped3A : memref<!tpu.dma_semaphore, #tpu.memory_space<semaphore_mem>>) src(%arg9 : memref<8192xf32, #tpu.memory_space<vmem>>) dst(%dma_wait3A_179 : memref<8192xf32, #tpu.memory_space<vmem_shared>>)
      tpu.yield
    }) : () -> ()
    %add3A_144 = arith.constant 8192 : i32
    %add3A_145 = arith.addi %mul3A_2, %add3A_144 : i32
    "tpu.region"() ({
      %run_scoped3A = tpu.sem_alloc : memref<!tpu.dma_semaphore, #tpu.memory_space<semaphore_mem>>
      %dma_start3A = tpu.memref_slice %arg10[%add3A_145] : memref<1048576xf32, #tpu.memory_space<vmem_shared>> -> memref<8192xf32, #tpu.memory_space<vmem_shared>>
      %dma_start3A_177 = tpu.memref_slice %arg10[%add3A_145] : memref<1048576xf32, #tpu.memory_space<vmem_shared>> -> memref<8192xf32, #tpu.memory_space<vmem_shared>>
      tpu.enqueue_dma source(%arg9 : memref<8192xf32, #tpu.memory_space<vmem>>) target(%dma_start3A_177 : memref<8192xf32, #tpu.memory_space<vmem_shared>>) target_semaphore(%run_scoped3A : memref<!tpu.dma_semaphore, #tpu.memory_space<semaphore_mem>>)
      %dma_wait3A_178 = tpu.memref_slice %arg10[%add3A_145] : memref<1048576xf32, #tpu.memory_space<vmem_shared>> -> memref<8192xf32, #tpu.memory_space<vmem_shared>>
      %dma_wait3A_179 = tpu.memref_slice %arg10[%add3A_145] : memref<1048576xf32, #tpu.memory_space<vmem_shared>> -> memref<8192xf32, #tpu.memory_space<vmem_shared>>
      tpu.wait_dma2 semaphore(%run_scoped3A : memref<!tpu.dma_semaphore, #tpu.memory_space<semaphore_mem>>) src(%arg9 : memref<8192xf32, #tpu.memory_space<vmem>>) dst(%dma_wait3A_179 : memref<8192xf32, #tpu.memory_space<vmem_shared>>)
      tpu.yield
    }) : () -> ()
    %add3A_146 = arith.constant 16384 : i32
    %add3A_147 = arith.addi %mul3A_2, %add3A_146 : i32
    "tpu.region"() ({
      %run_scoped3A = tpu.sem_alloc : memref<!tpu.dma_semaphore, #tpu.memory_space<semaphore_mem>>
      %dma_start3A = tpu.memref_slice %arg10[%add3A_147] : memref<1048576xf32, #tpu.memory_space<vmem_shared>> -> memref<8192xf32, #tpu.memory_space<vmem_shared>>
      %dma_start3A_177 = tpu.memref_slice %arg10[%add3A_147] : memref<1048576xf32, #tpu.memory_space<vmem_shared>> -> memref<8192xf32, #tpu.memory_space<vmem_shared>>
      tpu.enqueue_dma source(%arg9 : memref<8192xf32, #tpu.memory_space<vmem>>) target(%dma_start3A_177 : memref<8192xf32, #tpu.memory_space<vmem_shared>>) target_semaphore(%run_scoped3A : memref<!tpu.dma_semaphore, #tpu.memory_space<semaphore_mem>>)
      %dma_wait3A_178 = tpu.memref_slice %arg10[%add3A_147] : memref<1048576xf32, #tpu.memory_space<vmem_shared>> -> memref<8192xf32, #tpu.memory_space<vmem_shared>>
      %dma_wait3A_179 = tpu.memref_slice %arg10[%add3A_147] : memref<1048576xf32, #tpu.memory_space<vmem_shared>> -> memref<8192xf32, #tpu.memory_space<vmem_shared>>
      tpu.wait_dma2 semaphore(%run_scoped3A : memref<!tpu.dma_semaphore, #tpu.memory_space<semaphore_mem>>) src(%arg9 : memref<8192xf32, #tpu.memory_space<vmem>>) dst(%dma_wait3A_179 : memref<8192xf32, #tpu.memory_space<vmem_shared>>)
      tpu.yield
    }) : () -> ()
    %add3A_148 = arith.constant 24576 : i32
    %add3A_149 = arith.addi %mul3A_2, %add3A_148 : i32
    "tpu.region"() ({
      %run_scoped3A = tpu.sem_alloc : memref<!tpu.dma_semaphore, #tpu.memory_space<semaphore_mem>>
      %dma_start3A = tpu.memref_slice %arg10[%add3A_149] : memref<1048576xf32, #tpu.memory_space<vmem_shared>> -> memref<8192xf32, #tpu.memory_space<vmem_shared>>
      %dma_start3A_177 = tpu.memref_slice %arg10[%add3A_149] : memref<1048576xf32, #tpu.memory_space<vmem_shared>> -> memref<8192xf32, #tpu.memory_space<vmem_shared>>
      tpu.enqueue_dma source(%arg9 : memref<8192xf32, #tpu.memory_space<vmem>>) target(%dma_start3A_177 : memref<8192xf32, #tpu.memory_space<vmem_shared>>) target_semaphore(%run_scoped3A : memref<!tpu.dma_semaphore, #tpu.memory_space<semaphore_mem>>)
      %dma_wait3A_178 = tpu.memref_slice %arg10[%add3A_149] : memref<1048576xf32, #tpu.memory_space<vmem_shared>> -> memref<8192xf32, #tpu.memory_space<vmem_shared>>
      %dma_wait3A_179 = tpu.memref_slice %arg10[%add3A_149] : memref<1048576xf32, #tpu.memory_space<vmem_shared>> -> memref<8192xf32, #tpu.memory_space<vmem_shared>>
      tpu.wait_dma2 semaphore(%run_scoped3A : memref<!tpu.dma_semaphore, #tpu.memory_space<semaphore_mem>>) src(%arg9 : memref<8192xf32, #tpu.memory_space<vmem>>) dst(%dma_wait3A_179 : memref<8192xf32, #tpu.memory_space<vmem_shared>>)
      tpu.yield
    }) : () -> ()
    %add3A_150 = arith.constant 32768 : i32
    %add3A_151 = arith.addi %mul3A_2, %add3A_150 : i32
    "tpu.region"() ({
      %run_scoped3A = tpu.sem_alloc : memref<!tpu.dma_semaphore, #tpu.memory_space<semaphore_mem>>
      %dma_start3A = tpu.memref_slice %arg10[%add3A_151] : memref<1048576xf32, #tpu.memory_space<vmem_shared>> -> memref<8192xf32, #tpu.memory_space<vmem_shared>>
      %dma_start3A_177 = tpu.memref_slice %arg10[%add3A_151] : memref<1048576xf32, #tpu.memory_space<vmem_shared>> -> memref<8192xf32, #tpu.memory_space<vmem_shared>>
      tpu.enqueue_dma source(%arg9 : memref<8192xf32, #tpu.memory_space<vmem>>) target(%dma_start3A_177 : memref<8192xf32, #tpu.memory_space<vmem_shared>>) target_semaphore(%run_scoped3A : memref<!tpu.dma_semaphore, #tpu.memory_space<semaphore_mem>>)
      %dma_wait3A_178 = tpu.memref_slice %arg10[%add3A_151] : memref<1048576xf32, #tpu.memory_space<vmem_shared>> -> memref<8192xf32, #tpu.memory_space<vmem_shared>>
      %dma_wait3A_179 = tpu.memref_slice %arg10[%add3A_151] : memref<1048576xf32, #tpu.memory_space<vmem_shared>> -> memref<8192xf32, #tpu.memory_space<vmem_shared>>
      tpu.wait_dma2 semaphore(%run_scoped3A : memref<!tpu.dma_semaphore, #tpu.memory_space<semaphore_mem>>) src(%arg9 : memref<8192xf32, #tpu.memory_space<vmem>>) dst(%dma_wait3A_179 : memref<8192xf32, #tpu.memory_space<vmem_shared>>)
      tpu.yield
    }) : () -> ()
    %add3A_152 = arith.constant 40960 : i32
    %add3A_153 = arith.addi %mul3A_2, %add3A_152 : i32
    "tpu.region"() ({
      %run_scoped3A = tpu.sem_alloc : memref<!tpu.dma_semaphore, #tpu.memory_space<semaphore_mem>>
      %dma_start3A = tpu.memref_slice %arg10[%add3A_153] : memref<1048576xf32, #tpu.memory_space<vmem_shared>> -> memref<8192xf32, #tpu.memory_space<vmem_shared>>
      %dma_start3A_177 = tpu.memref_slice %arg10[%add3A_153] : memref<1048576xf32, #tpu.memory_space<vmem_shared>> -> memref<8192xf32, #tpu.memory_space<vmem_shared>>
      tpu.enqueue_dma source(%arg9 : memref<8192xf32, #tpu.memory_space<vmem>>) target(%dma_start3A_177 : memref<8192xf32, #tpu.memory_space<vmem_shared>>) target_semaphore(%run_scoped3A : memref<!tpu.dma_semaphore, #tpu.memory_space<semaphore_mem>>)
      %dma_wait3A_178 = tpu.memref_slice %arg10[%add3A_153] : memref<1048576xf32, #tpu.memory_space<vmem_shared>> -> memref<8192xf32, #tpu.memory_space<vmem_shared>>
      %dma_wait3A_179 = tpu.memref_slice %arg10[%add3A_153] : memref<1048576xf32, #tpu.memory_space<vmem_shared>> -> memref<8192xf32, #tpu.memory_space<vmem_shared>>
      tpu.wait_dma2 semaphore(%run_scoped3A : memref<!tpu.dma_semaphore, #tpu.memory_space<semaphore_mem>>) src(%arg9 : memref<8192xf32, #tpu.memory_space<vmem>>) dst(%dma_wait3A_179 : memref<8192xf32, #tpu.memory_space<vmem_shared>>)
      tpu.yield
    }) : () -> ()
    %add3A_154 = arith.constant 49152 : i32
    %add3A_155 = arith.addi %mul3A_2, %add3A_154 : i32
    "tpu.region"() ({
      %run_scoped3A = tpu.sem_alloc : memref<!tpu.dma_semaphore, #tpu.memory_space<semaphore_mem>>
      %dma_start3A = tpu.memref_slice %arg10[%add3A_155] : memref<1048576xf32, #tpu.memory_space<vmem_shared>> -> memref<8192xf32, #tpu.memory_space<vmem_shared>>
      %dma_start3A_177 = tpu.memref_slice %arg10[%add3A_155] : memref<1048576xf32, #tpu.memory_space<vmem_shared>> -> memref<8192xf32, #tpu.memory_space<vmem_shared>>
      tpu.enqueue_dma source(%arg9 : memref<8192xf32, #tpu.memory_space<vmem>>) target(%dma_start3A_177 : memref<8192xf32, #tpu.memory_space<vmem_shared>>) target_semaphore(%run_scoped3A : memref<!tpu.dma_semaphore, #tpu.memory_space<semaphore_mem>>)
      %dma_wait3A_178 = tpu.memref_slice %arg10[%add3A_155] : memref<1048576xf32, #tpu.memory_space<vmem_shared>> -> memref<8192xf32, #tpu.memory_space<vmem_shared>>
      %dma_wait3A_179 = tpu.memref_slice %arg10[%add3A_155] : memref<1048576xf32, #tpu.memory_space<vmem_shared>> -> memref<8192xf32, #tpu.memory_space<vmem_shared>>
      tpu.wait_dma2 semaphore(%run_scoped3A : memref<!tpu.dma_semaphore, #tpu.memory_space<semaphore_mem>>) src(%arg9 : memref<8192xf32, #tpu.memory_space<vmem>>) dst(%dma_wait3A_179 : memref<8192xf32, #tpu.memory_space<vmem_shared>>)
      tpu.yield
    }) : () -> ()
    %add3A_156 = arith.constant 57344 : i32
    %add3A_157 = arith.addi %mul3A_2, %add3A_156 : i32
    "tpu.region"() ({
      %run_scoped3A = tpu.sem_alloc : memref<!tpu.dma_semaphore, #tpu.memory_space<semaphore_mem>>
      %dma_start3A = tpu.memref_slice %arg10[%add3A_157] : memref<1048576xf32, #tpu.memory_space<vmem_shared>> -> memref<8192xf32, #tpu.memory_space<vmem_shared>>
      %dma_start3A_177 = tpu.memref_slice %arg10[%add3A_157] : memref<1048576xf32, #tpu.memory_space<vmem_shared>> -> memref<8192xf32, #tpu.memory_space<vmem_shared>>
      tpu.enqueue_dma source(%arg9 : memref<8192xf32, #tpu.memory_space<vmem>>) target(%dma_start3A_177 : memref<8192xf32, #tpu.memory_space<vmem_shared>>) target_semaphore(%run_scoped3A : memref<!tpu.dma_semaphore, #tpu.memory_space<semaphore_mem>>)
      %dma_wait3A_178 = tpu.memref_slice %arg10[%add3A_157] : memref<1048576xf32, #tpu.memory_space<vmem_shared>> -> memref<8192xf32, #tpu.memory_space<vmem_shared>>
      %dma_wait3A_179 = tpu.memref_slice %arg10[%add3A_157] : memref<1048576xf32, #tpu.memory_space<vmem_shared>> -> memref<8192xf32, #tpu.memory_space<vmem_shared>>
      tpu.wait_dma2 semaphore(%run_scoped3A : memref<!tpu.dma_semaphore, #tpu.memory_space<semaphore_mem>>) src(%arg9 : memref<8192xf32, #tpu.memory_space<vmem>>) dst(%dma_wait3A_179 : memref<8192xf32, #tpu.memory_space<vmem_shared>>)
      tpu.yield
    }) : () -> ()
    %scan3A_158 = arith.constant 0 : i32
    %scan3A_159 = arith.constant 0 : i32
    %scan3A_160 = arith.constant 656 : i32
    %scan3A_161 = arith.addi %scan3A_159, %scan3A_160 : i32
    %scan3A_162 = arith.constant 1 : i32
    scf.for %scan3A_177 = %scan3A_159 to %scan3A_161 step %scan3A_162  : i32 {
      %mul3A_178 = arith.constant 16 : i32
      %mul3A_179 = arith.muli %scan3A_177, %mul3A_178 : i32
      %get3A = arith.index_cast %mul3A_179 : i32 to index
      %get3A_180 = tpu.vector_load %arg5[%get3A] {strides = array<i32>} : memref<10496xi32, #tpu.memory_space<vmem>>, vector<16xi32>,
      %get3A_181 = vector.shape_cast %get3A_180 : vector<16xi32> to vector<16xi32>
      %mul3A_182 = arith.constant 16 : i32
      %mul3A_183 = arith.muli %scan3A_177, %mul3A_182 : i32
      %get3A_184 = arith.index_cast %mul3A_183 : i32 to index
      %get3A_185 = tpu.vector_load %arg6[%get3A_184] {strides = array<i32>} : memref<10496xf32, #tpu.memory_space<vmem>>, vector<16xf32>,
      %get3A_186 = vector.shape_cast %get3A_185 : vector<16xf32> to vector<16xf32>
      %sub3A = vector.broadcast %mul3A_139 : i32 to vector<16xi32>
      %sub3A_187 = arith.subi %get3A_181, %sub3A : vector<16xi32>
      %ge3A = arith.constant 0 : i32
      %ge3A_188 = vector.broadcast %ge3A : i32 to vector<16xi32>
      %ge3A_189 = arith.cmpi sge, %sub3A_187, %ge3A_188 : vector<16xi32>
      %lt3A = arith.constant 1048576 : i32
      %lt3A_190 = vector.broadcast %lt3A : i32 to vector<16xi32>
      %lt3A_191 = arith.cmpi slt, %sub3A_187, %lt3A_190 : vector<16xi32>
      %and3A = arith.andi %ge3A_189, %lt3A_191 : vector<16xi1>
      %mul3A_192 = arith.constant 16 : i32
      %mul3A_193 = arith.muli %scan3A_177, %mul3A_192 : i32
      %add3A_194 = arith.addi %mul3A_0, %mul3A_193 : i32
      %add3A_195 = vector.broadcast %add3A_194 : i32 to vector<16xi32>
      %add3A_196 = arith.addi %add3A_195, %iota3A : vector<16xi32>
      %select_n3A = arith.select %and3A, %sub3A_187, %add3A_196 : vector<16xi1>, vector<16xi32>
      %jit3A = arith.constant 8 : i32
      %div3A = arith.divsi %scan3A_177, %jit3A : i32
      %sign3A = arith.constant 0 : i32
      %sign3A_197 = arith.cmpi sgt, %scan3A_177, %sign3A : i32
      %sign3A_198 = arith.extui %sign3A_197 : i1 to i32
      %sign3A_199 = arith.constant 0 : i32
      %sign3A_200 = arith.cmpi slt, %scan3A_177, %sign3A_199 : i32
      %sign3A_201 = arith.extui %sign3A_200 : i1 to i32
      %sign3A_202 = arith.subi %sign3A_198, %sign3A_201 : i32
      %sign3A_203 = arith.constant 0 : i32
      %sign3A_204 = arith.cmpi sgt, %jit3A, %sign3A_203 : i32
      %sign3A_205 = arith.extui %sign3A_204 : i1 to i32
      %sign3A_206 = arith.constant 0 : i32
      %sign3A_207 = arith.cmpi slt, %jit3A, %sign3A_206 : i32
      %sign3A_208 = arith.extui %sign3A_207 : i1 to i32
      %sign3A_209 = arith.subi %sign3A_205, %sign3A_208 : i32
      %ne3A = arith.cmpi ne, %sign3A_202, %sign3A_209 : i32
      %rem3A = arith.remsi %scan3A_177, %jit3A : i32
      %ne3A_210 = arith.constant 0 : i32
      %ne3A_211 = arith.cmpi ne, %rem3A, %ne3A_210 : i32
      %and3A_212 = arith.andi %ne3A, %ne3A_211 : i1
      %sub3A_213 = arith.constant 1 : i32
      %sub3A_214 = arith.subi %div3A, %sub3A_213 : i32
      %select_n3A_215 = arith.select %and3A_212, %sub3A_214, %div3A : i32
      %jit3A_216 = arith.constant 8 : i32
      %eq3A = arith.constant 0 : i32
      %eq3A_217 = arith.cmpi eq, %jit3A_216, %eq3A : i32
      %jit3A_218 = arith.constant 1 : i32
      %select_n3A_219 = arith.select %eq3A_217, %jit3A_218, %jit3A_216 : i32
      %rem3A_220 = arith.remsi %scan3A_177, %select_n3A_219 : i32
      %ne3A_221 = arith.constant 0 : i32
      %ne3A_222 = arith.cmpi ne, %rem3A_220, %ne3A_221 : i32
      %lt3A_223 = arith.constant 0 : i32
      %lt3A_224 = arith.cmpi slt, %rem3A_220, %lt3A_223 : i32
      %lt3A_225 = arith.constant 0 : i32
      %lt3A_226 = arith.cmpi slt, %select_n3A_219, %lt3A_225 : i32
      %ne3A_227 = arith.xori %lt3A_224, %lt3A_226 : i1
      %and3A_228 = arith.andi %ne3A_227, %ne3A_222 : i1
      %add3A_229 = arith.addi %rem3A_220, %select_n3A_219 : i32
      %select_n3A_230 = arith.select %and3A_228, %add3A_229, %rem3A_220 : i32
      %mul3A_231 = arith.constant 16 : i32
      %mul3A_232 = arith.muli %select_n3A_230, %mul3A_231 : i32
      %swap3A = arith.index_cast %select_n3A_215 : i32 to index
      %swap3A_233 = arith.index_cast %mul3A_232 : i32 to index
      %swap3A_234 = tpu.vector_load %arg7[%swap3A, %swap3A_233] {strides = array<i32>} : memref<82x128xi32, #tpu.memory_space<vmem>>, vector<1x16xi32>,
      %swap3A_235 = vector.shape_cast %swap3A_234 : vector<1x16xi32> to vector<16xi32>
      %swap3A_236 = vector.shape_cast %select_n3A : vector<16xi32> to vector<1x16xi32>
      tpu.vector_store %arg7[%swap3A, %swap3A_233], %swap3A_236 {strides = array<i32>} : memref<82x128xi32, #tpu.memory_space<vmem>>, vector<1x16xi32>,
      %jit3A_237 = arith.constant 0.000000e+00 : f32
      %broadcast_in_dim3A = vector.broadcast %jit3A_237 : f32 to vector<16xf32>
      %select_n3A_238 = arith.select %and3A, %get3A_186, %broadcast_in_dim3A : vector<16xi1>, vector<16xf32>
      %mul3A_239 = arith.constant 16 : i32
      %mul3A_240 = arith.muli %scan3A_177, %mul3A_239 : i32
      %swap3A_241 = arith.index_cast %mul3A_240 : i32 to index
      %swap3A_242 = tpu.vector_load %arg8[%swap3A_241] {strides = array<i32>} : memref<10496xf32, #tpu.memory_space<vmem>>, vector<16xf32>,
      %swap3A_243 = vector.shape_cast %swap3A_242 : vector<16xf32> to vector<16xf32>
      %swap3A_244 = vector.shape_cast %select_n3A_238 : vector<16xf32> to vector<16xf32>
      tpu.vector_store %arg8[%swap3A_241], %swap3A_244 {strides = array<i32>} : memref<10496xf32, #tpu.memory_space<vmem>>, vector<16xf32>,
    }
    %scan3A_163 = arith.constant 656 : i32
    %barrier3A_164 = arith.constant 0 : index
    tpu.barrier barrier_id(%barrier3A_164)
    %scan3A_165 = arith.constant 0 : i32
    %scan3A_166 = arith.constant 0 : i32
    %scan3A_167 = arith.constant 82 : i32
    %scan3A_168 = arith.addi %scan3A_166, %scan3A_167 : i32
    %scan3A_169 = arith.constant 1 : i32
    scf.for %scan3A_177 = %scan3A_166 to %scan3A_168 step %scan3A_169  : i32 {
      %mul3A_178 = arith.constant 128 : i32
      %mul3A_179 = arith.muli %scan3A_177, %mul3A_178 : i32
      %dma_start3A = tpu.memref_slice %arg8[%mul3A_179] : memref<10496xf32, #tpu.memory_space<vmem>> -> memref<128xf32, #tpu.memory_space<vmem>>
      %dma_start3A_180 = arith.constant 0 : i32
      %dma_start3A_181 = tpu.memref_slice %arg7[%scan3A_177, %dma_start3A_180] : memref<82x128xi32, #tpu.memory_space<vmem>> -> memref<1x128xi32, #tpu.memory_space<vmem>>
      %dma_start3A_182 = tpu.memref_squeeze %dma_start3A_181 : memref<1x128xi32, #tpu.memory_space<vmem>> -> memref<128xi32, #tpu.memory_space<vmem>>
      %dma_start3A_183 = arith.constant 0 : i32
      %dma_start3A_184 = tpu.memref_slice %arg10[%dma_start3A_183] : memref<1048576xf32, #tpu.memory_space<vmem_shared>> -> memref<1048576xf32, #tpu.memory_space<vmem_shared>>
      tpu.enqueue_indirect_dma source(%dma_start3A : memref<128xf32, #tpu.memory_space<vmem>>) target(%dma_start3A_184 : memref<1048576xf32, #tpu.memory_space<vmem_shared>>) offsets(%dma_start3A_182 : memref<128xi32, #tpu.memory_space<vmem>>) semaphore(%arg11 : memref<!tpu.dma_semaphore, #tpu.memory_space<semaphore_mem>>) {add = true}
    }
    %scan3A_170 = arith.constant 82 : i32
    %dma_wait3A_171 = arith.constant 0 : i32
    %dma_wait3A_172 = tpu.memref_slice %arg3[%dma_wait3A_171] : memref<167936xf32, #tpu.memory_space<hbm>> -> memref<10496xf32, #tpu.memory_space<hbm>>
    %dma_wait3A_173 = arith.constant 0 : i32
    %dma_wait3A_174 = tpu.memref_slice %arg3[%dma_wait3A_173] : memref<167936xf32, #tpu.memory_space<hbm>> -> memref<10496xf32, #tpu.memory_space<hbm>>
    tpu.wait_dma2 semaphore(%arg11 : memref<!tpu.dma_semaphore, #tpu.memory_space<semaphore_mem>>) src(%dma_wait3A_174 : memref<10496xf32, #tpu.memory_space<hbm>>) dst(%arg8 : memref<10496xf32, #tpu.memory_space<vmem>>)
    %barrier3A_175 = arith.constant 0 : index
    tpu.barrier barrier_id(%barrier3A_175)
    %add3A_176 = arith.addi %mul3A_141, %mul3A_2 : i32
    "tpu.region"() ({
      %run_scoped3A = tpu.sem_alloc : memref<!tpu.dma_semaphore, #tpu.memory_space<semaphore_mem>>
      %dma_start3A = tpu.memref_slice %arg4[%add3A_176] : memref<8388608xf32, #tpu.memory_space<hbm>> -> memref<65536xf32, #tpu.memory_space<hbm>>
      %dma_start3A_177 = tpu.memref_slice %arg10[%mul3A_2] : memref<1048576xf32, #tpu.memory_space<vmem_shared>> -> memref<65536xf32, #tpu.memory_space<vmem_shared>>
      tpu.enqueue_dma source(%dma_start3A_177 : memref<65536xf32, #tpu.memory_space<vmem_shared>>) target(%dma_start3A : memref<65536xf32, #tpu.memory_space<hbm>>) target_semaphore(%run_scoped3A : memref<!tpu.dma_semaphore, #tpu.memory_space<semaphore_mem>>)
      %dma_wait3A_178 = tpu.memref_slice %arg4[%add3A_176] : memref<8388608xf32, #tpu.memory_space<hbm>> -> memref<65536xf32, #tpu.memory_space<hbm>>
      %dma_wait3A_179 = tpu.memref_slice %arg10[%mul3A_2] : memref<1048576xf32, #tpu.memory_space<vmem_shared>> -> memref<65536xf32, #tpu.memory_space<vmem_shared>>
      tpu.wait_dma2 semaphore(%run_scoped3A : memref<!tpu.dma_semaphore, #tpu.memory_space<semaphore_mem>>) src(%dma_wait3A_179 : memref<65536xf32, #tpu.memory_space<vmem_shared>>) dst(%dma_wait3A_178 : memref<65536xf32, #tpu.memory_space<hbm>>)
      tpu.yield
    }) : () -> ()
    return
  }
}

module attributes {stable_mosaic.version = 14 : i64} {
  func.func @_retile_body(%arg0: i32, %arg1: memref<524288xf32, #tpu.memory_space<vmem>>, %arg2: memref<128x4096xbf16, #tpu.memory_space<vmem>>) attributes {dimension_semantics = [#tpu.dimension_semantics<arbitrary>], iteration_bounds = array<i64: 8>, scalar_prefetch = 0 : i64, scratch_operands = 0 : i64, tpu.core_type = #tpu.core_type<tc>, window_params = [{transform_indices = @transform_0, window_bounds = array<i64: 524288>}, {transform_indices = @transform_1, window_bounds = array<i64: 128, 4096>}]} {
    %get3A = arith.constant 0 : index
    %get3A_0 = vector.load %arg1[%get3A] : memref<524288xf32, #tpu.memory_space<vmem>>, vector<524288xf32>
    %reshape3A = vector.shape_cast %get3A_0 : vector<524288xf32> to vector<128x4096xf32>
    %convert_element_type3A = arith.truncf %reshape3A : vector<128x4096xf32> to vector<128x4096xbf16>
    %swap3A = arith.constant 0 : index
    %swap3A_1 = arith.constant 0 : index
    %swap3A_2 = vector.load %arg2[%swap3A, %swap3A_1] : memref<128x4096xbf16, #tpu.memory_space<vmem>>, vector<128x4096xbf16>
    tpu.vector_store %arg2[%swap3A, %swap3A_1], %convert_element_type3A {strides = array<i32>} : memref<128x4096xbf16, #tpu.memory_space<vmem>>, vector<128x4096xbf16>,
    return
  }
  func.func @transform_0(%arg0: i32) -> i32 {
    %c0_i32 = arith.constant 0 : i32
    return %arg0 : i32
  }
  func.func @transform_1(%arg0: i32) -> (i32, i32) {
    %c0_i32 = arith.constant 0 : i32
    %c0_i32_0 = arith.constant 0 : i32
    return %arg0, %c0_i32 : i32, i32
  }
}

module attributes {stable_mosaic.version = 14 : i64} {
  func.func @_mm_first_body(%arg0: i32, %arg1: memref<512x4096xf32, #tpu.memory_space<vmem>>, %arg2: memref<1024x4096xbf16, #tpu.memory_space<vmem>>, %arg3: memref<512x1024xf32, #tpu.memory_space<vmem>>) attributes {dimension_semantics = [#tpu.dimension_semantics<arbitrary>], iteration_bounds = array<i64: 16>, scalar_prefetch = 0 : i64, scratch_operands = 0 : i64, tpu.core_type = #tpu.core_type<tc>, window_params = [{transform_indices = @transform_0, window_bounds = array<i64: 512, 4096>}, {pipeline_mode = #tpu.pipeline_mode<synchronous>, transform_indices = @transform_1, window_bounds = array<i64: 1024, 4096>}, {transform_indices = @transform_2, window_bounds = array<i64: 512, 1024>}]} {
    %get3A = arith.constant 0 : index
    %get3A_0 = arith.constant 0 : index
    %get3A_1 = vector.load %arg1[%get3A, %get3A_0] : memref<512x4096xf32, #tpu.memory_space<vmem>>, vector<512x4096xf32>
    %convert_element_type3A = arith.truncf %get3A_1 : vector<512x4096xf32> to vector<512x4096xbf16>
    %get3A_2 = arith.constant 0 : index
    %get3A_3 = arith.constant 0 : index
    %get3A_4 = vector.load %arg2[%get3A_2, %get3A_3] : memref<1024x4096xbf16, #tpu.memory_space<vmem>>, vector<1024x4096xbf16>
    %dot_general3A = arith.constant dense<0.000000e+00> : vector<512x1024xf32>
    %dot_general3A_5 = tpu.matmul %convert_element_type3A, %get3A_4, %dot_general3A {dimension_numbers = #tpu.dot_dimension_numbers<[1], [1], [0], [0], [0, 0, 1, 0], [], []>, transpose_lhs_hint = false} : vector<512x4096xbf16>, vector<1024x4096xbf16>, vector<512x1024xf32> -> vector<512x1024xf32>
    %swap3A = arith.constant 0 : index
    %swap3A_6 = arith.constant 0 : index
    %swap3A_7 = vector.load %arg3[%swap3A, %swap3A_6] : memref<512x1024xf32, #tpu.memory_space<vmem>>, vector<512x1024xf32>
    tpu.vector_store %arg3[%swap3A, %swap3A_6], %dot_general3A_5 {strides = array<i32>} : memref<512x1024xf32, #tpu.memory_space<vmem>>, vector<512x1024xf32>,
    return
  }
  func.func @transform_0(%arg0: i32) -> (i32, i32) {
    %c0_i32 = arith.constant 0 : i32
    %c0_i32_0 = arith.constant 0 : i32
    return %arg0, %c0_i32 : i32, i32
  }
  func.func @transform_1(%arg0: i32) -> (i32, i32) {
    %c0_i32 = arith.constant 0 : i32
    %c0_i32_0 = arith.constant 0 : i32
    %c0_i32_1 = arith.constant 0 : i32
    return %c0_i32, %c0_i32_0 : i32, i32
  }
  func.func @transform_2(%arg0: i32) -> (i32, i32) {
    %c0_i32 = arith.constant 0 : i32
    %c0_i32_0 = arith.constant 0 : i32
    return %arg0, %c0_i32 : i32, i32
  }
}

module attributes {stable_mosaic.version = 14 : i64} {
  func.func @_mm_rest_body(%arg0: i32, %arg1: memref<8192x4096xf32, #tpu.memory_space<any>>, %arg2: memref<512x4096xf32, #tpu.memory_space<vmem>>, %arg3: memref<1024x4096xbf16, #tpu.memory_space<vmem>>, %arg4: memref<512x1024xf32, #tpu.memory_space<vmem>>) attributes {dimension_semantics = [#tpu.dimension_semantics<arbitrary>], iteration_bounds = array<i64: 16>, scalar_prefetch = 0 : i64, scratch_operands = 0 : i64, tpu.core_type = #tpu.core_type<tc>, window_params = [{}, {transform_indices = @transform_1, window_bounds = array<i64: 512, 4096>}, {pipeline_mode = #tpu.pipeline_mode<synchronous>, transform_indices = @transform_2, window_bounds = array<i64: 1024, 4096>}, {transform_indices = @transform_3, window_bounds = array<i64: 512, 1024>}]} {
    %get3A = arith.constant 0 : index
    %get3A_0 = arith.constant 0 : index
    %get3A_1 = vector.load %arg2[%get3A, %get3A_0] : memref<512x4096xf32, #tpu.memory_space<vmem>>, vector<512x4096xf32>
    %convert_element_type3A = arith.truncf %get3A_1 : vector<512x4096xf32> to vector<512x4096xbf16>
    %get3A_2 = arith.constant 0 : index
    %get3A_3 = arith.constant 0 : index
    %get3A_4 = vector.load %arg3[%get3A_2, %get3A_3] : memref<1024x4096xbf16, #tpu.memory_space<vmem>>, vector<1024x4096xbf16>
    %dot_general3A = arith.constant dense<0.000000e+00> : vector<512x1024xf32>
    %dot_general3A_5 = tpu.matmul %convert_element_type3A, %get3A_4, %dot_general3A {dimension_numbers = #tpu.dot_dimension_numbers<[1], [1], [0], [0], [0, 0, 1, 0], [], []>, transpose_lhs_hint = false} : vector<512x4096xbf16>, vector<1024x4096xbf16>, vector<512x1024xf32> -> vector<512x1024xf32>
    %swap3A = arith.constant 0 : index
    %swap3A_6 = arith.constant 0 : index
    %swap3A_7 = vector.load %arg4[%swap3A, %swap3A_6] : memref<512x1024xf32, #tpu.memory_space<vmem>>, vector<512x1024xf32>
    tpu.vector_store %arg4[%swap3A, %swap3A_6], %dot_general3A_5 {strides = array<i32>} : memref<512x1024xf32, #tpu.memory_space<vmem>>, vector<512x1024xf32>,
    return
  }
  func.func @transform_1(%arg0: i32) -> (i32, i32) {
    %c0_i32 = arith.constant 0 : i32
    %c0_i32_0 = arith.constant 0 : i32
    return %arg0, %c0_i32 : i32, i32
  }
  func.func @transform_2(%arg0: i32) -> (i32, i32) {
    %c0_i32 = arith.constant 0 : i32
    %c0_i32_0 = arith.constant 0 : i32
    %c0_i32_1 = arith.constant 0 : i32
    return %c0_i32, %c0_i32_0 : i32, i32
  }
  func.func @transform_3(%arg0: i32) -> (i32, i32) {
    %c1_i32 = arith.constant 1 : i32
    %c0_i32 = arith.constant 0 : i32
    return %arg0, %c1_i32 : i32, i32
  }
}

module attributes {stable_mosaic.version = 14 : i64} {
  func.func @_retile_body(%arg0: i32, %arg1: memref<524288xf32, #tpu.memory_space<vmem>>, %arg2: memref<128x4096xbf16, #tpu.memory_space<vmem>>) attributes {dimension_semantics = [#tpu.dimension_semantics<arbitrary>], iteration_bounds = array<i64: 16>, scalar_prefetch = 0 : i64, scratch_operands = 0 : i64, tpu.core_type = #tpu.core_type<tc>, window_params = [{transform_indices = @transform_0, window_bounds = array<i64: 524288>}, {transform_indices = @transform_1, window_bounds = array<i64: 128, 4096>}]} {
    %get3A = arith.constant 0 : index
    %get3A_0 = vector.load %arg1[%get3A] : memref<524288xf32, #tpu.memory_space<vmem>>, vector<524288xf32>
    %reshape3A = vector.shape_cast %get3A_0 : vector<524288xf32> to vector<128x4096xf32>
    %convert_element_type3A = arith.truncf %reshape3A : vector<128x4096xf32> to vector<128x4096xbf16>
    %swap3A = arith.constant 0 : index
    %swap3A_1 = arith.constant 0 : index
    %swap3A_2 = vector.load %arg2[%swap3A, %swap3A_1] : memref<128x4096xbf16, #tpu.memory_space<vmem>>, vector<128x4096xbf16>
    tpu.vector_store %arg2[%swap3A, %swap3A_1], %convert_element_type3A {strides = array<i32>} : memref<128x4096xbf16, #tpu.memory_space<vmem>>, vector<128x4096xbf16>,
    return
  }
  func.func @transform_0(%arg0: i32) -> i32 {
    %c0_i32 = arith.constant 0 : i32
    return %arg0 : i32
  }
  func.func @transform_1(%arg0: i32) -> (i32, i32) {
    %c0_i32 = arith.constant 0 : i32
    %c0_i32_0 = arith.constant 0 : i32
    return %arg0, %c0_i32 : i32, i32
  }
}

module attributes {stable_mosaic.version = 14 : i64} {
  func.func @_mm_rest_body(%arg0: i32, %arg1: memref<8192x4096xf32, #tpu.memory_space<any>>, %arg2: memref<512x4096xf32, #tpu.memory_space<vmem>>, %arg3: memref<2048x4096xbf16, #tpu.memory_space<vmem>>, %arg4: memref<512x2048xf32, #tpu.memory_space<vmem>>) attributes {dimension_semantics = [#tpu.dimension_semantics<arbitrary>], iteration_bounds = array<i64: 16>, scalar_prefetch = 0 : i64, scratch_operands = 0 : i64, tpu.core_type = #tpu.core_type<tc>, window_params = [{}, {transform_indices = @transform_1, window_bounds = array<i64: 512, 4096>}, {pipeline_mode = #tpu.pipeline_mode<synchronous>, transform_indices = @transform_2, window_bounds = array<i64: 2048, 4096>}, {transform_indices = @transform_3, window_bounds = array<i64: 512, 2048>}]} {
    %get3A = arith.constant 0 : index
    %get3A_0 = arith.constant 0 : index
    %get3A_1 = vector.load %arg2[%get3A, %get3A_0] : memref<512x4096xf32, #tpu.memory_space<vmem>>, vector<512x4096xf32>
    %convert_element_type3A = arith.truncf %get3A_1 : vector<512x4096xf32> to vector<512x4096xbf16>
    %get3A_2 = arith.constant 0 : index
    %get3A_3 = arith.constant 0 : index
    %get3A_4 = vector.load %arg3[%get3A_2, %get3A_3] : memref<2048x4096xbf16, #tpu.memory_space<vmem>>, vector<2048x4096xbf16>
    %dot_general3A = arith.constant dense<0.000000e+00> : vector<512x2048xf32>
    %dot_general3A_5 = tpu.matmul %convert_element_type3A, %get3A_4, %dot_general3A {dimension_numbers = #tpu.dot_dimension_numbers<[1], [1], [0], [0], [0, 0, 1, 0], [], []>, transpose_lhs_hint = false} : vector<512x4096xbf16>, vector<2048x4096xbf16>, vector<512x2048xf32> -> vector<512x2048xf32>
    %swap3A = arith.constant 0 : index
    %swap3A_6 = arith.constant 0 : index
    %swap3A_7 = vector.load %arg4[%swap3A, %swap3A_6] : memref<512x2048xf32, #tpu.memory_space<vmem>>, vector<512x2048xf32>
    tpu.vector_store %arg4[%swap3A, %swap3A_6], %dot_general3A_5 {strides = array<i32>} : memref<512x2048xf32, #tpu.memory_space<vmem>>, vector<512x2048xf32>,
    return
  }
  func.func @transform_1(%arg0: i32) -> (i32, i32) {
    %c0_i32 = arith.constant 0 : i32
    %c0_i32_0 = arith.constant 0 : i32
    return %arg0, %c0_i32 : i32, i32
  }
  func.func @transform_2(%arg0: i32) -> (i32, i32) {
    %c0_i32 = arith.constant 0 : i32
    %c0_i32_0 = arith.constant 0 : i32
    %c0_i32_1 = arith.constant 0 : i32
    return %c0_i32, %c0_i32_0 : i32, i32
  }
  func.func @transform_3(%arg0: i32) -> (i32, i32) {
    %c1_i32 = arith.constant 1 : i32
    %c0_i32 = arith.constant 0 : i32
    return %arg0, %c1_i32 : i32, i32
  }
}

</mosaic_0001>

<sc_bundles>
// kernel: kernel.11.cloned.1.call-start
scs
__scs_entry_jumppad:
0x0: {  	(pc) =	sbr.rel $0x88, $3  }
0x1: {  	(tag) =	ssettag $0x0;
	lr =	simm.s32 $0x1  }
0x2: {  	[smem:$0x3F9E] =	sst lr;
	_ =	strace $0xD0000000  }
0x3: {  	_ = 	snop  }
0x4: {  	_ = 	snop  }
0x5: {  	_ = 	snop  }
0x6: {  	_ = 	snop  }
0x7: {  	_ = 	snop  }
__scs_overlays_trampoline_lowered:
0x8: {  	[smem:$0x3FAD] =	sst s0  }
0x9: {  	[smem:$0x3FAE] =	sst s1  }
0xa: {  	[smem:$0x3FAF] =	sst s2  }
0xb: {  	[smem:$0x3FB0] =	sst s3  }
0xc: {  	[smem:$0x3FB1] =	sst s4  }
0xd: {  	[smem:$0x3FB2] =	sst s5  }
0xe: {  	[smem:$0x3FB3] =	sst s6  }
0xf: {  	[smem:$0x3FB4] =	sst s7  }
0x10: {  	[smem:$0x3FB5] =	sst s8  }
0x11: {  	[smem:$0x3FB6] =	sst s9;
	s0 =	simm.s32 @!p0 $0x0  }
0x12: {  	s1 =	sld [smem:$0x3F9C];
	s0 =	simm.s32 @p0 $0x1  }
0x13: {  	[smem:$0x3FB7] =	sst s0;
	s0 =	simm.s32 @!p1 $0x0  }
0x14: {  	s2 =	sld [smem:$0x3F9B];
	s0 =	simm.s32 @p1 $0x1  }
0x15: {  	[smem:$0x3FB8] =	sst s0;
	s0 =	simm.s32 @!p2 $0x0  }
0x16: {  	s3 =	sld [smem:$0x3FDB];
	s0 =	simm.s32 @p2 $0x1  }
0x17: {  	s4 =	simm.s32 $0x1BF5;
	[smem:$0x3FBA] =	sst s0  }
0x18: {  	s0 =	sld [smem:$0x3F9D];
	_ =	swait.ge [sflag:s4], $0x0  }
0x19: {  	s7 =	sld [smem:$0x3F9E]  }
0x1a: {  	s8 =	sadd.s32 $0xFFFFE003, lr  }
0x1b: {  	s9 =	sadd.s32 $0xFFFFFEF7, lr;
	s5 =	simm.s32 $0xFFFFFFFF;
	p2 =	slt.u32 s8, $0xFFFFF086  }
0x1c: {  	p1 =	slt.u32 s9, $0xF7A;
	s5 =	simm.s32 @!p2 $0x0  }
0x1d: {  	s5 =	simm.s32 @p1 $0x1;
	p0 =	seq.s32 s7, s2  }
0x1e: {  	s7 =	smul.u32 @!p0 $0xF7A, s2;
	p2 =	seq.s32 @!p0 s5, $0x0  }
0x1f: {  	s9 =	smul.u32 $0xF7A, s1;
	s8 =	simm.s32 @!p0 $0x1BF5;
	p2 =	por !p2, p0  }
0x20: {  	[sflag:s8] =	ssyncset.s32 @!p0 $0xFFFFF086;
	s6 =	sadd.s32 @!p0 s3, s7;
	s7 =	simm.s32 @!p0 $0x108  }
0x21: {  	s3 =	sadd.s32 s3, s9;
	s6 =	sadd.s32 @!p0 $0x88, s6;
	s7 =	simm.s32 @p2 $0x1082  }
0x22: {  	[simem:s7], [sflag:s8] =	dma.local @!p0 [hbm:s6], $0xF7A  }
0x23: {  	s9 =	sor.u32 $0xD0000000, s2;
	s6 =	simm.s32 $0x108;
	_ =	swait.ge @!p0 [sflag:s8], $0x0  }
0x24: {  	s3 =	sadd.s32 $0x88, s3;
	s6 =	simm.s32 @!p1 $0x1082;
	[sflag:s4] =	ssyncset.s32 $0xFFFFF086  }
0x25: {  	[simem:s6], [sflag:s4] =	dma.local [hbm:s3], $0xF7A  }
0x26: {  	[smem:$0x3F9E] =	sst s1;
	(tag) =	ssettag s2;
	_ =	strace s9  }
0x27: {  	s1 =	sld [smem:$0x3FAE]  }
0x28: {  	s2 =	sld [smem:$0x3FAF]  }
0x29: {  	s4 =	sld [smem:$0x3FB1]  }
0x2a: {  	p0 =	seq.s32 s5, $0x0;
	s5 =	sld [smem:$0x3FB2]  }
0x2b: {  	s6 =	sld [smem:$0x3FB3]  }
0x2c: {  	s7 =	sld [smem:$0x3FB4]  }
0x2d: {  	s3 =	simm.s32 $0x108;
	s8 =	sld [smem:$0x3FB5]  }
0x2e: {  	s3 =	simm.s32 @!p0 $0x1082;
	s9 =	sld [smem:$0x3FB6]  }
0x2f: {  	lr =	sadd.s32 s0, s3;
	s0 =	sld [smem:$0x3FAD]  }
0x30: {  	s3 =	sld [smem:$0x3FB0]  }
0x31: {  	[smem:$0x3FB9] =	sst s10  }
0x32: {  	s10 =	sld [smem:$0x3FB7];
	_ =	sdelay $0x3  }
0x33: {  	p0 =	seq.s32 s10, $0x1;
	s10 =	sld [smem:$0x3FB9];
	_ =	sdelay $0x3  }
0x34: {  	[smem:$0x3FB9] =	sst s10  }
0x35: {  	s10 =	sld [smem:$0x3FB8];
	_ =	sdelay $0x3  }
0x36: {  	p1 =	seq.s32 s10, $0x1;
	s10 =	sld [smem:$0x3FB9];
	_ =	sdelay $0x3  }
0x37: {  	[smem:$0x3FB9] =	sst s10  }
0x38: {  	s10 =	sld [smem:$0x3FBA]  }
0x39: {  	_ = 	snop;
	(pc) =	sbr.ind lr, $3  }
0x3a: {  	_ = 	snop  }
0x3b: {  	_ = 	snop  }
0x3c: {  	p2 =	seq.s32 s10, $0x1;
	s10 =	sld [smem:$0x3FB9]  }
0x3d: {  	_ =	shalt  }
0x3e: {  	_ =	shalt  }
0x3f: {  	_ =	shalt  }
0x40: {  	_ =	shalt  }
0x41: {  	_ =	shalt  }
0x42: {  	_ =	shalt  }
0x43: {  	_ =	shalt  }
0x44: {  	_ =	shalt  }
0x45: {  	_ =	shalt  }
0x46: {  	_ =	shalt  }
0x47: {  	_ =	shalt  }
0x48: {  	_ =	shalt  }
0x49: {  	_ =	shalt  }
0x4a: {  	_ =	shalt  }
0x4b: {  	_ =	shalt  }
0x4c: {  	_ =	shalt  }
0x4d: {  	_ =	shalt  }
0x4e: {  	_ =	shalt  }
0x4f: {  	_ =	shalt  }
0x50: {  	_ =	shalt  }
0x51: {  	_ =	shalt  }
0x52: {  	_ =	shalt  }
0x53: {  	_ =	shalt  }
0x54: {  	_ =	shalt  }
0x55: {  	_ =	shalt  }
0x56: {  	_ =	shalt  }
0x57: {  	_ =	shalt  }
0x58: {  	_ =	shalt  }
0x59: {  	_ =	shalt  }
0x5a: {  	_ =	shalt  }
0x5b: {  	_ =	shalt  }
0x5c: {  	_ =	shalt  }
0x5d: {  	_ =	shalt  }
0x5e: {  	_ =	shalt  }
0x5f: {  	_ =	shalt  }
0x60: {  	_ =	shalt  }
0x61: {  	_ =	shalt  }
0x62: {  	_ =	shalt  }
0x63: {  	_ =	shalt  }
0x64: {  	_ =	shalt  }
0x65: {  	_ =	shalt  }
0x66: {  	_ =	shalt  }
0x67: {  	_ =	shalt  }
0x68: {  	_ =	shalt  }
0x69: {  	_ =	shalt  }
0x6a: {  	_ =	shalt  }
0x6b: {  	_ =	shalt  }
0x6c: {  	_ =	shalt  }
0x6d: {  	_ =	shalt  }
0x6e: {  	_ =	shalt  }
0x6f: {  	_ =	shalt  }
0x70: {  	_ =	shalt  }
0x71: {  	_ =	shalt  }
0x72: {  	_ =	shalt  }
0x73: {  	_ =	shalt  }
0x74: {  	_ =	shalt  }
0x75: {  	_ =	shalt  }
0x76: {  	_ =	shalt  }
0x77: {  	_ =	shalt  }
0x78: {  	_ =	shalt  }
0x79: {  	_ =	shalt  }
0x7a: {  	_ =	shalt  }
0x7b: {  	_ =	shalt  }
0x7c: {  	_ =	shalt  }
0x7d: {  	_ =	shalt  }
0x7e: {  	_ =	shalt  }
0x7f: {  	_ =	shalt  }
0x80: {  	_ =	shalt  }
0x81: {  	_ =	shalt  }
0x82: {  	_ =	shalt  }
0x83: {  	_ =	shalt  }
0x84: {  	_ =	shalt  }
0x85: {  	_ =	shalt  }
0x86: {  	_ =	shalt  }
0x87: {  	_ =	shalt  }
.Lfunc_end0:
.L_simem_size_0:
called_computation_lowered:
.L_overlay_start_0:
0x88: {  	s2 =	sld [smem:$0x3FD9]  }
0x89: {  	s3 =	sld [smem:$0x3FFE];
	_ =	sdelay $0x1  }
0x8a: {  	s1 =	srdreg.scid  }
0x8b: {  	s0 =	sand.u32 $0x1, s1  }
0x8c: {  	s17 =	sshll.u32 s0, $0xA;
	s2 =	sadd.s32 s3, s2  }
0x8d: {  	s2 =	sadd.s32 s2, s17  }
0x8e: {  	[smem:$0x3FC5] =	sst s2  }
0x8f: {  	_ = 	snop  }
0x90: {  	s2 =	sld [smem:$0x3FD0];
	(tm) =	ssettm $0x1  }
0x91: {  	s18 =	sld [smem:$0x3FFB];
	_ =	sdelay $0x3  }
0x92: {  	_ =	strace s18  }
0x93: {  	s3 =	sld [smem:$0x3FFC];
	_ =	sdelay $0x3  }
0x94: {  	_ =	strace s3  }
0x95: {  	s3 =	sld [smem:$0x3FFD];
	_ =	sdelay $0x3  }
0x96: {  	_ =	strace s3  }
0x97: {  	_ =	strace $0x8FFFFFFF  }
0x98: {  	s19 =	sld [smem:$0x3FDB];
	_ =	sdelay $0x1  }
0x99: {  	s4 =	simm.s32 $_scs_section_size  }
0x9a: {  	s5 =	simm.s32 $_size__tile_overlayer_lowered;
	s6 =	simm.s32 $_tile_overlayer_lowered  }
0x9b: {  	s22 =	simm.s32 $0x1BFF;
	s21 =	sshll.u32 s6, $0x1;
	s3 =	sadd.s32 s4, s19  }
0x9c: {  	s7 =	simm.s32 $0x0;
	s20 =	sshll.u32 s5, $0x1;
	s5 =	sadd.s32 s21, s3  }
0x9d: {  	[timem:s7], [sflag:s22] =	dma.local [hbm:s5], s20  }
0x9e: {  	_ =	swait.ge [sflag:s22], s20  }
0x9f: {  	s4 =	ssub.s32 $0x0, s20;
	[sflag:s22] =	ssyncset.done $0x0  }
0xa0: {  	[sflag:s22] =	ssyncadd.s32 s4;
	_ =	sdelay $0x1  }
0xa1: {  	s23 =	simm.s32 $0x1B8B  }
0xa2: {  	_ =	swait.ge [sflag:s23], $0x1  }
0xa3: {  	[sflag:s23] =	ssyncset.done $0x0  }
0xa4: {  	s25 =	simm.s32 $0x1B8E;
	s24 =	sld [smem:$0x3FFE];
	[sflag:s23] =	ssyncadd.s32 $0xFFFFFFFF  }
0xa5: {  	s26 =	simm.s32 $execute0_lowered;
	[smem:$0x3FD2] =	sst s25  }
0xa6: {  	s5 =	sshll.u32 s26, $0x1;
	_ =	strace $0x80000046;
	[dreg:$0x1] =	wrdreg $0xFFFFFFFF  }
0xa7: {  	s28 =	simm.s32 $_size_execute0_lowered;
	s3 =	sadd.s32 s3, s5;
	[dreg:$0x0] =	wrdreg $0x0  }
0xa8: {  	s5 =	sshll.u32 s28, $0x1;
	[dreg:$0x2] =	wrdreg s3  }
0xa9: {  	[dreg:$0x3] =	wrdreg s5  }
0xaa: {  	[dreg:$0x4] =	wrdreg $0xC0  }
0xab: {  	_ =	task [dreg:s7], $0x5FFFF  }
0xac: {  	[dreg:$0x1] =	wrdreg $0xFFFFFFFF  }
0xad: {  	[dreg:$0x0] =	wrdreg $0x60  }
0xae: {  	[dreg:$0x2] =	wrdreg s24  }
0xaf: {  	[dreg:$0x3] =	wrdreg s2  }
0xb0: {  	[dreg:$0x4] =	wrdreg $0xC7000  }
0xb1: {  	[dreg:$0x5] =	wrdreg $0x9  }
0xb2: {  	_ =	task.clear_ibuf [dreg:s7], $0x6FFFF;
	_ =	strace $0x90000046  }
0xb3: {  	s29 =	simm.s32 $0x9;
	_ =	strace $0x80000048  }
0xb4: {  	_ =	swait.ge [sflag:s29], $0x1  }
0xb5: {  	[sflag:s29] =	ssyncadd.s32 $0xFFFFFFFF  }
0xb6: {  	_ =	strace $0x90000048  }
0xb7: {  	_ =	sfence  }
0xb8: {  	s30 =	sld [smem:$0x0];
	_ =	sdelay $0x2  }
0xb9: {  	s31 =	sshll.u32 s1, $0xD;
	s1 =	sshrl.u32 s1, $0x2  }
0xba: {  	s3 =	sand.u32 $0x4000, s31;
	s1 =	sadd.s32 s1, s30  }
0xbb: {  	s0 =	sor.u32 s3, s0;
	s1 =	sshll.u32 s1, $0x11  }
0xbc: {  	s0 =	sor.u32 s1, s0  }
0xbd: {  	s0 =	sadd.s32 $0x8F2B, s0  }
0xbe: {  	[sflag:s0] =	ssyncadd.remote.s32 $0x1  }
0xbf: {  	_ =	sfence.sel $0xFFFF  }
0xc0: {  	[dreg:$0x0] =	wrdreg $0xFFFFFFFF;
	(pc) =	sbr.abs _section_cstart, $3  }
0xc1: {  	[dreg:$0x1] =	wrdreg $0xFFFFFFFF  }
0xc2: {  	_ =	task.clear_ibuf [dreg:s7], $0x2FFFF;
	_ =	strace $0x9FFFFFFF  }
0xc3: {  	(tm) =	ssettm $0x7FFFFFFF  }
tec
execute0_lowered:
.L_overlay_start_1:
0x0: {  	(tag) =	ssettag $0x1  }
0x1: {  	s5 =	rddreg [dreg:$0x0]  }
0x2: {  	s16 =	rddreg [dreg:$0x1]  }
0x3: {  	s2 =	rddreg [dreg:$0x2]  }
0x4: {  	s0 =	stileid.u32;
	s6 =	srdreg.scid  }
0x5: {  	s4 =	simm.s32 $0x0;
	s20 =	simm.s32 $0xA700;
	s22 =	simm.s32 $0x1  }
0x6: {  	s23 =	simm.s32 $0x0;
	s3 =	smul.u32 $0x2900, s0;
	s7 =	sand.u32 $0x1, s6  }
0x7: {  	[smem:$0x7FF] =	sst s4;
	s14 =	sshll.u32 s0, $0x10;
	s8 =	ssub.s32 $0x2, s7  }
0x8: {  	_ =	strace $0x80000047;
	s18 =	sshll.u32 s7, $0x14;
	s7 =	sadd.s32 s14, s2  }
0x9: {  	s30 =	sshrl.u32 s3, $0x3;
	s31 =	sshrl.u32 s8, $0x1;
	s9 =	sadd.s32 $0x4000, s7  }
0xa: {  	s10 =	sadd.s32 $0x6000, s7;
	s11 =	sadd.s32 $0x8000, s7;
	s12 =	sadd.s32 $0xA000, s7  }
0xb: {  	s21 =	sor.u32 $0x200000, s18;
	s13 =	sadd.s32 $0xC000, s7;
	s15 =	sor.u32 s14, s18  }
0xc: {  	v0 =	vmov s18;
	s18 =	simm.s32 $0x2;
	s6 =	sadd.s32 s30, s5;
	s17 =	ssub.s32 s8, s31  }
0xd: {  	s8 =	sadd.s32 $0x2000, s7;
	s19 =	sor.u32 s14, s21;
	s14 =	sadd.s32 $0xE000, s7  }
0xe: {  	s15 =	sshrl.u32 s15, $0x3;
	v1 =	vmov s21;
	s21 =	simm.s32 $0x80;
	s5 =	sadd.s32 $0x5E00, s6  }
0xf: {  	s6 =	sadd.s32 $0xC00, s6;
	s19 =	sshrl.u32 s19, $0x3;
	s15 =	sadd.s32 s16, s15  }
0x10: {  	v2 =	vimm.f32 $0.0e+00;
	v3 =	vlaneseq.u32;
	s17 =	smax.u32 s17, $0x1;
	s16 =	sadd.s32 s16, s19;
	s19 =	simm.s32 $0x2900  }
.LBB2_1:
0x11: {  	[tilespmem:s4], [sflag:$0x2] =	stream.linear.gather [hbm4b:s5+s4], $0x2900, $0x38;
	[tilespmem:$0x1C700] =	vst v63  }
0x12: {  	_ =	swait.ge [sflag:s18], $0x2900  }
0x13: {  	[sflag:s18] =	ssyncset.done $0x0  }
0x14: {  	[sflag:s18] =	ssyncadd.s32 $0xFFFFD700  }
0x15: {  	[tilespmem:s19], [sflag:$0x2] =	stream.linear.gather [hbm4b:s6+s4], $0x2900, $0x38;
	[tilespmem:$0x1C700] =	vst v63  }
0x16: {  	_ =	swait.ge [sflag:s18], $0x2900  }
0x17: {  	[sflag:s18] =	ssyncset.done $0x0  }
0x18: {  	s24 =	simm.s32 $0x40;
	s25 =	simm.s32 $0x0;
	[sflag:s18] =	ssyncadd.s32 $0xFFFFD700  }
.LBB2_2:
0x19: {  	p0 =	sne.s32 s24, $0x7FC0;
	[tilespmem:s25+$0xA700] =	vst v2;
	s25 =	smov.u32 s24;
	s24 =	sadd.s32 $0x40, s24  }
.Ltmp0:
0x1a: {  	(pc) =	sbr.rel @p0 .LBB2_2-.Ltmp0, $2  }
0x1b: {  	_ =	sdelay $0x2  }
0x1c: {  	s25 =	sshra.s32 s25, $0x2  }
0x1d: {  	[tilespmem:s25+$0xA700] =	vst v2  }
0x1e: {  	[spmem:s7] =	stream.linear.scatter [tilespmem:s20], [sflag:$0x2], $0x2000, $0x38;
	[tilespmem:$0x1C700] =	vst v63  }
0x1f: {  	_ =	swait.ge [sflag:s18], $0x2000  }
0x20: {  	[sflag:s18] =	ssyncset.done $0x0  }
0x21: {  	[sflag:s18] =	ssyncadd.s32 $0xFFFFE000  }
0x22: {  	[spmem:s8] =	stream.linear.scatter [tilespmem:s20], [sflag:$0x2], $0x2000, $0x38;
	[tilespmem:$0x1C700] =	vst v63  }
0x23: {  	_ =	swait.ge [sflag:s18], $0x2000  }
0x24: {  	[sflag:s18] =	ssyncset.done $0x0  }
0x25: {  	[sflag:s18] =	ssyncadd.s32 $0xFFFFE000  }
0x26: {  	[spmem:s9] =	stream.linear.scatter [tilespmem:s20], [sflag:$0x2], $0x2000, $0x38;
	[tilespmem:$0x1C700] =	vst v63  }
0x27: {  	_ =	swait.ge [sflag:s18], $0x2000  }
0x28: {  	[sflag:s18] =	ssyncset.done $0x0  }
0x29: {  	[sflag:s18] =	ssyncadd.s32 $0xFFFFE000  }
0x2a: {  	[spmem:s10] =	stream.linear.scatter [tilespmem:s20], [sflag:$0x2], $0x2000, $0x38;
	[tilespmem:$0x1C700] =	vst v63  }
0x2b: {  	_ =	swait.ge [sflag:s18], $0x2000  }
0x2c: {  	[sflag:s18] =	ssyncset.done $0x0  }
0x2d: {  	[sflag:s18] =	ssyncadd.s32 $0xFFFFE000  }
0x2e: {  	[spmem:s11] =	stream.linear.scatter [tilespmem:s20], [sflag:$0x2], $0x2000, $0x38;
	[tilespmem:$0x1C700] =	vst v63  }
0x2f: {  	_ =	swait.ge [sflag:s18], $0x2000  }
0x30: {  	[sflag:s18] =	ssyncset.done $0x0  }
0x31: {  	[sflag:s18] =	ssyncadd.s32 $0xFFFFE000  }
0x32: {  	[spmem:s12] =	stream.linear.scatter [tilespmem:s20], [sflag:$0x2], $0x2000, $0x38;
	[tilespmem:$0x1C700] =	vst v63  }
0x33: {  	_ =	swait.ge [sflag:s18], $0x2000  }
0x34: {  	[sflag:s18] =	ssyncset.done $0x0  }
0x35: {  	[sflag:s18] =	ssyncadd.s32 $0xFFFFE000  }
0x36: {  	[spmem:s13] =	stream.linear.scatter [tilespmem:s20], [sflag:$0x2], $0x2000, $0x38;
	[tilespmem:$0x1C700] =	vst v63  }
0x37: {  	_ =	swait.ge [sflag:s18], $0x2000  }
0x38: {  	[sflag:s18] =	ssyncset.done $0x0  }
0x39: {  	[sflag:s18] =	ssyncadd.s32 $0xFFFFE000  }
0x3a: {  	[spmem:s14] =	stream.linear.scatter [tilespmem:s20], [sflag:$0x2], $0x2000, $0x38;
	[tilespmem:$0x1C700] =	vst v63  }
0x3b: {  	_ =	swait.ge [sflag:s18], $0x2000  }
0x3c: {  	[sflag:s18] =	ssyncset.done $0x0  }
0x3d: {  	s25 =	simm.s32 $0x0;
	[sflag:s18] =	ssyncadd.s32 $0xFFFFE000  }
0x3e: {  	v4 =	vld [tilespmem:s25+$0x0];
	_ =	sdelay $0x2  }
0x3f: {  	v5 =	vld [tilespmem:s25+$0x2900]  }
0x40: {  	s24 =	simm.s32 $0x0  }
0x41: {  	s26 =	sadd.s32 $0x0, s3;
	s28 =	sand.u32 $0xFE00, s24;
	v4 =	vsub.s32 v4, v0  }
0x42: {  	v6 =	vor.u32 s26, v3;
	s31 =	sand.u32 $0x70, s24;
	s28 =	sshrl.u32 s28, $0x2;
	vm0 =	vlt.u32 v4, $0x100000  }
0x43: {  	s30 =	sor.u32 s31, s28;
	v4 =	vsel vm0, v4, v6  }
0x44: {  	s29 =	simm.s32 $0x10;
	s26 =	simm.s32 $0x40;
	s28 =	simm.s32 $0x80;
	[tilespmem:s30+$0x5200] =	vst v4;
	v4 =	vnsel vm0, $0x0, v5  }
.LBB2_4:
0x45: {  	p0 =	sne.s32 s28, $0xA3C0;
	s24 =	sadd.s32 $0x10, s24  }
0x46: {  	v5 =	vld [tilespmem:s29+$0x0];
	[tilespmem:s25+$0x7E00] =	vst v4;
	s30 =	smov.u32 s28;
	s28 =	sadd.s32 $0x40, s28;
	s25 =	smov.u32 s29  }
0x47: {  	_ =	sdelay $0x1  }
0x48: {  	v4 =	vld [tilespmem:s25+$0x2900]  }
.Ltmp1:
0x49: {  	(pc) =	sbr.rel @p0 .LBB2_4-.Ltmp1, $4  }
0x4a: {  	s31 =	sand.u32 $0xFE00, s26;
	s29 =	sadd.s32 s24, s3;
	s26 =	smov.u32 s30;
	v5 =	vsub.s32 v5, v0  }
0x4b: {  	s30 =	sshrl.u32 s31, $0x2;
	v6 =	vor.u32 s29, v3;
	s29 =	sand.u32 $0x70, s24;
	vm0 =	vlt.u32 v5, $0x100000  }
0x4c: {  	s30 =	sor.u32 s29, s30;
	v5 =	vsel vm0, v5, v6  }
0x4d: {  	s29 =	sshra.s32 s26, $0x2;
	[tilespmem:s30+$0x5200] =	vst v5;
	v4 =	vnsel vm0, $0x0, v4  }
0x4e: {  	v5 =	vld [tilespmem:s29+$0x0];
	_ =	sdelay $0x1  }
0x4f: {  	[tilespmem:s25+$0x7E00] =	vst v4  }
0x50: {  	v4 =	vld [tilespmem:s29+$0x2900]  }
0x51: {  	s24 =	sadd.s32 $0x10, s24  }
0x52: {  	s26 =	sand.u32 $0xFE00, s26;
	s30 =	sadd.s32 s24, s3;
	v5 =	vsub.s32 v5, v0  }
0x53: {  	s24 =	sand.u32 $0x70, s24;
	s31 =	sshrl.u32 s26, $0x2;
	v6 =	vor.u32 s30, v3;
	vm0 =	vlt.u32 v5, $0x100000  }
0x54: {  	s24 =	sor.u32 s24, s31;
	v5 =	vsel vm0, v5, v6  }
0x55: {  	v4 =	vnsel vm0, $0x0, v4;
	[tilespmem:s24+$0x5200] =	vst v5  }
0x56: {  	s25 =	simm.s32 $0x7E00;
	[tilespmem:s29+$0x7E00] =	vst v4  }
0x57: {  	s26 =	simm.s32 $0x5200;
	s24 =	simm.s32 $0x200;
	[bflag:$0x0] =	sbarrier.arrive $0xFFFF  }
.LBB2_6:
0x58: {  	[spmem:s2] =	stream.indirect.scatter.add.f32 [tilespmem:s25], [sflag:$0x1], $0x1, s26, s21, $0xb8;
	[tilespmem:$0x1C700] =	vst v63  }
0x59: {  	s25 =	smov.u32 s24;
	p0 =	sne.s32 s24, $0xA200  }
.Ltmp2:
0x5a: {  	s24 =	sadd.s32 $0x200, s24;
	(pc) =	sbr.rel @p0 .LBB2_6-.Ltmp2, $3  }
0x5b: {  	_ =	sdelay $0x1  }
0x5c: {  	s26 =	sshra.s32 s25, $0x2  }
0x5d: {  	s25 =	sadd.s32 $0x7E00, s26;
	s26 =	sadd.s32 $0x5200, s26  }
0x5e: {  	[spmem:s2] =	stream.indirect.scatter.add.f32 [tilespmem:s25], [sflag:$0x1], $0x1, s26, s21, $0xb8;
	[tilespmem:$0x1C700] =	vst v63  }
0x5f: {  	_ =	swait.ge [sflag:s22], $0x2900  }
0x60: {  	s0 =	stileid.u32;
	[sflag:s22] =	ssyncset.done $0x0  }
0x61: {  	s24 =	sshll.u32 s0, $0x6;
	[sflag:s22] =	ssyncadd.s32 $0xFFFFD700  }
0x62: {  	s25 =	sshrl.u32 s7, $0x3;
	s24 =	sor.u32 $0x1C02, s24;
	[bflag:$0x0] =	sbarrier.arrive $0xFFFF  }
0x63: {  	[hbm:s15], [sflag:s24] =	dma.local [spmem:s25], $0x2000  }
0x64: {  	_ =	swait.ge [sflag:s18], $0x2000  }
0x65: {  	[sflag:s18] =	ssyncset.done $0x0  }
0x66: {  	[sflag:s18] =	ssyncadd.s32 $0xFFFFE000  }
0x67: {  	[spmem:s7] =	stream.linear.scatter [tilespmem:s20], [sflag:$0x2], $0x2000, $0x38;
	[tilespmem:$0x1C700] =	vst v63  }
0x68: {  	_ =	swait.ge [sflag:s18], $0x2000  }
0x69: {  	[sflag:s18] =	ssyncset.done $0x0  }
0x6a: {  	[sflag:s18] =	ssyncadd.s32 $0xFFFFE000  }
0x6b: {  	[spmem:s8] =	stream.linear.scatter [tilespmem:s20], [sflag:$0x2], $0x2000, $0x38;
	[tilespmem:$0x1C700] =	vst v63  }
0x6c: {  	_ =	swait.ge [sflag:s18], $0x2000  }
0x6d: {  	[sflag:s18] =	ssyncset.done $0x0  }
0x6e: {  	[sflag:s18] =	ssyncadd.s32 $0xFFFFE000  }
0x6f: {  	[spmem:s9] =	stream.linear.scatter [tilespmem:s20], [sflag:$0x2], $0x2000, $0x38;
	[tilespmem:$0x1C700] =	vst v63  }
0x70: {  	_ =	swait.ge [sflag:s18], $0x2000  }
0x71: {  	[sflag:s18] =	ssyncset.done $0x0  }
0x72: {  	[sflag:s18] =	ssyncadd.s32 $0xFFFFE000  }
0x73: {  	[spmem:s10] =	stream.linear.scatter [tilespmem:s20], [sflag:$0x2], $0x2000, $0x38;
	[tilespmem:$0x1C700] =	vst v63  }
0x74: {  	_ =	swait.ge [sflag:s18], $0x2000  }
0x75: {  	[sflag:s18] =	ssyncset.done $0x0  }
0x76: {  	[sflag:s18] =	ssyncadd.s32 $0xFFFFE000  }
0x77: {  	[spmem:s11] =	stream.linear.scatter [tilespmem:s20], [sflag:$0x2], $0x2000, $0x38;
	[tilespmem:$0x1C700] =	vst v63  }
0x78: {  	_ =	swait.ge [sflag:s18], $0x2000  }
0x79: {  	[sflag:s18] =	ssyncset.done $0x0  }
0x7a: {  	[sflag:s18] =	ssyncadd.s32 $0xFFFFE000  }
0x7b: {  	[spmem:s12] =	stream.linear.scatter [tilespmem:s20], [sflag:$0x2], $0x2000, $0x38;
	[tilespmem:$0x1C700] =	vst v63  }
0x7c: {  	_ =	swait.ge [sflag:s18], $0x2000  }
0x7d: {  	[sflag:s18] =	ssyncset.done $0x0  }
0x7e: {  	[sflag:s18] =	ssyncadd.s32 $0xFFFFE000  }
0x7f: {  	[spmem:s13] =	stream.linear.scatter [tilespmem:s20], [sflag:$0x2], $0x2000, $0x38;
	[tilespmem:$0x1C700] =	vst v63  }
0x80: {  	_ =	swait.ge [sflag:s18], $0x2000  }
0x81: {  	[sflag:s18] =	ssyncset.done $0x0  }
0x82: {  	[sflag:s18] =	ssyncadd.s32 $0xFFFFE000  }
0x83: {  	[spmem:s14] =	stream.linear.scatter [tilespmem:s20], [sflag:$0x2], $0x2000, $0x38;
	[tilespmem:$0x1C700] =	vst v63  }
0x84: {  	_ =	swait.ge [sflag:s18], $0x2000  }
0x85: {  	[sflag:s18] =	ssyncset.done $0x0  }
0x86: {  	s28 =	simm.s32 $0x0;
	[sflag:s18] =	ssyncadd.s32 $0xFFFFE000  }
0x87: {  	v4 =	vld [tilespmem:s28+$0x0];
	_ =	sdelay $0x2  }
0x88: {  	v5 =	vld [tilespmem:s28+$0x2900]  }
0x89: {  	s26 =	simm.s32 $0x0  }
0x8a: {  	s29 =	sadd.s32 $0x0, s3;
	s30 =	sand.u32 $0xFE00, s26;
	v4 =	vsub.s32 v4, v1  }
0x8b: {  	v6 =	vor.u32 s29, v3;
	s29 =	sand.u32 $0x70, s26;
	s30 =	sshrl.u32 s30, $0x2;
	vm0 =	vlt.u32 v4, $0x100000  }
0x8c: {  	s1 =	sor.u32 s29, s30;
	v4 =	vsel vm0, v4, v6  }
0x8d: {  	s31 =	simm.s32 $0x10;
	s29 =	simm.s32 $0x40;
	s30 =	simm.s32 $0x80;
	[tilespmem:s1+$0x5200] =	vst v4;
	v4 =	vnsel vm0, $0x0, v5  }
.LBB2_8:
0x8e: {  	p0 =	sne.s32 s30, $0xA3C0;
	s26 =	sadd.s32 $0x10, s26  }
0x8f: {  	v5 =	vld [tilespmem:s31+$0x0];
	[tilespmem:s28+$0x7E00] =	vst v4;
	s1 =	smov.u32 s30;
	s30 =	sadd.s32 $0x40, s30;
	s28 =	smov.u32 s31  }
0x90: {  	_ =	sdelay $0x1  }
0x91: {  	v4 =	vld [tilespmem:s28+$0x2900]  }
.Ltmp3:
0x92: {  	(pc) =	sbr.rel @p0 .LBB2_8-.Ltmp3, $4  }
0x93: {  	s0 =	sand.u32 $0xFE00, s29;
	s31 =	sadd.s32 s26, s3;
	s29 =	smov.u32 s1;
	v5 =	vsub.s32 v5, v1  }
0x94: {  	s1 =	sand.u32 $0x70, s26;
	s0 =	sshrl.u32 s0, $0x2;
	v6 =	vor.u32 s31, v3;
	vm0 =	vlt.u32 v5, $0x100000  }
0x95: {  	s0 =	sor.u32 s1, s0;
	v5 =	vsel vm0, v5, v6  }
0x96: {  	s31 =	sshra.s32 s29, $0x2;
	[tilespmem:s0+$0x5200] =	vst v5;
	v4 =	vnsel vm0, $0x0, v4  }
0x97: {  	v5 =	vld [tilespmem:s31+$0x0];
	_ =	sdelay $0x1  }
0x98: {  	[tilespmem:s28+$0x7E00] =	vst v4  }
0x99: {  	v4 =	vld [tilespmem:s31+$0x2900]  }
0x9a: {  	s0 =	sadd.s32 $0x10, s26  }
0x9b: {  	s30 =	sand.u32 $0xFE00, s29;
	s1 =	sadd.s32 s0, s3;
	v5 =	vsub.s32 v5, v1  }
0x9c: {  	s0 =	sand.u32 $0x70, s0;
	s30 =	sshrl.u32 s30, $0x2;
	v6 =	vor.u32 s1, v3;
	vm0 =	vlt.u32 v5, $0x100000  }
0x9d: {  	s0 =	sor.u32 s0, s30;
	v5 =	vsel vm0, v5, v6  }
0x9e: {  	v4 =	vnsel vm0, $0x0, v4;
	[tilespmem:s0+$0x5200] =	vst v5  }
0x9f: {  	s26 =	simm.s32 $0x200;
	[tilespmem:s31+$0x7E00] =	vst v4  }
0xa0: {  	s28 =	simm.s32 $0x7E00;
	s29 =	simm.s32 $0x5200;
	[bflag:$0x0] =	sbarrier.arrive $0xFFFF  }
.LBB2_10:
0xa1: {  	[spmem:s2] =	stream.indirect.scatter.add.f32 [tilespmem:s28], [sflag:$0x1], $0x1, s29, s21, $0xb8;
	[tilespmem:$0x1C700] =	vst v63  }
0xa2: {  	s0 =	smov.u32 s26;
	p0 =	sne.s32 s26, $0xA200  }
.Ltmp4:
0xa3: {  	s26 =	sadd.s32 $0x200, s26;
	(pc) =	sbr.rel @p0 .LBB2_10-.Ltmp4, $3  }
0xa4: {  	_ =	sdelay $0x1  }
0xa5: {  	s0 =	sshra.s32 s0, $0x2  }
0xa6: {  	s28 =	sadd.s32 $0x7E00, s0;
	s29 =	sadd.s32 $0x5200, s0  }
0xa7: {  	[spmem:s2] =	stream.indirect.scatter.add.f32 [tilespmem:s28], [sflag:$0x1], $0x1, s29, s21, $0xb8;
	[tilespmem:$0x1C700] =	vst v63  }
0xa8: {  	_ =	swait.ge [sflag:s22], $0x2900  }
0xa9: {  	s23 =	sadd.s32 $0x1, s23;
	[sflag:s22] =	ssyncset.done $0x0  }
0xaa: {  	p0 =	sne.s32 s23, s17;
	[sflag:s22] =	ssyncadd.s32 $0xFFFFD700  }
.Ltmp5:
0xab: {  	[bflag:$0x0] =	sbarrier.arrive $0xFFFF;
	(pc) =	sbr.rel @p0 .LBB2_1-.Ltmp5, $4  }
0xac: {  	[hbm:s16], [sflag:s24] =	dma.local [spmem:s25], $0x2000  }
0xad: {  	_ =	swait.ge [sflag:s18], $0x2000  }
0xae: {  	[sflag:s18] =	ssyncset.done $0x0  }
0xaf: {  	[sflag:s18] =	ssyncadd.s32 $0xFFFFE000  }
0xb0: {  	_ =	sfence.sel $0x180000  }
0xb1: {  	[bflag:$0x0] =	sbarrier.arrive $0xFFFF  }
0xb2: {  	_ =	strace $0x90000047  }
0xb3: {  	s0 =	stileid.u32;
	[bflag:$0x2] =	sbarrier.arrive $0xFFFF  }
0xb4: {  	p0 =	sne.s32 s0, $0x0;
	s0 =	rddreg [dreg:$0x3]  }
0xb5: {  	s0 =	sadd.s32 @!p0 $0x100000, s0  }
0xb6: {  	[sflag:s0] =	ssyncadd.tile.s32 @!p0 $0x1;
	_ =	shalt  }
.Lfunc_end2:
_tile_overlayer_lowered:
.L_overlay_start_2:
0xb7: {  	(tag) =	ssettag $0x2  }
0xb8: {  	s0 =	rddreg [dreg:$0x0];
	s2 =	stileid.u32  }
0xb9: {  	s1 =	rddreg [dreg:$0x1];
	p0 =	sne.s32 s2, $0x0  }
0xba: {  	s3 =	rddreg [dreg:$0x2];
	[bflag:$0x3] =	sbarrier.arrive $0xFFFF;
	s2 =	simm.s32 @!p0 $0x1C02  }
0xbb: {  	[timem:s3], [sflag:s2] =	dma.local @!p0 [hbm:s0], s1  }
0xbc: {  	s0 =	simm.s32 @!p0 $0x2  }
0xbd: {  	_ =	swait.ge @!p0 [sflag:s0], s1  }
0xbe: {  	s1 =	ssub.s32 @!p0 $0x0, s1;
	[sflag:s0] =	ssyncset.done @!p0 $0x0  }
0xbf: {  	[sflag:s0] =	ssyncadd.s32 @!p0 s1  }
0xc0: {  	[bflag:$0x3] =	sbarrier.arrive $0xFFFF  }
0xc1: {  	_ =	shalt  }

// kernel: kernel.14.cloned.1.call-start
scs
__scs_entry_jumppad:
0x0: {  	(pc) =	sbr.rel $0x88, $3  }
0x1: {  	(tag) =	ssettag $0x0;
	lr =	simm.s32 $0x1  }
0x2: {  	[smem:$0x3F9E] =	sst lr;
	_ =	strace $0xD0000000  }
0x3: {  	_ = 	snop  }
0x4: {  	_ = 	snop  }
0x5: {  	_ = 	snop  }
0x6: {  	_ = 	snop  }
0x7: {  	_ = 	snop  }
__scs_overlays_trampoline_lowered:
0x8: {  	[smem:$0x3FAD] =	sst s0  }
0x9: {  	[smem:$0x3FAE] =	sst s1  }
0xa: {  	[smem:$0x3FAF] =	sst s2  }
0xb: {  	[smem:$0x3FB0] =	sst s3  }
0xc: {  	[smem:$0x3FB1] =	sst s4  }
0xd: {  	[smem:$0x3FB2] =	sst s5  }
0xe: {  	[smem:$0x3FB3] =	sst s6  }
0xf: {  	[smem:$0x3FB4] =	sst s7  }
0x10: {  	[smem:$0x3FB5] =	sst s8  }
0x11: {  	[smem:$0x3FB6] =	sst s9;
	s0 =	simm.s32 @!p0 $0x0  }
0x12: {  	s1 =	sld [smem:$0x3F9C];
	s0 =	simm.s32 @p0 $0x1  }
0x13: {  	[smem:$0x3FB7] =	sst s0;
	s0 =	simm.s32 @!p1 $0x0  }
0x14: {  	s2 =	sld [smem:$0x3F9B];
	s0 =	simm.s32 @p1 $0x1  }
0x15: {  	[smem:$0x3FB8] =	sst s0;
	s0 =	simm.s32 @!p2 $0x0  }
0x16: {  	s3 =	sld [smem:$0x3FDB];
	s0 =	simm.s32 @p2 $0x1  }
0x17: {  	s4 =	simm.s32 $0x1BF5;
	[smem:$0x3FBA] =	sst s0  }
0x18: {  	s0 =	sld [smem:$0x3F9D];
	_ =	swait.ge [sflag:s4], $0x0  }
0x19: {  	s7 =	sld [smem:$0x3F9E]  }
0x1a: {  	s8 =	sadd.s32 $0xFFFFE003, lr  }
0x1b: {  	s9 =	sadd.s32 $0xFFFFFEF7, lr;
	s5 =	simm.s32 $0xFFFFFFFF;
	p2 =	slt.u32 s8, $0xFFFFF086  }
0x1c: {  	p1 =	slt.u32 s9, $0xF7A;
	s5 =	simm.s32 @!p2 $0x0  }
0x1d: {  	s5 =	simm.s32 @p1 $0x1;
	p0 =	seq.s32 s7, s2  }
0x1e: {  	s7 =	smul.u32 @!p0 $0xF7A, s2;
	p2 =	seq.s32 @!p0 s5, $0x0  }
0x1f: {  	s9 =	smul.u32 $0xF7A, s1;
	s8 =	simm.s32 @!p0 $0x1BF5;
	p2 =	por !p2, p0  }
0x20: {  	[sflag:s8] =	ssyncset.s32 @!p0 $0xFFFFF086;
	s6 =	sadd.s32 @!p0 s3, s7;
	s7 =	simm.s32 @!p0 $0x108  }
0x21: {  	s3 =	sadd.s32 s3, s9;
	s6 =	sadd.s32 @!p0 $0x88, s6;
	s7 =	simm.s32 @p2 $0x1082  }
0x22: {  	[simem:s7], [sflag:s8] =	dma.local @!p0 [hbm:s6], $0xF7A  }
0x23: {  	s9 =	sor.u32 $0xD0000000, s2;
	s6 =	simm.s32 $0x108;
	_ =	swait.ge @!p0 [sflag:s8], $0x0  }
0x24: {  	s3 =	sadd.s32 $0x88, s3;
	s6 =	simm.s32 @!p1 $0x1082;
	[sflag:s4] =	ssyncset.s32 $0xFFFFF086  }
0x25: {  	[simem:s6], [sflag:s4] =	dma.local [hbm:s3], $0xF7A  }
0x26: {  	[smem:$0x3F9E] =	sst s1;
	(tag) =	ssettag s2;
	_ =	strace s9  }
0x27: {  	s1 =	sld [smem:$0x3FAE]  }
0x28: {  	s2 =	sld [smem:$0x3FAF]  }
0x29: {  	s4 =	sld [smem:$0x3FB1]  }
0x2a: {  	p0 =	seq.s32 s5, $0x0;
	s5 =	sld [smem:$0x3FB2]  }
0x2b: {  	s6 =	sld [smem:$0x3FB3]  }
0x2c: {  	s7 =	sld [smem:$0x3FB4]  }
0x2d: {  	s3 =	simm.s32 $0x108;
	s8 =	sld [smem:$0x3FB5]  }
0x2e: {  	s3 =	simm.s32 @!p0 $0x1082;
	s9 =	sld [smem:$0x3FB6]  }
0x2f: {  	lr =	sadd.s32 s0, s3;
	s0 =	sld [smem:$0x3FAD]  }
0x30: {  	s3 =	sld [smem:$0x3FB0]  }
0x31: {  	[smem:$0x3FB9] =	sst s10  }
0x32: {  	s10 =	sld [smem:$0x3FB7];
	_ =	sdelay $0x3  }
0x33: {  	p0 =	seq.s32 s10, $0x1;
	s10 =	sld [smem:$0x3FB9];
	_ =	sdelay $0x3  }
0x34: {  	[smem:$0x3FB9] =	sst s10  }
0x35: {  	s10 =	sld [smem:$0x3FB8];
	_ =	sdelay $0x3  }
0x36: {  	p1 =	seq.s32 s10, $0x1;
	s10 =	sld [smem:$0x3FB9];
	_ =	sdelay $0x3  }
0x37: {  	[smem:$0x3FB9] =	sst s10  }
0x38: {  	s10 =	sld [smem:$0x3FBA]  }
0x39: {  	_ = 	snop;
	(pc) =	sbr.ind lr, $3  }
0x3a: {  	_ = 	snop  }
0x3b: {  	_ = 	snop  }
0x3c: {  	p2 =	seq.s32 s10, $0x1;
	s10 =	sld [smem:$0x3FB9]  }
0x3d: {  	_ =	shalt  }
0x3e: {  	_ =	shalt  }
0x3f: {  	_ =	shalt  }
0x40: {  	_ =	shalt  }
0x41: {  	_ =	shalt  }
0x42: {  	_ =	shalt  }
0x43: {  	_ =	shalt  }
0x44: {  	_ =	shalt  }
0x45: {  	_ =	shalt  }
0x46: {  	_ =	shalt  }
0x47: {  	_ =	shalt  }
0x48: {  	_ =	shalt  }
0x49: {  	_ =	shalt  }
0x4a: {  	_ =	shalt  }
0x4b: {  	_ =	shalt  }
0x4c: {  	_ =	shalt  }
0x4d: {  	_ =	shalt  }
0x4e: {  	_ =	shalt  }
0x4f: {  	_ =	shalt  }
0x50: {  	_ =	shalt  }
0x51: {  	_ =	shalt  }
0x52: {  	_ =	shalt  }
0x53: {  	_ =	shalt  }
0x54: {  	_ =	shalt  }
0x55: {  	_ =	shalt  }
0x56: {  	_ =	shalt  }
0x57: {  	_ =	shalt  }
0x58: {  	_ =	shalt  }
0x59: {  	_ =	shalt  }
0x5a: {  	_ =	shalt  }
0x5b: {  	_ =	shalt  }
0x5c: {  	_ =	shalt  }
0x5d: {  	_ =	shalt  }
0x5e: {  	_ =	shalt  }
0x5f: {  	_ =	shalt  }
0x60: {  	_ =	shalt  }
0x61: {  	_ =	shalt  }
0x62: {  	_ =	shalt  }
0x63: {  	_ =	shalt  }
0x64: {  	_ =	shalt  }
0x65: {  	_ =	shalt  }
0x66: {  	_ =	shalt  }
0x67: {  	_ =	shalt  }
0x68: {  	_ =	shalt  }
0x69: {  	_ =	shalt  }
0x6a: {  	_ =	shalt  }
0x6b: {  	_ =	shalt  }
0x6c: {  	_ =	shalt  }
0x6d: {  	_ =	shalt  }
0x6e: {  	_ =	shalt  }
0x6f: {  	_ =	shalt  }
0x70: {  	_ =	shalt  }
0x71: {  	_ =	shalt  }
0x72: {  	_ =	shalt  }
0x73: {  	_ =	shalt  }
0x74: {  	_ =	shalt  }
0x75: {  	_ =	shalt  }
0x76: {  	_ =	shalt  }
0x77: {  	_ =	shalt  }
0x78: {  	_ =	shalt  }
0x79: {  	_ =	shalt  }
0x7a: {  	_ =	shalt  }
0x7b: {  	_ =	shalt  }
0x7c: {  	_ =	shalt  }
0x7d: {  	_ =	shalt  }
0x7e: {  	_ =	shalt  }
0x7f: {  	_ =	shalt  }
0x80: {  	_ =	shalt  }
0x81: {  	_ =	shalt  }
0x82: {  	_ =	shalt  }
0x83: {  	_ =	shalt  }
0x84: {  	_ =	shalt  }
0x85: {  	_ =	shalt  }
0x86: {  	_ =	shalt  }
0x87: {  	_ =	shalt  }
.Lfunc_end0:
.L_simem_size_0:
called_computation.1_lowered:
.L_overlay_start_0:
0x88: {  	s2 =	sld [smem:$0x3FD9]  }
0x89: {  	s3 =	sld [smem:$0x3FFE];
	_ =	sdelay $0x1  }
0x8a: {  	s1 =	srdreg.scid  }
0x8b: {  	s0 =	sand.u32 $0x1, s1  }
0x8c: {  	s17 =	sshll.u32 s0, $0xA;
	s2 =	sadd.s32 s3, s2  }
0x8d: {  	s2 =	sadd.s32 s2, s17  }
0x8e: {  	[smem:$0x3FC5] =	sst s2  }
0x8f: {  	_ = 	snop  }
0x90: {  	(tm) =	ssettm $0x1  }
0x91: {  	s18 =	sld [smem:$0x3FFB];
	_ =	sdelay $0x3  }
0x92: {  	_ =	strace s18  }
0x93: {  	s2 =	sld [smem:$0x3FFC];
	_ =	sdelay $0x3  }
0x94: {  	_ =	strace s2  }
0x95: {  	s2 =	sld [smem:$0x3FFD];
	_ =	sdelay $0x3  }
0x96: {  	_ =	strace s2  }
0x97: {  	_ =	strace $0x8FFFFFFF  }
0x98: {  	s19 =	sld [smem:$0x3FDB];
	_ =	sdelay $0x1  }
0x99: {  	s20 =	simm.s32 $_scs_section_size  }
0x9a: {  	s4 =	simm.s32 $_size__tile_overlayer_lowered;
	s5 =	simm.s32 $_tile_overlayer_lowered  }
0x9b: {  	s6 =	simm.s32 $0x1BFF;
	s21 =	sshll.u32 s5, $0x1;
	s3 =	sadd.s32 s20, s19  }
0x9c: {  	s22 =	simm.s32 $0x0;
	s4 =	sshll.u32 s4, $0x1;
	s5 =	sadd.s32 s21, s3  }
0x9d: {  	[timem:s22], [sflag:s6] =	dma.local [hbm:s5], s4  }
0x9e: {  	_ =	swait.ge [sflag:s6], s4  }
0x9f: {  	s4 =	ssub.s32 $0x0, s4;
	[sflag:s6] =	ssyncset.done $0x0  }
0xa0: {  	[sflag:s6] =	ssyncadd.s32 s4;
	_ =	sdelay $0x1  }
0xa1: {  	s23 =	simm.s32 $0x1B8B  }
0xa2: {  	_ =	swait.ge [sflag:s23], $0x1  }
0xa3: {  	[sflag:s23] =	ssyncset.done $0x0  }
0xa4: {  	[sflag:s23] =	ssyncadd.s32 $0xFFFFFFFF  }
0xa5: {  	s4 =	sld [smem:$0x0]  }
0xa6: {  	s5 =	sand.u32 $0xFFFFFFFE, s1  }
0xa7: {  	p0 =	sne.s32 s1, s5  }
0xa8: {  	s5 =	sshll.u32 @p0 s5, $0xE  }
0xa9: {  	s5 =	sadd.s32 @p0 $0x11B8D, s5;
	s6 =	sshll.u32 @p0 s4, $0x11  }
0xaa: {  	s5 =	sor.u32 @p0 s6, s5  }
0xab: {  	[sflag:s5] =	ssyncadd.remote.s32 @p0 $0x1;
	_ =	sdelay $0x1  }
0xac: {  	s5 =	simm.s32 @p0 $0x1B8D  }
0xad: {  	_ =	swait.eq @p0 [sflag:s5], $0x1  }
0xae: {  	[sflag:s5] =	ssyncadd.s32 @p0 $0xFFFFFFFF  }
0xaf: {  	s6 =	sshll.u32 @!p0 s1, $0xE  }
0xb0: {  	s6 =	sor.u32 @!p0 $0x4000, s6;
	s5 =	simm.s32 @!p0 $0x1B8D  }
0xb1: {  	s4 =	sshll.u32 @!p0 s4, $0x11;
	s6 =	sadd.s32 @!p0 $0x11B8D, s6;
	_ =	swait.eq @!p0 [sflag:s5], $0x1  }
0xb2: {  	s4 =	sor.u32 @!p0 s4, s6;
	[sflag:s5] =	ssyncadd.s32 @!p0 $0xFFFFFFFF  }
0xb3: {  	s25 =	simm.s32 $0x1B8E;
	s24 =	sld [smem:$0x3FFE];
	[sflag:s4] =	ssyncadd.remote.s32 @!p0 $0x1  }
0xb4: {  	s26 =	simm.s32 $execute0_lowered;
	[smem:$0x3FD2] =	sst s25  }
0xb5: {  	s5 =	sshll.u32 s26, $0x1;
	_ =	strace $0x80000049;
	[dreg:$0x1] =	wrdreg $0xFFFFFFFF  }
0xb6: {  	s28 =	simm.s32 $_size_execute0_lowered;
	s3 =	sadd.s32 s3, s5;
	[dreg:$0x0] =	wrdreg $0x0  }
0xb7: {  	s5 =	sshll.u32 s28, $0x1;
	[dreg:$0x2] =	wrdreg s3  }
0xb8: {  	[dreg:$0x3] =	wrdreg s5  }
0xb9: {  	[dreg:$0x4] =	wrdreg $0xC0  }
0xba: {  	_ =	task [dreg:s22], $0x5FFFF  }
0xbb: {  	[dreg:$0x1] =	wrdreg $0xFFFFFFFF  }
0xbc: {  	[dreg:$0x0] =	wrdreg $0x60  }
0xbd: {  	[dreg:$0x2] =	wrdreg s24  }
0xbe: {  	[dreg:$0x3] =	wrdreg $0xC7000  }
0xbf: {  	[dreg:$0x4] =	wrdreg $0xA  }
0xc0: {  	_ =	task.clear_ibuf [dreg:s22], $0x5FFFF;
	_ =	strace $0x90000049  }
0xc1: {  	s29 =	simm.s32 $0xA;
	_ =	strace $0x8000004B  }
0xc2: {  	_ =	swait.ge [sflag:s29], $0x1  }
0xc3: {  	[sflag:s29] =	ssyncadd.s32 $0xFFFFFFFF  }
0xc4: {  	_ =	strace $0x9000004B  }
0xc5: {  	_ =	sfence  }
0xc6: {  	s30 =	sld [smem:$0x0];
	_ =	sdelay $0x2  }
0xc7: {  	s31 =	sshll.u32 s1, $0xD;
	s1 =	sshrl.u32 s1, $0x2  }
0xc8: {  	s4 =	sand.u32 $0x4000, s31;
	s1 =	sadd.s32 s1, s30  }
0xc9: {  	s0 =	sor.u32 s4, s0;
	s1 =	sshll.u32 s1, $0x11  }
0xca: {  	s0 =	sor.u32 s1, s0  }
0xcb: {  	s0 =	sadd.s32 $0x8F2B, s0  }
0xcc: {  	[sflag:s0] =	ssyncadd.remote.s32 $0x1  }
0xcd: {  	_ =	sfence.sel $0xFFFF  }
0xce: {  	[dreg:$0x0] =	wrdreg $0xFFFFFFFF;
	(pc) =	sbr.abs _section_cstart, $3  }
0xcf: {  	[dreg:$0x1] =	wrdreg $0xFFFFFFFF  }
0xd0: {  	_ =	task.clear_ibuf [dreg:s22], $0x2FFFF;
	_ =	strace $0x9FFFFFFF  }
0xd1: {  	(tm) =	ssettm $0x7FFFFFFF  }
tec
execute0_lowered:
.L_overlay_start_1:
0x0: {  	(tag) =	ssettag $0x1  }
0x1: {  	s5 =	rddreg [dreg:$0x0]  }
0x2: {  	s1 =	rddreg [dreg:$0x1];
	s3 =	simm.s32 $0x0;
	s4 =	srdreg.scid  }
0x3: {  	s0 =	stileid.u32;
	s20 =	simm.s32 $0xA700;
	s22 =	simm.s32 $0x1  }
0x4: {  	s23 =	simm.s32 $0x0;
	[smem:$0x7FF] =	sst s3;
	s6 =	sand.u32 $0x1, s4  }
0x5: {  	s4 =	smul.u32 $0x2900, s0;
	s7 =	sshll.u32 s0, $0x10;
	s16 =	sshll.u32 s6, $0x14  }
0x6: {  	_ =	strace $0x8000004A;
	s6 =	ssub.s32 $0x2, s6;
	s8 =	sor.u32 s7, s16  }
0x7: {  	s9 =	sshrl.u32 s4, $0x3;
	s10 =	sshrl.u32 s6, $0x1;
	s7 =	sadd.s32 s7, s1  }
0x8: {  	s19 =	sor.u32 $0x400000, s16;
	s21 =	sor.u32 $0x600000, s16;
	s8 =	sshrl.u32 s8, $0x3  }
0x9: {  	s9 =	sadd.s32 s9, s5;
	s18 =	ssub.s32 s6, s10;
	s10 =	sadd.s32 $0x6000, s7  }
0xa: {  	s11 =	sadd.s32 $0x8000, s7;
	s12 =	sadd.s32 $0xA000, s7;
	s13 =	sadd.s32 $0xC000, s7  }
0xb: {  	s14 =	sadd.s32 $0xE000, s7;
	v0 =	vmov s19;
	s19 =	simm.s32 $0x2900;
	v1 =	vmov s21;
	s21 =	simm.s32 $0x80  }
0xc: {  	s17 =	sadd.s32 s8, s5;
	s5 =	sadd.s32 $0x5E00, s9;
	s6 =	sadd.s32 $0xC00, s9  }
0xd: {  	s8 =	sadd.s32 $0x2000, s7;
	s9 =	sadd.s32 $0x4000, s7;
	s15 =	sadd.s32 $0xB000, s17  }
0xe: {  	v2 =	vimm.f32 $0.0e+00;
	v3 =	vlaneseq.u32;
	s16 =	sadd.s32 $0x4B000, s17;
	s17 =	smax.u32 s18, $0x1;
	s18 =	simm.s32 $0x2  }
.LBB2_1:
0xf: {  	[tilespmem:s3], [sflag:$0x2] =	stream.linear.gather [hbm4b:s5+s3], $0x2900, $0x38;
	[tilespmem:$0x1C700] =	vst v63  }
0x10: {  	_ =	swait.ge [sflag:s18], $0x2900  }
0x11: {  	[sflag:s18] =	ssyncset.done $0x0  }
0x12: {  	[sflag:s18] =	ssyncadd.s32 $0xFFFFD700  }
0x13: {  	[tilespmem:s19], [sflag:$0x2] =	stream.linear.gather [hbm4b:s6+s3], $0x2900, $0x38;
	[tilespmem:$0x1C700] =	vst v63  }
0x14: {  	_ =	swait.ge [sflag:s18], $0x2900  }
0x15: {  	[sflag:s18] =	ssyncset.done $0x0  }
0x16: {  	s24 =	simm.s32 $0x40;
	s25 =	simm.s32 $0x0;
	[sflag:s18] =	ssyncadd.s32 $0xFFFFD700  }
.LBB2_2:
0x17: {  	p0 =	sne.s32 s24, $0x7FC0;
	[tilespmem:s25+$0xA700] =	vst v2;
	s25 =	smov.u32 s24;
	s24 =	sadd.s32 $0x40, s24  }
.Ltmp0:
0x18: {  	(pc) =	sbr.rel @p0 .LBB2_2-.Ltmp0, $2  }
0x19: {  	_ =	sdelay $0x2  }
0x1a: {  	s25 =	sshra.s32 s25, $0x2  }
0x1b: {  	[tilespmem:s25+$0xA700] =	vst v2  }
0x1c: {  	[spmem:s7] =	stream.linear.scatter [tilespmem:s20], [sflag:$0x2], $0x2000, $0x38;
	[tilespmem:$0x1C700] =	vst v63  }
0x1d: {  	_ =	swait.ge [sflag:s18], $0x2000  }
0x1e: {  	[sflag:s18] =	ssyncset.done $0x0  }
0x1f: {  	[sflag:s18] =	ssyncadd.s32 $0xFFFFE000  }
0x20: {  	[spmem:s8] =	stream.linear.scatter [tilespmem:s20], [sflag:$0x2], $0x2000, $0x38;
	[tilespmem:$0x1C700] =	vst v63  }
0x21: {  	_ =	swait.ge [sflag:s18], $0x2000  }
0x22: {  	[sflag:s18] =	ssyncset.done $0x0  }
0x23: {  	[sflag:s18] =	ssyncadd.s32 $0xFFFFE000  }
0x24: {  	[spmem:s9] =	stream.linear.scatter [tilespmem:s20], [sflag:$0x2], $0x2000, $0x38;
	[tilespmem:$0x1C700] =	vst v63  }
0x25: {  	_ =	swait.ge [sflag:s18], $0x2000  }
0x26: {  	[sflag:s18] =	ssyncset.done $0x0  }
0x27: {  	[sflag:s18] =	ssyncadd.s32 $0xFFFFE000  }
0x28: {  	[spmem:s10] =	stream.linear.scatter [tilespmem:s20], [sflag:$0x2], $0x2000, $0x38;
	[tilespmem:$0x1C700] =	vst v63  }
0x29: {  	_ =	swait.ge [sflag:s18], $0x2000  }
0x2a: {  	[sflag:s18] =	ssyncset.done $0x0  }
0x2b: {  	[sflag:s18] =	ssyncadd.s32 $0xFFFFE000  }
0x2c: {  	[spmem:s11] =	stream.linear.scatter [tilespmem:s20], [sflag:$0x2], $0x2000, $0x38;
	[tilespmem:$0x1C700] =	vst v63  }
0x2d: {  	_ =	swait.ge [sflag:s18], $0x2000  }
0x2e: {  	[sflag:s18] =	ssyncset.done $0x0  }
0x2f: {  	[sflag:s18] =	ssyncadd.s32 $0xFFFFE000  }
0x30: {  	[spmem:s12] =	stream.linear.scatter [tilespmem:s20], [sflag:$0x2], $0x2000, $0x38;
	[tilespmem:$0x1C700] =	vst v63  }
0x31: {  	_ =	swait.ge [sflag:s18], $0x2000  }
0x32: {  	[sflag:s18] =	ssyncset.done $0x0  }
0x33: {  	[sflag:s18] =	ssyncadd.s32 $0xFFFFE000  }
0x34: {  	[spmem:s13] =	stream.linear.scatter [tilespmem:s20], [sflag:$0x2], $0x2000, $0x38;
	[tilespmem:$0x1C700] =	vst v63  }
0x35: {  	_ =	swait.ge [sflag:s18], $0x2000  }
0x36: {  	[sflag:s18] =	ssyncset.done $0x0  }
0x37: {  	[sflag:s18] =	ssyncadd.s32 $0xFFFFE000  }
0x38: {  	[spmem:s14] =	stream.linear.scatter [tilespmem:s20], [sflag:$0x2], $0x2000, $0x38;
	[tilespmem:$0x1C700] =	vst v63  }
0x39: {  	_ =	swait.ge [sflag:s18], $0x2000  }
0x3a: {  	[sflag:s18] =	ssyncset.done $0x0  }
0x3b: {  	s25 =	simm.s32 $0x0;
	[sflag:s18] =	ssyncadd.s32 $0xFFFFE000  }
0x3c: {  	v4 =	vld [tilespmem:s25+$0x0];
	_ =	sdelay $0x2  }
0x3d: {  	v5 =	vld [tilespmem:s25+$0x2900]  }
0x3e: {  	s24 =	simm.s32 $0x0  }
0x3f: {  	s26 =	sadd.s32 $0x0, s4;
	s28 =	sand.u32 $0xFE00, s24;
	v4 =	vsub.s32 v4, v0  }
0x40: {  	v6 =	vor.u32 s26, v3;
	s31 =	sand.u32 $0x70, s24;
	s28 =	sshrl.u32 s28, $0x2;
	vm0 =	vlt.u32 v4, $0x100000  }
0x41: {  	s30 =	sor.u32 s31, s28;
	v4 =	vsel vm0, v4, v6  }
0x42: {  	s29 =	simm.s32 $0x10;
	s26 =	simm.s32 $0x40;
	s28 =	simm.s32 $0x80;
	[tilespmem:s30+$0x5200] =	vst v4;
	v4 =	vnsel vm0, $0x0, v5  }
.LBB2_4:
0x43: {  	p0 =	sne.s32 s28, $0xA3C0;
	s24 =	sadd.s32 $0x10, s24  }
0x44: {  	v5 =	vld [tilespmem:s29+$0x0];
	[tilespmem:s25+$0x7E00] =	vst v4;
	s30 =	smov.u32 s28;
	s28 =	sadd.s32 $0x40, s28;
	s25 =	smov.u32 s29  }
0x45: {  	_ =	sdelay $0x1  }
0x46: {  	v4 =	vld [tilespmem:s25+$0x2900]  }
.Ltmp1:
0x47: {  	(pc) =	sbr.rel @p0 .LBB2_4-.Ltmp1, $4  }
0x48: {  	s31 =	sand.u32 $0xFE00, s26;
	s29 =	sadd.s32 s24, s4;
	s26 =	smov.u32 s30;
	v5 =	vsub.s32 v5, v0  }
0x49: {  	s30 =	sshrl.u32 s31, $0x2;
	v6 =	vor.u32 s29, v3;
	s29 =	sand.u32 $0x70, s24;
	vm0 =	vlt.u32 v5, $0x100000  }
0x4a: {  	s30 =	sor.u32 s29, s30;
	v5 =	vsel vm0, v5, v6  }
0x4b: {  	s29 =	sshra.s32 s26, $0x2;
	[tilespmem:s30+$0x5200] =	vst v5;
	v4 =	vnsel vm0, $0x0, v4  }
0x4c: {  	v5 =	vld [tilespmem:s29+$0x0];
	_ =	sdelay $0x1  }
0x4d: {  	[tilespmem:s25+$0x7E00] =	vst v4  }
0x4e: {  	v4 =	vld [tilespmem:s29+$0x2900]  }
0x4f: {  	s24 =	sadd.s32 $0x10, s24  }
0x50: {  	s26 =	sand.u32 $0xFE00, s26;
	s30 =	sadd.s32 s24, s4;
	v5 =	vsub.s32 v5, v0  }
0x51: {  	s24 =	sand.u32 $0x70, s24;
	s31 =	sshrl.u32 s26, $0x2;
	v6 =	vor.u32 s30, v3;
	vm0 =	vlt.u32 v5, $0x100000  }
0x52: {  	s24 =	sor.u32 s24, s31;
	v5 =	vsel vm0, v5, v6  }
0x53: {  	v4 =	vnsel vm0, $0x0, v4;
	[tilespmem:s24+$0x5200] =	vst v5  }
0x54: {  	s25 =	simm.s32 $0x7E00;
	[tilespmem:s29+$0x7E00] =	vst v4  }
0x55: {  	s26 =	simm.s32 $0x5200;
	s24 =	simm.s32 $0x200;
	[bflag:$0x0] =	sbarrier.arrive $0xFFFF  }
.LBB2_6:
0x56: {  	[spmem:s1] =	stream.indirect.scatter.add.f32 [tilespmem:s25], [sflag:$0x1], $0x1, s26, s21, $0xb8;
	[tilespmem:$0x1C700] =	vst v63  }
0x57: {  	s25 =	smov.u32 s24;
	p0 =	sne.s32 s24, $0xA200  }
.Ltmp2:
0x58: {  	s24 =	sadd.s32 $0x200, s24;
	(pc) =	sbr.rel @p0 .LBB2_6-.Ltmp2, $3  }
0x59: {  	_ =	sdelay $0x1  }
0x5a: {  	s26 =	sshra.s32 s25, $0x2  }
0x5b: {  	s25 =	sadd.s32 $0x7E00, s26;
	s26 =	sadd.s32 $0x5200, s26  }
0x5c: {  	[spmem:s1] =	stream.indirect.scatter.add.f32 [tilespmem:s25], [sflag:$0x1], $0x1, s26, s21, $0xb8;
	[tilespmem:$0x1C700] =	vst v63  }
0x5d: {  	_ =	swait.ge [sflag:s22], $0x2900  }
0x5e: {  	s0 =	stileid.u32;
	[sflag:s22] =	ssyncset.done $0x0  }
0x5f: {  	s24 =	sshll.u32 s0, $0x6;
	[sflag:s22] =	ssyncadd.s32 $0xFFFFD700  }
0x60: {  	s25 =	sshrl.u32 s7, $0x3;
	s24 =	sor.u32 $0x1C02, s24;
	[bflag:$0x0] =	sbarrier.arrive $0xFFFF  }
0x61: {  	[hbm:s15], [sflag:s24] =	dma.local [spmem:s25], $0x2000  }
0x62: {  	_ =	swait.ge [sflag:s18], $0x2000  }
0x63: {  	[sflag:s18] =	ssyncset.done $0x0  }
0x64: {  	[sflag:s18] =	ssyncadd.s32 $0xFFFFE000  }
0x65: {  	[spmem:s7] =	stream.linear.scatter [tilespmem:s20], [sflag:$0x2], $0x2000, $0x38;
	[tilespmem:$0x1C700] =	vst v63  }
0x66: {  	_ =	swait.ge [sflag:s18], $0x2000  }
0x67: {  	[sflag:s18] =	ssyncset.done $0x0  }
0x68: {  	[sflag:s18] =	ssyncadd.s32 $0xFFFFE000  }
0x69: {  	[spmem:s8] =	stream.linear.scatter [tilespmem:s20], [sflag:$0x2], $0x2000, $0x38;
	[tilespmem:$0x1C700] =	vst v63  }
0x6a: {  	_ =	swait.ge [sflag:s18], $0x2000  }
0x6b: {  	[sflag:s18] =	ssyncset.done $0x0  }
0x6c: {  	[sflag:s18] =	ssyncadd.s32 $0xFFFFE000  }
0x6d: {  	[spmem:s9] =	stream.linear.scatter [tilespmem:s20], [sflag:$0x2], $0x2000, $0x38;
	[tilespmem:$0x1C700] =	vst v63  }
0x6e: {  	_ =	swait.ge [sflag:s18], $0x2000  }
0x6f: {  	[sflag:s18] =	ssyncset.done $0x0  }
0x70: {  	[sflag:s18] =	ssyncadd.s32 $0xFFFFE000  }
0x71: {  	[spmem:s10] =	stream.linear.scatter [tilespmem:s20], [sflag:$0x2], $0x2000, $0x38;
	[tilespmem:$0x1C700] =	vst v63  }
0x72: {  	_ =	swait.ge [sflag:s18], $0x2000  }
0x73: {  	[sflag:s18] =	ssyncset.done $0x0  }
0x74: {  	[sflag:s18] =	ssyncadd.s32 $0xFFFFE000  }
0x75: {  	[spmem:s11] =	stream.linear.scatter [tilespmem:s20], [sflag:$0x2], $0x2000, $0x38;
	[tilespmem:$0x1C700] =	vst v63  }
0x76: {  	_ =	swait.ge [sflag:s18], $0x2000  }
0x77: {  	[sflag:s18] =	ssyncset.done $0x0  }
0x78: {  	[sflag:s18] =	ssyncadd.s32 $0xFFFFE000  }
0x79: {  	[spmem:s12] =	stream.linear.scatter [tilespmem:s20], [sflag:$0x2], $0x2000, $0x38;
	[tilespmem:$0x1C700] =	vst v63  }
0x7a: {  	_ =	swait.ge [sflag:s18], $0x2000  }
0x7b: {  	[sflag:s18] =	ssyncset.done $0x0  }
0x7c: {  	[sflag:s18] =	ssyncadd.s32 $0xFFFFE000  }
0x7d: {  	[spmem:s13] =	stream.linear.scatter [tilespmem:s20], [sflag:$0x2], $0x2000, $0x38;
	[tilespmem:$0x1C700] =	vst v63  }
0x7e: {  	_ =	swait.ge [sflag:s18], $0x2000  }
0x7f: {  	[sflag:s18] =	ssyncset.done $0x0  }
0x80: {  	[sflag:s18] =	ssyncadd.s32 $0xFFFFE000  }
0x81: {  	[spmem:s14] =	stream.linear.scatter [tilespmem:s20], [sflag:$0x2], $0x2000, $0x38;
	[tilespmem:$0x1C700] =	vst v63  }
0x82: {  	_ =	swait.ge [sflag:s18], $0x2000  }
0x83: {  	[sflag:s18] =	ssyncset.done $0x0  }
0x84: {  	s28 =	simm.s32 $0x0;
	[sflag:s18] =	ssyncadd.s32 $0xFFFFE000  }
0x85: {  	v4 =	vld [tilespmem:s28+$0x0];
	_ =	sdelay $0x2  }
0x86: {  	v5 =	vld [tilespmem:s28+$0x2900]  }
0x87: {  	s26 =	simm.s32 $0x0  }
0x88: {  	s29 =	sadd.s32 $0x0, s4;
	s30 =	sand.u32 $0xFE00, s26;
	v4 =	vsub.s32 v4, v1  }
0x89: {  	v6 =	vor.u32 s29, v3;
	s29 =	sand.u32 $0x70, s26;
	s30 =	sshrl.u32 s30, $0x2;
	vm0 =	vlt.u32 v4, $0x100000  }
0x8a: {  	s2 =	sor.u32 s29, s30;
	v4 =	vsel vm0, v4, v6  }
0x8b: {  	s31 =	simm.s32 $0x10;
	s29 =	simm.s32 $0x40;
	s30 =	simm.s32 $0x80;
	[tilespmem:s2+$0x5200] =	vst v4;
	v4 =	vnsel vm0, $0x0, v5  }
.LBB2_8:
0x8c: {  	p0 =	sne.s32 s30, $0xA3C0;
	s26 =	sadd.s32 $0x10, s26  }
0x8d: {  	v5 =	vld [tilespmem:s31+$0x0];
	[tilespmem:s28+$0x7E00] =	vst v4;
	s0 =	smov.u32 s30;
	s30 =	sadd.s32 $0x40, s30;
	s28 =	smov.u32 s31  }
0x8e: {  	_ =	sdelay $0x1  }
0x8f: {  	v4 =	vld [tilespmem:s28+$0x2900]  }
.Ltmp3:
0x90: {  	(pc) =	sbr.rel @p0 .LBB2_8-.Ltmp3, $4  }
0x91: {  	s2 =	sand.u32 $0xFE00, s29;
	s31 =	sadd.s32 s26, s4;
	s29 =	smov.u32 s0;
	v5 =	vsub.s32 v5, v1  }
0x92: {  	s0 =	sand.u32 $0x70, s26;
	s2 =	sshrl.u32 s2, $0x2;
	v6 =	vor.u32 s31, v3;
	vm0 =	vlt.u32 v5, $0x100000  }
0x93: {  	s0 =	sor.u32 s0, s2;
	v5 =	vsel vm0, v5, v6  }
0x94: {  	s31 =	sshra.s32 s29, $0x2;
	[tilespmem:s0+$0x5200] =	vst v5;
	v4 =	vnsel vm0, $0x0, v4  }
0x95: {  	v5 =	vld [tilespmem:s31+$0x0];
	_ =	sdelay $0x1  }
0x96: {  	[tilespmem:s28+$0x7E00] =	vst v4  }
0x97: {  	v4 =	vld [tilespmem:s31+$0x2900]  }
0x98: {  	s0 =	sadd.s32 $0x10, s26  }
0x99: {  	s30 =	sand.u32 $0xFE00, s29;
	s2 =	sadd.s32 s0, s4;
	v5 =	vsub.s32 v5, v1  }
0x9a: {  	s0 =	sand.u32 $0x70, s0;
	s30 =	sshrl.u32 s30, $0x2;
	v6 =	vor.u32 s2, v3;
	vm0 =	vlt.u32 v5, $0x100000  }
0x9b: {  	s0 =	sor.u32 s0, s30;
	v5 =	vsel vm0, v5, v6  }
0x9c: {  	v4 =	vnsel vm0, $0x0, v4;
	[tilespmem:s0+$0x5200] =	vst v5  }
0x9d: {  	s26 =	simm.s32 $0x200;
	[tilespmem:s31+$0x7E00] =	vst v4  }
0x9e: {  	s28 =	simm.s32 $0x7E00;
	s29 =	simm.s32 $0x5200;
	[bflag:$0x0] =	sbarrier.arrive $0xFFFF  }
.LBB2_10:
0x9f: {  	[spmem:s1] =	stream.indirect.scatter.add.f32 [tilespmem:s28], [sflag:$0x1], $0x1, s29, s21, $0xb8;
	[tilespmem:$0x1C700] =	vst v63  }
0xa0: {  	s0 =	smov.u32 s26;
	p0 =	sne.s32 s26, $0xA200  }
.Ltmp4:
0xa1: {  	s26 =	sadd.s32 $0x200, s26;
	(pc) =	sbr.rel @p0 .LBB2_10-.Ltmp4, $3  }
0xa2: {  	_ =	sdelay $0x1  }
0xa3: {  	s0 =	sshra.s32 s0, $0x2  }
0xa4: {  	s28 =	sadd.s32 $0x7E00, s0;
	s29 =	sadd.s32 $0x5200, s0  }
0xa5: {  	[spmem:s1] =	stream.indirect.scatter.add.f32 [tilespmem:s28], [sflag:$0x1], $0x1, s29, s21, $0xb8;
	[tilespmem:$0x1C700] =	vst v63  }
0xa6: {  	_ =	swait.ge [sflag:s22], $0x2900  }
0xa7: {  	s23 =	sadd.s32 $0x1, s23;
	[sflag:s22] =	ssyncset.done $0x0  }
0xa8: {  	p0 =	sne.s32 s23, s17;
	[sflag:s22] =	ssyncadd.s32 $0xFFFFD700  }
.Ltmp5:
0xa9: {  	[bflag:$0x0] =	sbarrier.arrive $0xFFFF;
	(pc) =	sbr.rel @p0 .LBB2_1-.Ltmp5, $4  }
0xaa: {  	[hbm:s16], [sflag:s24] =	dma.local [spmem:s25], $0x2000  }
0xab: {  	_ =	swait.ge [sflag:s18], $0x2000  }
0xac: {  	[sflag:s18] =	ssyncset.done $0x0  }
0xad: {  	[sflag:s18] =	ssyncadd.s32 $0xFFFFE000  }
0xae: {  	_ =	sfence.sel $0x180000  }
0xaf: {  	[bflag:$0x0] =	sbarrier.arrive $0xFFFF  }
0xb0: {  	_ =	strace $0x9000004A  }
0xb1: {  	s0 =	stileid.u32;
	[bflag:$0x2] =	sbarrier.arrive $0xFFFF  }
0xb2: {  	p0 =	sne.s32 s0, $0x0;
	s0 =	rddreg [dreg:$0x2]  }
0xb3: {  	s0 =	sadd.s32 @!p0 $0x100000, s0  }
0xb4: {  	[sflag:s0] =	ssyncadd.tile.s32 @!p0 $0x1;
	_ =	shalt  }
.Lfunc_end2:
_tile_overlayer_lowered:
.L_overlay_start_2:
0xb5: {  	(tag) =	ssettag $0x2  }
0xb6: {  	s0 =	rddreg [dreg:$0x0];
	s2 =	stileid.u32  }
0xb7: {  	s1 =	rddreg [dreg:$0x1];
	p0 =	sne.s32 s2, $0x0  }
0xb8: {  	s3 =	rddreg [dreg:$0x2];
	[bflag:$0x3] =	sbarrier.arrive $0xFFFF;
	s2 =	simm.s32 @!p0 $0x1C02  }
0xb9: {  	[timem:s3], [sflag:s2] =	dma.local @!p0 [hbm:s0], s1  }
0xba: {  	s0 =	simm.s32 @!p0 $0x2  }
0xbb: {  	_ =	swait.ge @!p0 [sflag:s0], s1  }
0xbc: {  	s1 =	ssub.s32 @!p0 $0x0, s1;
	[sflag:s0] =	ssyncset.done @!p0 $0x0  }
0xbd: {  	[sflag:s0] =	ssyncadd.s32 @!p0 s1  }
0xbe: {  	[bflag:$0x3] =	sbarrier.arrive $0xFFFF  }
0xbf: {  	_ =	shalt  }

// kernel: kernel.17.cloned.1.call-start
scs
__scs_entry_jumppad:
0x0: {  	(pc) =	sbr.rel $0x88, $3  }
0x1: {  	(tag) =	ssettag $0x0;
	lr =	simm.s32 $0x1  }
0x2: {  	[smem:$0x3F9E] =	sst lr;
	_ =	strace $0xD0000000  }
0x3: {  	_ = 	snop  }
0x4: {  	_ = 	snop  }
0x5: {  	_ = 	snop  }
0x6: {  	_ = 	snop  }
0x7: {  	_ = 	snop  }
__scs_overlays_trampoline_lowered:
0x8: {  	[smem:$0x3FAD] =	sst s0  }
0x9: {  	[smem:$0x3FAE] =	sst s1  }
0xa: {  	[smem:$0x3FAF] =	sst s2  }
0xb: {  	[smem:$0x3FB0] =	sst s3  }
0xc: {  	[smem:$0x3FB1] =	sst s4  }
0xd: {  	[smem:$0x3FB2] =	sst s5  }
0xe: {  	[smem:$0x3FB3] =	sst s6  }
0xf: {  	[smem:$0x3FB4] =	sst s7  }
0x10: {  	[smem:$0x3FB5] =	sst s8  }
0x11: {  	[smem:$0x3FB6] =	sst s9;
	s0 =	simm.s32 @!p0 $0x0  }
0x12: {  	s1 =	sld [smem:$0x3F9C];
	s0 =	simm.s32 @p0 $0x1  }
0x13: {  	[smem:$0x3FB7] =	sst s0;
	s0 =	simm.s32 @!p1 $0x0  }
0x14: {  	s2 =	sld [smem:$0x3F9B];
	s0 =	simm.s32 @p1 $0x1  }
0x15: {  	[smem:$0x3FB8] =	sst s0;
	s0 =	simm.s32 @!p2 $0x0  }
0x16: {  	s3 =	sld [smem:$0x3FDB];
	s0 =	simm.s32 @p2 $0x1  }
0x17: {  	s4 =	simm.s32 $0x1BF5;
	[smem:$0x3FBA] =	sst s0  }
0x18: {  	s0 =	sld [smem:$0x3F9D];
	_ =	swait.ge [sflag:s4], $0x0  }
0x19: {  	s7 =	sld [smem:$0x3F9E]  }
0x1a: {  	s8 =	sadd.s32 $0xFFFFE003, lr  }
0x1b: {  	s9 =	sadd.s32 $0xFFFFFEF7, lr;
	s5 =	simm.s32 $0xFFFFFFFF;
	p2 =	slt.u32 s8, $0xFFFFF086  }
0x1c: {  	p1 =	slt.u32 s9, $0xF7A;
	s5 =	simm.s32 @!p2 $0x0  }
0x1d: {  	s5 =	simm.s32 @p1 $0x1;
	p0 =	seq.s32 s7, s2  }
0x1e: {  	s7 =	smul.u32 @!p0 $0xF7A, s2;
	p2 =	seq.s32 @!p0 s5, $0x0  }
0x1f: {  	s9 =	smul.u32 $0xF7A, s1;
	s8 =	simm.s32 @!p0 $0x1BF5;
	p2 =	por !p2, p0  }
0x20: {  	[sflag:s8] =	ssyncset.s32 @!p0 $0xFFFFF086;
	s6 =	sadd.s32 @!p0 s3, s7;
	s7 =	simm.s32 @!p0 $0x108  }
0x21: {  	s3 =	sadd.s32 s3, s9;
	s6 =	sadd.s32 @!p0 $0x88, s6;
	s7 =	simm.s32 @p2 $0x1082  }
0x22: {  	[simem:s7], [sflag:s8] =	dma.local @!p0 [hbm:s6], $0xF7A  }
0x23: {  	s9 =	sor.u32 $0xD0000000, s2;
	s6 =	simm.s32 $0x108;
	_ =	swait.ge @!p0 [sflag:s8], $0x0  }
0x24: {  	s3 =	sadd.s32 $0x88, s3;
	s6 =	simm.s32 @!p1 $0x1082;
	[sflag:s4] =	ssyncset.s32 $0xFFFFF086  }
0x25: {  	[simem:s6], [sflag:s4] =	dma.local [hbm:s3], $0xF7A  }
0x26: {  	[smem:$0x3F9E] =	sst s1;
	(tag) =	ssettag s2;
	_ =	strace s9  }
0x27: {  	s1 =	sld [smem:$0x3FAE]  }
0x28: {  	s2 =	sld [smem:$0x3FAF]  }
0x29: {  	s4 =	sld [smem:$0x3FB1]  }
0x2a: {  	p0 =	seq.s32 s5, $0x0;
	s5 =	sld [smem:$0x3FB2]  }
0x2b: {  	s6 =	sld [smem:$0x3FB3]  }
0x2c: {  	s7 =	sld [smem:$0x3FB4]  }
0x2d: {  	s3 =	simm.s32 $0x108;
	s8 =	sld [smem:$0x3FB5]  }
0x2e: {  	s3 =	simm.s32 @!p0 $0x1082;
	s9 =	sld [smem:$0x3FB6]  }
0x2f: {  	lr =	sadd.s32 s0, s3;
	s0 =	sld [smem:$0x3FAD]  }
0x30: {  	s3 =	sld [smem:$0x3FB0]  }
0x31: {  	[smem:$0x3FB9] =	sst s10  }
0x32: {  	s10 =	sld [smem:$0x3FB7];
	_ =	sdelay $0x3  }
0x33: {  	p0 =	seq.s32 s10, $0x1;
	s10 =	sld [smem:$0x3FB9];
	_ =	sdelay $0x3  }
0x34: {  	[smem:$0x3FB9] =	sst s10  }
0x35: {  	s10 =	sld [smem:$0x3FB8];
	_ =	sdelay $0x3  }
0x36: {  	p1 =	seq.s32 s10, $0x1;
	s10 =	sld [smem:$0x3FB9];
	_ =	sdelay $0x3  }
0x37: {  	[smem:$0x3FB9] =	sst s10  }
0x38: {  	s10 =	sld [smem:$0x3FBA]  }
0x39: {  	_ = 	snop;
	(pc) =	sbr.ind lr, $3  }
0x3a: {  	_ = 	snop  }
0x3b: {  	_ = 	snop  }
0x3c: {  	p2 =	seq.s32 s10, $0x1;
	s10 =	sld [smem:$0x3FB9]  }
0x3d: {  	_ =	shalt  }
0x3e: {  	_ =	shalt  }
0x3f: {  	_ =	shalt  }
0x40: {  	_ =	shalt  }
0x41: {  	_ =	shalt  }
0x42: {  	_ =	shalt  }
0x43: {  	_ =	shalt  }
0x44: {  	_ =	shalt  }
0x45: {  	_ =	shalt  }
0x46: {  	_ =	shalt  }
0x47: {  	_ =	shalt  }
0x48: {  	_ =	shalt  }
0x49: {  	_ =	shalt  }
0x4a: {  	_ =	shalt  }
0x4b: {  	_ =	shalt  }
0x4c: {  	_ =	shalt  }
0x4d: {  	_ =	shalt  }
0x4e: {  	_ =	shalt  }
0x4f: {  	_ =	shalt  }
0x50: {  	_ =	shalt  }
0x51: {  	_ =	shalt  }
0x52: {  	_ =	shalt  }
0x53: {  	_ =	shalt  }
0x54: {  	_ =	shalt  }
0x55: {  	_ =	shalt  }
0x56: {  	_ =	shalt  }
0x57: {  	_ =	shalt  }
0x58: {  	_ =	shalt  }
0x59: {  	_ =	shalt  }
0x5a: {  	_ =	shalt  }
0x5b: {  	_ =	shalt  }
0x5c: {  	_ =	shalt  }
0x5d: {  	_ =	shalt  }
0x5e: {  	_ =	shalt  }
0x5f: {  	_ =	shalt  }
0x60: {  	_ =	shalt  }
0x61: {  	_ =	shalt  }
0x62: {  	_ =	shalt  }
0x63: {  	_ =	shalt  }
0x64: {  	_ =	shalt  }
0x65: {  	_ =	shalt  }
0x66: {  	_ =	shalt  }
0x67: {  	_ =	shalt  }
0x68: {  	_ =	shalt  }
0x69: {  	_ =	shalt  }
0x6a: {  	_ =	shalt  }
0x6b: {  	_ =	shalt  }
0x6c: {  	_ =	shalt  }
0x6d: {  	_ =	shalt  }
0x6e: {  	_ =	shalt  }
0x6f: {  	_ =	shalt  }
0x70: {  	_ =	shalt  }
0x71: {  	_ =	shalt  }
0x72: {  	_ =	shalt  }
0x73: {  	_ =	shalt  }
0x74: {  	_ =	shalt  }
0x75: {  	_ =	shalt  }
0x76: {  	_ =	shalt  }
0x77: {  	_ =	shalt  }
0x78: {  	_ =	shalt  }
0x79: {  	_ =	shalt  }
0x7a: {  	_ =	shalt  }
0x7b: {  	_ =	shalt  }
0x7c: {  	_ =	shalt  }
0x7d: {  	_ =	shalt  }
0x7e: {  	_ =	shalt  }
0x7f: {  	_ =	shalt  }
0x80: {  	_ =	shalt  }
0x81: {  	_ =	shalt  }
0x82: {  	_ =	shalt  }
0x83: {  	_ =	shalt  }
0x84: {  	_ =	shalt  }
0x85: {  	_ =	shalt  }
0x86: {  	_ =	shalt  }
0x87: {  	_ =	shalt  }
.Lfunc_end0:
.L_simem_size_0:
called_computation.2_lowered:
.L_overlay_start_0:
0x88: {  	s2 =	sld [smem:$0x3FD9]  }
0x89: {  	s3 =	sld [smem:$0x3FFE];
	_ =	sdelay $0x1  }
0x8a: {  	s1 =	srdreg.scid  }
0x8b: {  	s0 =	sand.u32 $0x1, s1  }
0x8c: {  	s17 =	sshll.u32 s0, $0xA;
	s2 =	sadd.s32 s3, s2  }
0x8d: {  	s2 =	sadd.s32 s2, s17  }
0x8e: {  	[smem:$0x3FC5] =	sst s2  }
0x8f: {  	_ = 	snop  }
0x90: {  	(tm) =	ssettm $0x1  }
0x91: {  	s18 =	sld [smem:$0x3FFB];
	_ =	sdelay $0x3  }
0x92: {  	_ =	strace s18  }
0x93: {  	s2 =	sld [smem:$0x3FFC];
	_ =	sdelay $0x3  }
0x94: {  	_ =	strace s2  }
0x95: {  	s2 =	sld [smem:$0x3FFD];
	_ =	sdelay $0x3  }
0x96: {  	_ =	strace s2  }
0x97: {  	_ =	strace $0x8FFFFFFF  }
0x98: {  	s19 =	sld [smem:$0x3FDB];
	_ =	sdelay $0x1  }
0x99: {  	s20 =	simm.s32 $_scs_section_size  }
0x9a: {  	s4 =	simm.s32 $_size__tile_overlayer_lowered;
	s5 =	simm.s32 $_tile_overlayer_lowered  }
0x9b: {  	s6 =	simm.s32 $0x1BFF;
	s21 =	sshll.u32 s5, $0x1;
	s3 =	sadd.s32 s20, s19  }
0x9c: {  	s22 =	simm.s32 $0x0;
	s4 =	sshll.u32 s4, $0x1;
	s5 =	sadd.s32 s21, s3  }
0x9d: {  	[timem:s22], [sflag:s6] =	dma.local [hbm:s5], s4  }
0x9e: {  	_ =	swait.ge [sflag:s6], s4  }
0x9f: {  	s4 =	ssub.s32 $0x0, s4;
	[sflag:s6] =	ssyncset.done $0x0  }
0xa0: {  	[sflag:s6] =	ssyncadd.s32 s4;
	_ =	sdelay $0x1  }
0xa1: {  	s23 =	simm.s32 $0x1B8B  }
0xa2: {  	_ =	swait.ge [sflag:s23], $0x1  }
0xa3: {  	[sflag:s23] =	ssyncset.done $0x0  }
0xa4: {  	[sflag:s23] =	ssyncadd.s32 $0xFFFFFFFF  }
0xa5: {  	s4 =	sld [smem:$0x0]  }
0xa6: {  	s5 =	sand.u32 $0xFFFFFFFE, s1  }
0xa7: {  	p0 =	sne.s32 s1, s5  }
0xa8: {  	s5 =	sshll.u32 @p0 s5, $0xE  }
0xa9: {  	s5 =	sadd.s32 @p0 $0x11B8D, s5;
	s6 =	sshll.u32 @p0 s4, $0x11  }
0xaa: {  	s5 =	sor.u32 @p0 s6, s5  }
0xab: {  	[sflag:s5] =	ssyncadd.remote.s32 @p0 $0x1;
	_ =	sdelay $0x1  }
0xac: {  	s5 =	simm.s32 @p0 $0x1B8D  }
0xad: {  	_ =	swait.eq @p0 [sflag:s5], $0x1  }
0xae: {  	[sflag:s5] =	ssyncadd.s32 @p0 $0xFFFFFFFF  }
0xaf: {  	s6 =	sshll.u32 @!p0 s1, $0xE  }
0xb0: {  	s6 =	sor.u32 @!p0 $0x4000, s6;
	s5 =	simm.s32 @!p0 $0x1B8D  }
0xb1: {  	s4 =	sshll.u32 @!p0 s4, $0x11;
	s6 =	sadd.s32 @!p0 $0x11B8D, s6;
	_ =	swait.eq @!p0 [sflag:s5], $0x1  }
0xb2: {  	s4 =	sor.u32 @!p0 s4, s6;
	[sflag:s5] =	ssyncadd.s32 @!p0 $0xFFFFFFFF  }
0xb3: {  	s25 =	simm.s32 $0x1B8E;
	s24 =	sld [smem:$0x3FFE];
	[sflag:s4] =	ssyncadd.remote.s32 @!p0 $0x1  }
0xb4: {  	s26 =	simm.s32 $execute0_lowered;
	[smem:$0x3FD2] =	sst s25  }
0xb5: {  	s5 =	sshll.u32 s26, $0x1;
	_ =	strace $0x8000004C;
	[dreg:$0x1] =	wrdreg $0xFFFFFFFF  }
0xb6: {  	s28 =	simm.s32 $_size_execute0_lowered;
	s3 =	sadd.s32 s3, s5;
	[dreg:$0x0] =	wrdreg $0x0  }
0xb7: {  	s5 =	sshll.u32 s28, $0x1;
	[dreg:$0x2] =	wrdreg s3  }
0xb8: {  	[dreg:$0x3] =	wrdreg s5  }
0xb9: {  	[dreg:$0x4] =	wrdreg $0xC0  }
0xba: {  	_ =	task [dreg:s22], $0x5FFFF  }
0xbb: {  	[dreg:$0x1] =	wrdreg $0xFFFFFFFF  }
0xbc: {  	[dreg:$0x0] =	wrdreg $0x60  }
0xbd: {  	[dreg:$0x2] =	wrdreg s24  }
0xbe: {  	[dreg:$0x3] =	wrdreg $0xC7000  }
0xbf: {  	[dreg:$0x4] =	wrdreg $0xB  }
0xc0: {  	_ =	task.clear_ibuf [dreg:s22], $0x5FFFF;
	_ =	strace $0x9000004C  }
0xc1: {  	s29 =	simm.s32 $0xB;
	_ =	strace $0x8000004E  }
0xc2: {  	_ =	swait.ge [sflag:s29], $0x1  }
0xc3: {  	[sflag:s29] =	ssyncadd.s32 $0xFFFFFFFF  }
0xc4: {  	_ =	strace $0x9000004E  }
0xc5: {  	_ =	sfence  }
0xc6: {  	s30 =	sld [smem:$0x0];
	_ =	sdelay $0x2  }
0xc7: {  	s31 =	sshll.u32 s1, $0xD;
	s1 =	sshrl.u32 s1, $0x2  }
0xc8: {  	s4 =	sand.u32 $0x4000, s31;
	s1 =	sadd.s32 s1, s30  }
0xc9: {  	s0 =	sor.u32 s4, s0;
	s1 =	sshll.u32 s1, $0x11  }
0xca: {  	s0 =	sor.u32 s1, s0  }
0xcb: {  	s0 =	sadd.s32 $0x8F2B, s0  }
0xcc: {  	[sflag:s0] =	ssyncadd.remote.s32 $0x1  }
0xcd: {  	_ =	sfence.sel $0xFFFF  }
0xce: {  	[dreg:$0x0] =	wrdreg $0xFFFFFFFF;
	(pc) =	sbr.abs _section_cstart, $3  }
0xcf: {  	[dreg:$0x1] =	wrdreg $0xFFFFFFFF  }
0xd0: {  	_ =	task.clear_ibuf [dreg:s22], $0x2FFFF;
	_ =	strace $0x9FFFFFFF  }
0xd1: {  	(tm) =	ssettm $0x7FFFFFFF  }
tec
execute0_lowered:
.L_overlay_start_1:
0x0: {  	(tag) =	ssettag $0x1  }
0x1: {  	s0 =	rddreg [dreg:$0x0]  }
0x2: {  	s2 =	rddreg [dreg:$0x1];
	s3 =	simm.s32 $0x0;
	s1 =	stileid.u32  }
0x3: {  	s5 =	srdreg.scid;
	s24 =	simm.s32 $0x1;
	s25 =	simm.s32 $0x0  }
0x4: {  	[smem:$0x7FF] =	sst s3;
	s4 =	smul.u32 $0x2900, s1;
	s5 =	sand.u32 $0x1, s5  }
0x5: {  	s7 =	sshll.u32 s1, $0x10;
	_ =	strace $0x8000004D;
	s18 =	sshll.u32 s5, $0x14  }
0x6: {  	s5 =	ssub.s32 $0x2, s5;
	s6 =	sshrl.u32 s4, $0x3;
	s8 =	sor.u32 s7, s18  }
0x7: {  	s9 =	sshrl.u32 s5, $0x1;
	s20 =	sor.u32 $0x800000, s18;
	s7 =	sadd.s32 s7, s2  }
0x8: {  	s21 =	sor.u32 $0xA00000, s18;
	s22 =	sor.u32 $0xC00000, s18;
	s23 =	sor.u32 $0xE00000, s18  }
0x9: {  	s6 =	sadd.s32 s6, s0;
	s8 =	sshrl.u32 s8, $0x3;
	s19 =	ssub.s32 s5, s9  }
0xa: {  	s9 =	sadd.s32 $0x4000, s7;
	s10 =	sadd.s32 $0x6000, s7;
	s11 =	sadd.s32 $0x8000, s7  }
0xb: {  	s12 =	sadd.s32 $0xA000, s7;
	s13 =	sadd.s32 $0xC000, s7;
	s14 =	sadd.s32 $0xE000, s7  }
0xc: {  	v0 =	vmov s20;
	v2 =	vmov s22;
	s20 =	simm.s32 $0x2;
	s22 =	simm.s32 $0xA700;
	v3 =	vmov s23;
	s23 =	simm.s32 $0x80  }
0xd: {  	s0 =	sadd.s32 s8, s0;
	s5 =	sadd.s32 $0x5E00, s6;
	s6 =	sadd.s32 $0xC00, s6  }
0xe: {  	s8 =	sadd.s32 $0x2000, s7;
	s19 =	smax.u32 s19, $0x1;
	s15 =	sadd.s32 $0x8B000, s0  }
0xf: {  	v4 =	vimm.f32 $0.0e+00;
	v5 =	vlaneseq.u32;
	v1 =	vmov s21;
	s16 =	sadd.s32 $0xCB000, s0;
	s17 =	sadd.s32 $0x10B000, s0;
	s18 =	sadd.s32 $0x14B000, s0  }
.LBB2_1:
0x10: {  	s0 =	simm.s32 $0x0  }
0x11: {  	[tilespmem:s0], [sflag:$0x2] =	stream.linear.gather [hbm4b:s5+s0], $0x2900, $0x38;
	[tilespmem:$0x1C700] =	vst v63  }
0x12: {  	_ =	swait.ge [sflag:s20], $0x2900  }
0x13: {  	[sflag:s20] =	ssyncset.done $0x0  }
0x14: {  	s1 =	simm.s32 $0x2900;
	[sflag:s20] =	ssyncadd.s32 $0xFFFFD700  }
0x15: {  	[tilespmem:s1], [sflag:$0x2] =	stream.linear.gather [hbm4b:s6+s0], $0x2900, $0x38;
	[tilespmem:$0x1C700] =	vst v63  }
0x16: {  	_ =	swait.ge [sflag:s20], $0x2900  }
0x17: {  	[sflag:s20] =	ssyncset.done $0x0  }
0x18: {  	s21 =	simm.s32 $0x0;
	s0 =	simm.s32 $0x40;
	[sflag:s20] =	ssyncadd.s32 $0xFFFFD700  }
.LBB2_2:
0x19: {  	p0 =	sne.s32 s0, $0x7FC0;
	[tilespmem:s21+$0xA700] =	vst v4;
	s21 =	smov.u32 s0;
	s0 =	sadd.s32 $0x40, s0  }
.Ltmp0:
0x1a: {  	(pc) =	sbr.rel @p0 .LBB2_2-.Ltmp0, $2  }
0x1b: {  	_ =	sdelay $0x2  }
0x1c: {  	s21 =	sshra.s32 s21, $0x2  }
0x1d: {  	[tilespmem:s21+$0xA700] =	vst v4  }
0x1e: {  	[spmem:s7] =	stream.linear.scatter [tilespmem:s22], [sflag:$0x2], $0x2000, $0x38;
	[tilespmem:$0x1C700] =	vst v63  }
0x1f: {  	_ =	swait.ge [sflag:s20], $0x2000  }
0x20: {  	[sflag:s20] =	ssyncset.done $0x0  }
0x21: {  	[sflag:s20] =	ssyncadd.s32 $0xFFFFE000  }
0x22: {  	[spmem:s8] =	stream.linear.scatter [tilespmem:s22], [sflag:$0x2], $0x2000, $0x38;
	[tilespmem:$0x1C700] =	vst v63  }
0x23: {  	_ =	swait.ge [sflag:s20], $0x2000  }
0x24: {  	[sflag:s20] =	ssyncset.done $0x0  }
0x25: {  	[sflag:s20] =	ssyncadd.s32 $0xFFFFE000  }
0x26: {  	[spmem:s9] =	stream.linear.scatter [tilespmem:s22], [sflag:$0x2], $0x2000, $0x38;
	[tilespmem:$0x1C700] =	vst v63  }
0x27: {  	_ =	swait.ge [sflag:s20], $0x2000  }
0x28: {  	[sflag:s20] =	ssyncset.done $0x0  }
0x29: {  	[sflag:s20] =	ssyncadd.s32 $0xFFFFE000  }
0x2a: {  	[spmem:s10] =	stream.linear.scatter [tilespmem:s22], [sflag:$0x2], $0x2000, $0x38;
	[tilespmem:$0x1C700] =	vst v63  }
0x2b: {  	_ =	swait.ge [sflag:s20], $0x2000  }
0x2c: {  	[sflag:s20] =	ssyncset.done $0x0  }
0x2d: {  	[sflag:s20] =	ssyncadd.s32 $0xFFFFE000  }
0x2e: {  	[spmem:s11] =	stream.linear.scatter [tilespmem:s22], [sflag:$0x2], $0x2000, $0x38;
	[tilespmem:$0x1C700] =	vst v63  }
0x2f: {  	_ =	swait.ge [sflag:s20], $0x2000  }
0x30: {  	[sflag:s20] =	ssyncset.done $0x0  }
0x31: {  	[sflag:s20] =	ssyncadd.s32 $0xFFFFE000  }
0x32: {  	[spmem:s12] =	stream.linear.scatter [tilespmem:s22], [sflag:$0x2], $0x2000, $0x38;
	[tilespmem:$0x1C700] =	vst v63  }
0x33: {  	_ =	swait.ge [sflag:s20], $0x2000  }
0x34: {  	[sflag:s20] =	ssyncset.done $0x0  }
0x35: {  	[sflag:s20] =	ssyncadd.s32 $0xFFFFE000  }
0x36: {  	[spmem:s13] =	stream.linear.scatter [tilespmem:s22], [sflag:$0x2], $0x2000, $0x38;
	[tilespmem:$0x1C700] =	vst v63  }
0x37: {  	_ =	swait.ge [sflag:s20], $0x2000  }
0x38: {  	[sflag:s20] =	ssyncset.done $0x0  }
0x39: {  	[sflag:s20] =	ssyncadd.s32 $0xFFFFE000  }
0x3a: {  	[spmem:s14] =	stream.linear.scatter [tilespmem:s22], [sflag:$0x2], $0x2000, $0x38;
	[tilespmem:$0x1C700] =	vst v63  }
0x3b: {  	_ =	swait.ge [sflag:s20], $0x2000  }
0x3c: {  	[sflag:s20] =	ssyncset.done $0x0  }
0x3d: {  	s28 =	simm.s32 $0x0;
	[sflag:s20] =	ssyncadd.s32 $0xFFFFE000  }
0x3e: {  	v6 =	vld [tilespmem:s28+$0x0];
	_ =	sdelay $0x2  }
0x3f: {  	v7 =	vld [tilespmem:s28+$0x2900]  }
0x40: {  	s26 =	simm.s32 $0x0  }
0x41: {  	s0 =	sadd.s32 $0x0, s4;
	s3 =	sand.u32 $0xFE00, s26;
	v6 =	vsub.s32 v6, v0  }
0x42: {  	v8 =	vor.u32 s0, v5;
	s31 =	sand.u32 $0x70, s26;
	s21 =	sshrl.u32 s3, $0x2;
	vm0 =	vlt.u32 v6, $0x100000  }
0x43: {  	s21 =	sor.u32 s31, s21;
	v6 =	vsel vm0, v6, v8  }
0x44: {  	s29 =	simm.s32 $0x40;
	s30 =	simm.s32 $0x80;
	s0 =	simm.s32 $0x10;
	[tilespmem:s21+$0x5200] =	vst v6;
	v6 =	vnsel vm0, $0x0, v7  }
.LBB2_4:
0x45: {  	p0 =	sne.s32 s30, $0xA3C0;
	s26 =	sadd.s32 $0x10, s26  }
0x46: {  	v7 =	vld [tilespmem:s0+$0x0];
	[tilespmem:s28+$0x7E00] =	vst v6;
	s21 =	smov.u32 s30;
	s30 =	sadd.s32 $0x40, s30;
	s28 =	smov.u32 s0  }
0x47: {  	_ =	sdelay $0x1  }
0x48: {  	v6 =	vld [tilespmem:s28+$0x2900]  }
.Ltmp1:
0x49: {  	(pc) =	sbr.rel @p0 .LBB2_4-.Ltmp1, $4  }
0x4a: {  	s31 =	sand.u32 $0xFE00, s29;
	s0 =	sadd.s32 s26, s4;
	s29 =	smov.u32 s21;
	v7 =	vsub.s32 v7, v0  }
0x4b: {  	s21 =	sshrl.u32 s31, $0x2;
	v8 =	vor.u32 s0, v5;
	s0 =	sand.u32 $0x70, s26;
	vm0 =	vlt.u32 v7, $0x100000  }
0x4c: {  	s21 =	sor.u32 s0, s21;
	v7 =	vsel vm0, v7, v8  }
0x4d: {  	s0 =	sshra.s32 s29, $0x2;
	[tilespmem:s21+$0x5200] =	vst v7;
	v6 =	vnsel vm0, $0x0, v6  }
0x4e: {  	v7 =	vld [tilespmem:s0+$0x0];
	_ =	sdelay $0x1  }
0x4f: {  	[tilespmem:s28+$0x7E00] =	vst v6  }
0x50: {  	v6 =	vld [tilespmem:s0+$0x2900]  }
0x51: {  	s21 =	sadd.s32 $0x10, s26  }
0x52: {  	s30 =	sand.u32 $0xFE00, s29;
	s26 =	sadd.s32 s21, s4;
	v7 =	vsub.s32 v7, v0  }
0x53: {  	s21 =	sand.u32 $0x70, s21;
	s31 =	sshrl.u32 s30, $0x2;
	v8 =	vor.u32 s26, v5;
	vm0 =	vlt.u32 v7, $0x100000  }
0x54: {  	s21 =	sor.u32 s21, s31;
	v7 =	vsel vm0, v7, v8  }
0x55: {  	v6 =	vnsel vm0, $0x0, v6;
	[tilespmem:s21+$0x5200] =	vst v7  }
0x56: {  	s26 =	simm.s32 $0x5200;
	[tilespmem:s0+$0x7E00] =	vst v6  }
0x57: {  	s21 =	simm.s32 $0x7E00;
	s0 =	simm.s32 $0x200;
	[bflag:$0x0] =	sbarrier.arrive $0xFFFF  }
.LBB2_6:
0x58: {  	[spmem:s2] =	stream.indirect.scatter.add.f32 [tilespmem:s21], [sflag:$0x1], $0x1, s26, s23, $0xb8;
	[tilespmem:$0x1C700] =	vst v63  }
0x59: {  	s21 =	smov.u32 s0;
	p0 =	sne.s32 s0, $0xA200  }
.Ltmp2:
0x5a: {  	s0 =	sadd.s32 $0x200, s0;
	(pc) =	sbr.rel @p0 .LBB2_6-.Ltmp2, $3  }
0x5b: {  	_ =	sdelay $0x1  }
0x5c: {  	s26 =	sshra.s32 s21, $0x2  }
0x5d: {  	s21 =	sadd.s32 $0x7E00, s26;
	s26 =	sadd.s32 $0x5200, s26  }
0x5e: {  	[spmem:s2] =	stream.indirect.scatter.add.f32 [tilespmem:s21], [sflag:$0x1], $0x1, s26, s23, $0xb8;
	[tilespmem:$0x1C700] =	vst v63  }
0x5f: {  	_ =	swait.ge [sflag:s24], $0x2900  }
0x60: {  	s0 =	stileid.u32;
	[sflag:s24] =	ssyncset.done $0x0  }
0x61: {  	s0 =	sshll.u32 s0, $0x6;
	[sflag:s24] =	ssyncadd.s32 $0xFFFFD700  }
0x62: {  	s28 =	sshrl.u32 s7, $0x3;
	s26 =	sor.u32 $0x1C02, s0;
	[bflag:$0x0] =	sbarrier.arrive $0xFFFF  }
0x63: {  	[hbm:s15], [sflag:s26] =	dma.local [spmem:s28], $0x2000  }
0x64: {  	_ =	swait.ge [sflag:s20], $0x2000  }
0x65: {  	[sflag:s20] =	ssyncset.done $0x0  }
0x66: {  	[sflag:s20] =	ssyncadd.s32 $0xFFFFE000  }
0x67: {  	[spmem:s7] =	stream.linear.scatter [tilespmem:s22], [sflag:$0x2], $0x2000, $0x38;
	[tilespmem:$0x1C700] =	vst v63  }
0x68: {  	_ =	swait.ge [sflag:s20], $0x2000  }
0x69: {  	[sflag:s20] =	ssyncset.done $0x0  }
0x6a: {  	[sflag:s20] =	ssyncadd.s32 $0xFFFFE000  }
0x6b: {  	[spmem:s8] =	stream.linear.scatter [tilespmem:s22], [sflag:$0x2], $0x2000, $0x38;
	[tilespmem:$0x1C700] =	vst v63  }
0x6c: {  	_ =	swait.ge [sflag:s20], $0x2000  }
0x6d: {  	[sflag:s20] =	ssyncset.done $0x0  }
0x6e: {  	[sflag:s20] =	ssyncadd.s32 $0xFFFFE000  }
0x6f: {  	[spmem:s9] =	stream.linear.scatter [tilespmem:s22], [sflag:$0x2], $0x2000, $0x38;
	[tilespmem:$0x1C700] =	vst v63  }
0x70: {  	_ =	swait.ge [sflag:s20], $0x2000  }
0x71: {  	[sflag:s20] =	ssyncset.done $0x0  }
0x72: {  	[sflag:s20] =	ssyncadd.s32 $0xFFFFE000  }
0x73: {  	[spmem:s10] =	stream.linear.scatter [tilespmem:s22], [sflag:$0x2], $0x2000, $0x38;
	[tilespmem:$0x1C700] =	vst v63  }
0x74: {  	_ =	swait.ge [sflag:s20], $0x2000  }
0x75: {  	[sflag:s20] =	ssyncset.done $0x0  }
0x76: {  	[sflag:s20] =	ssyncadd.s32 $0xFFFFE000  }
0x77: {  	[spmem:s11] =	stream.linear.scatter [tilespmem:s22], [sflag:$0x2], $0x2000, $0x38;
	[tilespmem:$0x1C700] =	vst v63  }
0x78: {  	_ =	swait.ge [sflag:s20], $0x2000  }
0x79: {  	[sflag:s20] =	ssyncset.done $0x0  }
0x7a: {  	[sflag:s20] =	ssyncadd.s32 $0xFFFFE000  }
0x7b: {  	[spmem:s12] =	stream.linear.scatter [tilespmem:s22], [sflag:$0x2], $0x2000, $0x38;
	[tilespmem:$0x1C700] =	vst v63  }
0x7c: {  	_ =	swait.ge [sflag:s20], $0x2000  }
0x7d: {  	[sflag:s20] =	ssyncset.done $0x0  }
0x7e: {  	[sflag:s20] =	ssyncadd.s32 $0xFFFFE000  }
0x7f: {  	[spmem:s13] =	stream.linear.scatter [tilespmem:s22], [sflag:$0x2], $0x2000, $0x38;
	[tilespmem:$0x1C700] =	vst v63  }
0x80: {  	_ =	swait.ge [sflag:s20], $0x2000  }
0x81: {  	[sflag:s20] =	ssyncset.done $0x0  }
0x82: {  	[sflag:s20] =	ssyncadd.s32 $0xFFFFE000  }
0x83: {  	[spmem:s14] =	stream.linear.scatter [tilespmem:s22], [sflag:$0x2], $0x2000, $0x38;
	[tilespmem:$0x1C700] =	vst v63  }
0x84: {  	_ =	swait.ge [sflag:s20], $0x2000  }
0x85: {  	[sflag:s20] =	ssyncset.done $0x0  }
0x86: {  	s30 =	simm.s32 $0x0;
	[sflag:s20] =	ssyncadd.s32 $0xFFFFE000  }
0x87: {  	v6 =	vld [tilespmem:s30+$0x0];
	_ =	sdelay $0x2  }
0x88: {  	v7 =	vld [tilespmem:s30+$0x2900]  }
0x89: {  	s29 =	simm.s32 $0x0  }
0x8a: {  	s21 =	sadd.s32 $0x0, s4;
	s1 =	sand.u32 $0xFE00, s29;
	v6 =	vsub.s32 v6, v1  }
0x8b: {  	v8 =	vor.u32 s21, v5;
	s3 =	sand.u32 $0x70, s29;
	s21 =	sshrl.u32 s1, $0x2;
	vm0 =	vlt.u32 v6, $0x100000  }
0x8c: {  	s1 =	sor.u32 s3, s21;
	v6 =	vsel vm0, v6, v8  }
0x8d: {  	s31 =	simm.s32 $0x40;
	s0 =	simm.s32 $0x80;
	s21 =	simm.s32 $0x10;
	[tilespmem:s1+$0x5200] =	vst v6;
	v6 =	vnsel vm0, $0x0, v7  }
.LBB2_8:
0x8e: {  	p0 =	sne.s32 s0, $0xA3C0;
	s29 =	sadd.s32 $0x10, s29  }
0x8f: {  	v7 =	vld [tilespmem:s21+$0x0];
	[tilespmem:s30+$0x7E00] =	vst v6;
	s1 =	smov.u32 s0;
	s0 =	sadd.s32 $0x40, s0;
	s30 =	smov.u32 s21  }
0x90: {  	_ =	sdelay $0x1  }
0x91: {  	v6 =	vld [tilespmem:s30+$0x2900]  }
.Ltmp3:
0x92: {  	(pc) =	sbr.rel @p0 .LBB2_8-.Ltmp3, $4  }
0x93: {  	s3 =	sand.u32 $0xFE00, s31;
	s21 =	sadd.s32 s29, s4;
	s31 =	smov.u32 s1;
	v7 =	vsub.s32 v7, v1  }
0x94: {  	s1 =	sand.u32 $0x70, s29;
	s3 =	sshrl.u32 s3, $0x2;
	v8 =	vor.u32 s21, v5;
	vm0 =	vlt.u32 v7, $0x100000  }
0x95: {  	s1 =	sor.u32 s1, s3;
	v7 =	vsel vm0, v7, v8  }
0x96: {  	s21 =	sshra.s32 s31, $0x2;
	[tilespmem:s1+$0x5200] =	vst v7;
	v6 =	vnsel vm0, $0x0, v6  }
0x97: {  	v7 =	vld [tilespmem:s21+$0x0];
	_ =	sdelay $0x1  }
0x98: {  	[tilespmem:s30+$0x7E00] =	vst v6  }
0x99: {  	v6 =	vld [tilespmem:s21+$0x2900]  }
0x9a: {  	s0 =	sadd.s32 $0x10, s29  }
0x9b: {  	s3 =	sand.u32 $0xFE00, s31;
	s1 =	sadd.s32 s0, s4;
	v7 =	vsub.s32 v7, v1  }
0x9c: {  	s0 =	sand.u32 $0x70, s0;
	s31 =	sshrl.u32 s3, $0x2;
	v8 =	vor.u32 s1, v5;
	vm0 =	vlt.u32 v7, $0x100000  }
0x9d: {  	s0 =	sor.u32 s0, s31;
	v7 =	vsel vm0, v7, v8  }
0x9e: {  	v6 =	vnsel vm0, $0x0, v6;
	[tilespmem:s0+$0x5200] =	vst v7  }
0x9f: {  	s29 =	simm.s32 $0x5200;
	[tilespmem:s21+$0x7E00] =	vst v6  }
0xa0: {  	s0 =	simm.s32 $0x200;
	s21 =	simm.s32 $0x7E00;
	[bflag:$0x0] =	sbarrier.arrive $0xFFFF  }
.LBB2_10:
0xa1: {  	[spmem:s2] =	stream.indirect.scatter.add.f32 [tilespmem:s21], [sflag:$0x1], $0x1, s29, s23, $0xb8;
	[tilespmem:$0x1C700] =	vst v63  }
0xa2: {  	s1 =	smov.u32 s0;
	p0 =	sne.s32 s0, $0xA200  }
.Ltmp4:
0xa3: {  	s0 =	sadd.s32 $0x200, s0;
	(pc) =	sbr.rel @p0 .LBB2_10-.Ltmp4, $3  }
0xa4: {  	_ =	sdelay $0x1  }
0xa5: {  	s1 =	sshra.s32 s1, $0x2  }
0xa6: {  	s21 =	sadd.s32 $0x7E00, s1;
	s29 =	sadd.s32 $0x5200, s1  }
0xa7: {  	[spmem:s2] =	stream.indirect.scatter.add.f32 [tilespmem:s21], [sflag:$0x1], $0x1, s29, s23, $0xb8;
	[tilespmem:$0x1C700] =	vst v63  }
0xa8: {  	_ =	swait.ge [sflag:s24], $0x2900  }
0xa9: {  	[sflag:s24] =	ssyncset.done $0x0  }
0xaa: {  	[sflag:s24] =	ssyncadd.s32 $0xFFFFD700  }
0xab: {  	[bflag:$0x0] =	sbarrier.arrive $0xFFFF  }
0xac: {  	[hbm:s16], [sflag:s26] =	dma.local [spmem:s28], $0x2000  }
0xad: {  	_ =	swait.ge [sflag:s20], $0x2000  }
0xae: {  	[sflag:s20] =	ssyncset.done $0x0  }
0xaf: {  	[sflag:s20] =	ssyncadd.s32 $0xFFFFE000  }
0xb0: {  	[spmem:s7] =	stream.linear.scatter [tilespmem:s22], [sflag:$0x2], $0x2000, $0x38;
	[tilespmem:$0x1C700] =	vst v63  }
0xb1: {  	_ =	swait.ge [sflag:s20], $0x2000  }
0xb2: {  	[sflag:s20] =	ssyncset.done $0x0  }
0xb3: {  	[sflag:s20] =	ssyncadd.s32 $0xFFFFE000  }
0xb4: {  	[spmem:s8] =	stream.linear.scatter [tilespmem:s22], [sflag:$0x2], $0x2000, $0x38;
	[tilespmem:$0x1C700] =	vst v63  }
0xb5: {  	_ =	swait.ge [sflag:s20], $0x2000  }
0xb6: {  	[sflag:s20] =	ssyncset.done $0x0  }
0xb7: {  	[sflag:s20] =	ssyncadd.s32 $0xFFFFE000  }
0xb8: {  	[spmem:s9] =	stream.linear.scatter [tilespmem:s22], [sflag:$0x2], $0x2000, $0x38;
	[tilespmem:$0x1C700] =	vst v63  }
0xb9: {  	_ =	swait.ge [sflag:s20], $0x2000  }
0xba: {  	[sflag:s20] =	ssyncset.done $0x0  }
0xbb: {  	[sflag:s20] =	ssyncadd.s32 $0xFFFFE000  }
0xbc: {  	[spmem:s10] =	stream.linear.scatter [tilespmem:s22], [sflag:$0x2], $0x2000, $0x38;
	[tilespmem:$0x1C700] =	vst v63  }
0xbd: {  	_ =	swait.ge [sflag:s20], $0x2000  }
0xbe: {  	[sflag:s20] =	ssyncset.done $0x0  }
0xbf: {  	[sflag:s20] =	ssyncadd.s32 $0xFFFFE000  }
0xc0: {  	[spmem:s11] =	stream.linear.scatter [tilespmem:s22], [sflag:$0x2], $0x2000, $0x38;
	[tilespmem:$0x1C700] =	vst v63  }
0xc1: {  	_ =	swait.ge [sflag:s20], $0x2000  }
0xc2: {  	[sflag:s20] =	ssyncset.done $0x0  }
0xc3: {  	[sflag:s20] =	ssyncadd.s32 $0xFFFFE000  }
0xc4: {  	[spmem:s12] =	stream.linear.scatter [tilespmem:s22], [sflag:$0x2], $0x2000, $0x38;
	[tilespmem:$0x1C700] =	vst v63  }
0xc5: {  	_ =	swait.ge [sflag:s20], $0x2000  }
0xc6: {  	[sflag:s20] =	ssyncset.done $0x0  }
0xc7: {  	[sflag:s20] =	ssyncadd.s32 $0xFFFFE000  }
0xc8: {  	[spmem:s13] =	stream.linear.scatter [tilespmem:s22], [sflag:$0x2], $0x2000, $0x38;
	[tilespmem:$0x1C700] =	vst v63  }
0xc9: {  	_ =	swait.ge [sflag:s20], $0x2000  }
0xca: {  	[sflag:s20] =	ssyncset.done $0x0  }
0xcb: {  	[sflag:s20] =	ssyncadd.s32 $0xFFFFE000  }
0xcc: {  	[spmem:s14] =	stream.linear.scatter [tilespmem:s22], [sflag:$0x2], $0x2000, $0x38;
	[tilespmem:$0x1C700] =	vst v63  }
0xcd: {  	_ =	swait.ge [sflag:s20], $0x2000  }
0xce: {  	[sflag:s20] =	ssyncset.done $0x0  }
0xcf: {  	s30 =	simm.s32 $0x0;
	[sflag:s20] =	ssyncadd.s32 $0xFFFFE000  }
0xd0: {  	v6 =	vld [tilespmem:s30+$0x0];
	_ =	sdelay $0x2  }
0xd1: {  	v7 =	vld [tilespmem:s30+$0x2900]  }
0xd2: {  	s29 =	simm.s32 $0x0  }
0xd3: {  	s0 =	sadd.s32 $0x0, s4;
	s1 =	sand.u32 $0xFE00, s29;
	v6 =	vsub.s32 v6, v2  }
0xd4: {  	v8 =	vor.u32 s0, v5;
	s21 =	sand.u32 $0x70, s29;
	s1 =	sshrl.u32 s1, $0x2;
	vm0 =	vlt.u32 v6, $0x100000  }
0xd5: {  	s1 =	sor.u32 s21, s1;
	v6 =	vsel vm0, v6, v8  }
0xd6: {  	s31 =	simm.s32 $0x40;
	s0 =	simm.s32 $0x80;
	s21 =	simm.s32 $0x10;
	[tilespmem:s1+$0x5200] =	vst v6;
	v6 =	vnsel vm0, $0x0, v7  }
.LBB2_12:
0xd7: {  	p0 =	sne.s32 s0, $0xA3C0;
	s29 =	sadd.s32 $0x10, s29  }
0xd8: {  	v7 =	vld [tilespmem:s21+$0x0];
	[tilespmem:s30+$0x7E00] =	vst v6;
	s1 =	smov.u32 s0;
	s0 =	sadd.s32 $0x40, s0;
	s30 =	smov.u32 s21  }
0xd9: {  	_ =	sdelay $0x1  }
0xda: {  	v6 =	vld [tilespmem:s30+$0x2900]  }
.Ltmp5:
0xdb: {  	(pc) =	sbr.rel @p0 .LBB2_12-.Ltmp5, $4  }
0xdc: {  	s21 =	sand.u32 $0xFE00, s31;
	s3 =	sadd.s32 s29, s4;
	s31 =	smov.u32 s1;
	v7 =	vsub.s32 v7, v2  }
0xdd: {  	s1 =	sand.u32 $0x70, s29;
	v8 =	vor.u32 s3, v5;
	s3 =	sshrl.u32 s21, $0x2;
	vm0 =	vlt.u32 v7, $0x100000  }
0xde: {  	s1 =	sor.u32 s1, s3;
	v7 =	vsel vm0, v7, v8  }
0xdf: {  	s21 =	sshra.s32 s31, $0x2;
	[tilespmem:s1+$0x5200] =	vst v7;
	v6 =	vnsel vm0, $0x0, v6  }
0xe0: {  	v7 =	vld [tilespmem:s21+$0x0];
	_ =	sdelay $0x1  }
0xe1: {  	[tilespmem:s30+$0x7E00] =	vst v6  }
0xe2: {  	v6 =	vld [tilespmem:s21+$0x2900]  }
0xe3: {  	s0 =	sadd.s32 $0x10, s29  }
0xe4: {  	s3 =	sand.u32 $0xFE00, s31;
	s1 =	sadd.s32 s0, s4;
	v7 =	vsub.s32 v7, v2  }
0xe5: {  	s0 =	sand.u32 $0x70, s0;
	s31 =	sshrl.u32 s3, $0x2;
	v8 =	vor.u32 s1, v5;
	vm0 =	vlt.u32 v7, $0x100000  }
0xe6: {  	s0 =	sor.u32 s0, s31;
	v7 =	vsel vm0, v7, v8  }
0xe7: {  	v6 =	vnsel vm0, $0x0, v6;
	[tilespmem:s0+$0x5200] =	vst v7  }
0xe8: {  	s29 =	simm.s32 $0x5200;
	[tilespmem:s21+$0x7E00] =	vst v6  }
0xe9: {  	s0 =	simm.s32 $0x200;
	s21 =	simm.s32 $0x7E00;
	[bflag:$0x0] =	sbarrier.arrive $0xFFFF  }
.LBB2_14:
0xea: {  	[spmem:s2] =	stream.indirect.scatter.add.f32 [tilespmem:s21], [sflag:$0x1], $0x1, s29, s23, $0xb8;
	[tilespmem:$0x1C700] =	vst v63  }
0xeb: {  	s1 =	smov.u32 s0;
	p0 =	sne.s32 s0, $0xA200  }
.Ltmp6:
0xec: {  	s0 =	sadd.s32 $0x200, s0;
	(pc) =	sbr.rel @p0 .LBB2_14-.Ltmp6, $3  }
0xed: {  	_ =	sdelay $0x1  }
0xee: {  	s1 =	sshra.s32 s1, $0x2  }
0xef: {  	s21 =	sadd.s32 $0x7E00, s1;
	s29 =	sadd.s32 $0x5200, s1  }
0xf0: {  	[spmem:s2] =	stream.indirect.scatter.add.f32 [tilespmem:s21], [sflag:$0x1], $0x1, s29, s23, $0xb8;
	[tilespmem:$0x1C700] =	vst v63  }
0xf1: {  	_ =	swait.ge [sflag:s24], $0x2900  }
0xf2: {  	[sflag:s24] =	ssyncset.done $0x0  }
0xf3: {  	[sflag:s24] =	ssyncadd.s32 $0xFFFFD700  }
0xf4: {  	[bflag:$0x0] =	sbarrier.arrive $0xFFFF  }
0xf5: {  	[hbm:s17], [sflag:s26] =	dma.local [spmem:s28], $0x2000  }
0xf6: {  	_ =	swait.ge [sflag:s20], $0x2000  }
0xf7: {  	[sflag:s20] =	ssyncset.done $0x0  }
0xf8: {  	[sflag:s20] =	ssyncadd.s32 $0xFFFFE000  }
0xf9: {  	[spmem:s7] =	stream.linear.scatter [tilespmem:s22], [sflag:$0x2], $0x2000, $0x38;
	[tilespmem:$0x1C700] =	vst v63  }
0xfa: {  	_ =	swait.ge [sflag:s20], $0x2000  }
0xfb: {  	[sflag:s20] =	ssyncset.done $0x0  }
0xfc: {  	[sflag:s20] =	ssyncadd.s32 $0xFFFFE000  }
0xfd: {  	[spmem:s8] =	stream.linear.scatter [tilespmem:s22], [sflag:$0x2], $0x2000, $0x38;
	[tilespmem:$0x1C700] =	vst v63  }
0xfe: {  	_ =	swait.ge [sflag:s20], $0x2000  }
0xff: {  	[sflag:s20] =	ssyncset.done $0x0  }
0x100: {  	[sflag:s20] =	ssyncadd.s32 $0xFFFFE000  }
0x101: {  	[spmem:s9] =	stream.linear.scatter [tilespmem:s22], [sflag:$0x2], $0x2000, $0x38;
	[tilespmem:$0x1C700] =	vst v63  }
0x102: {  	_ =	swait.ge [sflag:s20], $0x2000  }
0x103: {  	[sflag:s20] =	ssyncset.done $0x0  }
0x104: {  	[sflag:s20] =	ssyncadd.s32 $0xFFFFE000  }
0x105: {  	[spmem:s10] =	stream.linear.scatter [tilespmem:s22], [sflag:$0x2], $0x2000, $0x38;
	[tilespmem:$0x1C700] =	vst v63  }
0x106: {  	_ =	swait.ge [sflag:s20], $0x2000  }
0x107: {  	[sflag:s20] =	ssyncset.done $0x0  }
0x108: {  	[sflag:s20] =	ssyncadd.s32 $0xFFFFE000  }
0x109: {  	[spmem:s11] =	stream.linear.scatter [tilespmem:s22], [sflag:$0x2], $0x2000, $0x38;
	[tilespmem:$0x1C700] =	vst v63  }
0x10a: {  	_ =	swait.ge [sflag:s20], $0x2000  }
0x10b: {  	[sflag:s20] =	ssyncset.done $0x0  }
0x10c: {  	[sflag:s20] =	ssyncadd.s32 $0xFFFFE000  }
0x10d: {  	[spmem:s12] =	stream.linear.scatter [tilespmem:s22], [sflag:$0x2], $0x2000, $0x38;
	[tilespmem:$0x1C700] =	vst v63  }
0x10e: {  	_ =	swait.ge [sflag:s20], $0x2000  }
0x10f: {  	[sflag:s20] =	ssyncset.done $0x0  }
0x110: {  	[sflag:s20] =	ssyncadd.s32 $0xFFFFE000  }
0x111: {  	[spmem:s13] =	stream.linear.scatter [tilespmem:s22], [sflag:$0x2], $0x2000, $0x38;
	[tilespmem:$0x1C700] =	vst v63  }
0x112: {  	_ =	swait.ge [sflag:s20], $0x2000  }
0x113: {  	[sflag:s20] =	ssyncset.done $0x0  }
0x114: {  	[sflag:s20] =	ssyncadd.s32 $0xFFFFE000  }
0x115: {  	[spmem:s14] =	stream.linear.scatter [tilespmem:s22], [sflag:$0x2], $0x2000, $0x38;
	[tilespmem:$0x1C700] =	vst v63  }
0x116: {  	_ =	swait.ge [sflag:s20], $0x2000  }
0x117: {  	[sflag:s20] =	ssyncset.done $0x0  }
0x118: {  	s30 =	simm.s32 $0x0;
	[sflag:s20] =	ssyncadd.s32 $0xFFFFE000  }
0x119: {  	v6 =	vld [tilespmem:s30+$0x0];
	_ =	sdelay $0x2  }
0x11a: {  	v7 =	vld [tilespmem:s30+$0x2900]  }
0x11b: {  	s29 =	simm.s32 $0x0  }
0x11c: {  	s0 =	sadd.s32 $0x0, s4;
	s1 =	sand.u32 $0xFE00, s29;
	v6 =	vsub.s32 v6, v3  }
0x11d: {  	v8 =	vor.u32 s0, v5;
	s21 =	sand.u32 $0x70, s29;
	s1 =	sshrl.u32 s1, $0x2;
	vm0 =	vlt.u32 v6, $0x100000  }
0x11e: {  	s1 =	sor.u32 s21, s1;
	v6 =	vsel vm0, v6, v8  }
0x11f: {  	s31 =	simm.s32 $0x40;
	s0 =	simm.s32 $0x80;
	s21 =	simm.s32 $0x10;
	[tilespmem:s1+$0x5200] =	vst v6;
	v6 =	vnsel vm0, $0x0, v7  }
.LBB2_16:
0x120: {  	p0 =	sne.s32 s0, $0xA3C0;
	s29 =	sadd.s32 $0x10, s29  }
0x121: {  	v7 =	vld [tilespmem:s21+$0x0];
	[tilespmem:s30+$0x7E00] =	vst v6;
	s1 =	smov.u32 s0;
	s0 =	sadd.s32 $0x40, s0;
	s30 =	smov.u32 s21  }
0x122: {  	_ =	sdelay $0x1  }
0x123: {  	v6 =	vld [tilespmem:s30+$0x2900]  }
.Ltmp7:
0x124: {  	(pc) =	sbr.rel @p0 .LBB2_16-.Ltmp7, $4  }
0x125: {  	s21 =	sand.u32 $0xFE00, s31;
	s3 =	sadd.s32 s29, s4;
	s31 =	smov.u32 s1;
	v7 =	vsub.s32 v7, v3  }
0x126: {  	s1 =	sand.u32 $0x70, s29;
	v8 =	vor.u32 s3, v5;
	s3 =	sshrl.u32 s21, $0x2;
	vm0 =	vlt.u32 v7, $0x100000  }
0x127: {  	s1 =	sor.u32 s1, s3;
	v7 =	vsel vm0, v7, v8  }
0x128: {  	s21 =	sshra.s32 s31, $0x2;
	[tilespmem:s1+$0x5200] =	vst v7;
	v6 =	vnsel vm0, $0x0, v6  }
0x129: {  	v7 =	vld [tilespmem:s21+$0x0];
	_ =	sdelay $0x1  }
0x12a: {  	[tilespmem:s30+$0x7E00] =	vst v6  }
0x12b: {  	v6 =	vld [tilespmem:s21+$0x2900]  }
0x12c: {  	s0 =	sadd.s32 $0x10, s29  }
0x12d: {  	s3 =	sand.u32 $0xFE00, s31;
	s1 =	sadd.s32 s0, s4;
	v7 =	vsub.s32 v7, v3  }
0x12e: {  	s0 =	sand.u32 $0x70, s0;
	s31 =	sshrl.u32 s3, $0x2;
	v8 =	vor.u32 s1, v5;
	vm0 =	vlt.u32 v7, $0x100000  }
0x12f: {  	s0 =	sor.u32 s0, s31;
	v7 =	vsel vm0, v7, v8  }
0x130: {  	v6 =	vnsel vm0, $0x0, v6;
	[tilespmem:s0+$0x5200] =	vst v7  }
0x131: {  	s29 =	simm.s32 $0x5200;
	[tilespmem:s21+$0x7E00] =	vst v6  }
0x132: {  	s0 =	simm.s32 $0x200;
	s21 =	simm.s32 $0x7E00;
	[bflag:$0x0] =	sbarrier.arrive $0xFFFF  }
.LBB2_18:
0x133: {  	[spmem:s2] =	stream.indirect.scatter.add.f32 [tilespmem:s21], [sflag:$0x1], $0x1, s29, s23, $0xb8;
	[tilespmem:$0x1C700] =	vst v63  }
0x134: {  	s1 =	smov.u32 s0;
	p0 =	sne.s32 s0, $0xA200  }
.Ltmp8:
0x135: {  	s0 =	sadd.s32 $0x200, s0;
	(pc) =	sbr.rel @p0 .LBB2_18-.Ltmp8, $3  }
0x136: {  	_ =	sdelay $0x1  }
0x137: {  	s1 =	sshra.s32 s1, $0x2  }
0x138: {  	s21 =	sadd.s32 $0x7E00, s1;
	s29 =	sadd.s32 $0x5200, s1  }
0x139: {  	[spmem:s2] =	stream.indirect.scatter.add.f32 [tilespmem:s21], [sflag:$0x1], $0x1, s29, s23, $0xb8;
	[tilespmem:$0x1C700] =	vst v63  }
0x13a: {  	_ =	swait.ge [sflag:s24], $0x2900  }
0x13b: {  	s25 =	sadd.s32 $0x1, s25;
	[sflag:s24] =	ssyncset.done $0x0  }
0x13c: {  	p0 =	sne.s32 s25, s19;
	[sflag:s24] =	ssyncadd.s32 $0xFFFFD700  }
.Ltmp9:
0x13d: {  	[bflag:$0x0] =	sbarrier.arrive $0xFFFF;
	(pc) =	sbr.rel @p0 .LBB2_1-.Ltmp9, $4  }
0x13e: {  	[hbm:s18], [sflag:s26] =	dma.local [spmem:s28], $0x2000  }
0x13f: {  	_ =	swait.ge [sflag:s20], $0x2000  }
0x140: {  	[sflag:s20] =	ssyncset.done $0x0  }
0x141: {  	[sflag:s20] =	ssyncadd.s32 $0xFFFFE000  }
0x142: {  	_ =	sfence.sel $0x180000  }
0x143: {  	[bflag:$0x0] =	sbarrier.arrive $0xFFFF  }
0x144: {  	_ =	strace $0x9000004D  }
0x145: {  	s0 =	stileid.u32;
	[bflag:$0x2] =	sbarrier.arrive $0xFFFF  }
0x146: {  	p0 =	sne.s32 s0, $0x0;
	s0 =	rddreg [dreg:$0x2]  }
0x147: {  	s0 =	sadd.s32 @!p0 $0x100000, s0  }
0x148: {  	[sflag:s0] =	ssyncadd.tile.s32 @!p0 $0x1;
	_ =	shalt  }
.Lfunc_end2:
_tile_overlayer_lowered:
.L_overlay_start_2:
0x149: {  	(tag) =	ssettag $0x2  }
0x14a: {  	s0 =	rddreg [dreg:$0x0];
	s2 =	stileid.u32  }
0x14b: {  	s1 =	rddreg [dreg:$0x1];
	p0 =	sne.s32 s2, $0x0  }
0x14c: {  	s3 =	rddreg [dreg:$0x2];
	[bflag:$0x3] =	sbarrier.arrive $0xFFFF;
	s2 =	simm.s32 @!p0 $0x1C02  }
0x14d: {  	[timem:s3], [sflag:s2] =	dma.local @!p0 [hbm:s0], s1  }
0x14e: {  	s0 =	simm.s32 @!p0 $0x2  }
0x14f: {  	_ =	swait.ge @!p0 [sflag:s0], s1  }
0x150: {  	s1 =	ssub.s32 @!p0 $0x0, s1;
	[sflag:s0] =	ssyncset.done @!p0 $0x0  }
0x151: {  	[sflag:s0] =	ssyncadd.s32 @!p0 s1  }
0x152: {  	[bflag:$0x3] =	sbarrier.arrive $0xFFFF  }
0x153: {  	_ =	shalt  }

</sc_bundles>
